<compile_context>
chip_gen: v7x
topology: tpu7x:2x2x1
jax: 0.10.2.dev20260603
libtpu: 0.0.44.dev20260713+nightly
codegen_flags: <defaults>
</compile_context>

<pallas_src>
import functools

import jax
import jax.numpy as jnp
from jax import lax
from jax.experimental import pallas as pl
from jax.experimental.pallas import tpu as pltpu
from jax.experimental.pallas import tpu_sc as plsc

N = 10000
E = 320000
D = 128
NID = 2000

NC = 2
NS = 16
NW = NC * NS

CHUNK = 128
SUPW = 4
NSUP = 625
SUP_F = 20
SUP_S = 19
EXTRA_SUP = NSUP - NS * (SUP_F + SUP_S)
ACC_ROWS = N
ROWS_A = 624
ROWS_B = 632

NID_PAD = 2048
IDS_PER_TILE_G = NID_PAD // NW
IDS_PER_TILE_S = NID_PAD // NS

HALF = N // NC
STAGE_ROWS = 5120
SPT = STAGE_ROWS // NS
DUMP_E = 5050

_mesh = plsc.VectorSubcoreMesh(core_axis_name="c", subcore_axis_name="s")


@functools.partial(
    pl.kernel,
    mesh=_mesh,
    out_type=(
        jax.ShapeDtypeStruct((N, D), jnp.float32),
        jax.ShapeDtypeStruct((N, D), jnp.float32),
    ),
    scratch_types=[
        [pltpu.VMEM((SUPW, CHUNK), jnp.int32) for _ in range(2)],
        [pltpu.VMEM((SUPW, CHUNK), jnp.int32) for _ in range(2)],
        [pltpu.VMEM((CHUNK, D), jnp.float32) for _ in range(2)],
        [pltpu.SemaphoreType.DMA for _ in range(2)],
        [pltpu.SemaphoreType.DMA for _ in range(2)],
        [pltpu.SemaphoreType.DMA for _ in range(2)],
        pltpu.VMEM_SHARED((ACC_ROWS, D), jnp.float32),
    ],
)
def _aggregate(x_hbm, edges_hbm, zeros_hbm, p0_hbm, p1_hbm,
               srcs, dsts, bufs, isems, gsems, ssems, acc):
    c = lax.axis_index("c")
    s = lax.axis_index("s")

    row0 = jnp.minimum(s, 14) * ROWS_A + jnp.maximum(s - 14, 0) * ROWS_B

    @pl.when(s < 14)
    def _():
        pltpu.sync_copy(zeros_hbm.at[pl.ds(0, ROWS_A)],
                        acc.at[pl.ds(row0, ROWS_A)])

    @pl.when(s >= 14)
    def _():
        pltpu.sync_copy(zeros_hbm, acc.at[pl.ds(row0, ROWS_B)])

    plsc.subcore_barrier()

    sup0 = jnp.where(c == 0, SUP_F * s, NS * SUP_F + SUP_S * s)
    nsup = jnp.where(c == 0, SUP_F, SUP_S)

    def _idx(S, i):
        pltpu.async_copy(edges_hbm.at[1, sup0 + S], srcs[i], isems[i])
        pltpu.async_copy(edges_hbm.at[0, sup0 + S], dsts[i], isems[i])

    def _idx_wait(S, i):
        pltpu.make_async_copy(edges_hbm.at[1, sup0 + S], srcs[i],
                              isems[i]).wait()
        pltpu.make_async_copy(edges_hbm.at[0, sup0 + S], dsts[i],
                              isems[i]).wait()

    def _gather(i, m):
        pltpu.async_copy(x_hbm.at[srcs[i].at[m]], bufs[m % 2], gsems[m % 2])

    def _gather_wait(i, m):
        pltpu.make_async_copy(x_hbm.at[srcs[i].at[m]], bufs[m % 2],
                              gsems[m % 2]).wait()

    def _scatter(i, m):
        pltpu.async_copy(bufs[m % 2], acc.at[dsts[i].at[m]], ssems[m % 2],
                         add=True)

    def _scatter_wait(i, m):
        pltpu.make_async_copy(bufs[m % 2], acc.at[dsts[i].at[m]],
                              ssems[m % 2]).wait()

    _idx(0, 0)

    def _super_ops(S, i):
        i1 = 1 - i
        _idx_wait(S, i)

        @pl.when(S > 0)
        def _():
            _scatter_wait(i1, 2)

        _gather(i, 0)

        @pl.when(S > 0)
        def _():
            _scatter_wait(i1, 3)

        _gather(i, 1)

        @pl.when(S + 1 < nsup)
        def _():
            _idx(S + 1, i1)

        _gather_wait(i, 0)
        _scatter(i, 0)
        _gather_wait(i, 1)
        _scatter(i, 1)
        _scatter_wait(i, 0)
        _gather(i, 2)
        _scatter_wait(i, 1)
        _gather(i, 3)
        _gather_wait(i, 2)
        _scatter(i, 2)
        _gather_wait(i, 3)
        _scatter(i, 3)

    def _super(S, carry):
        par = lax.rem(S, 2)

        @pl.when(par == 0)
        def _():
            _super_ops(S, 0)

        @pl.when(par == 1)
        def _():
            _super_ops(S, 1)

        return carry

    lax.fori_loop(0, nsup, _super, 0)
    _scatter_wait(0, 2)
    _scatter_wait(0, 3)

    @pl.when((c == 1) & (s == 0))
    def _():
        pltpu.sync_copy(edges_hbm.at[1, NSUP - 1], srcs[0])
        pltpu.sync_copy(edges_hbm.at[0, NSUP - 1], dsts[0])
        for m in range(SUPW):
            pltpu.sync_copy(x_hbm.at[srcs[0].at[m]], bufs[m % 2])
            pltpu.sync_copy(bufs[m % 2], acc.at[dsts[0].at[m]], add=True)

    plsc.subcore_barrier()

    for core, dest in ((0, p0_hbm), (1, p1_hbm)):
        for cond, nr in ((s < 14, ROWS_A), (s >= 14, ROWS_B)):
            @pl.when((c == core) & cond)
            def _(dest=dest, nr=nr):
                pltpu.sync_copy(acc.at[pl.ds(row0, nr)],
                                dest.at[pl.ds(row0, nr)])


@functools.partial(
    pl.kernel,
    mesh=_mesh,
    out_type=jax.ShapeDtypeStruct((NID_PAD, D), jnp.float32),
    scratch_types=[
        pltpu.VMEM((IDS_PER_TILE_G,), jnp.int32),
        pltpu.VMEM((IDS_PER_TILE_G, D), jnp.float32),
        pltpu.VMEM((IDS_PER_TILE_G, D), jnp.float32),
        pltpu.VMEM((IDS_PER_TILE_G, D), jnp.float32),
        pltpu.SemaphoreType.DMA,
    ],
)
def _id_gather(x_hbm, p0_hbm, p1_hbm, idg_hbm, hidin_hbm,
               idxv, bx, b0, b1, sem):
    c = lax.axis_index("c")
    s = lax.axis_index("s")
    wid = c * NS + s
    pltpu.sync_copy(idg_hbm.at[wid], idxv)
    cpx = pltpu.async_copy(x_hbm.at[idxv], bx, sem)
    cp0 = pltpu.async_copy(p0_hbm.at[idxv], b0, sem)
    cp1 = pltpu.async_copy(p1_hbm.at[idxv], b1, sem)
    cpx.wait()
    cp0.wait()
    cp1.wait()

    def _row(i, carry):
        for j in range(D // 16):
            sl = (i, pl.ds(j * 16, 16))
            bx[sl] = bx[sl] + b0[sl] + b1[sl]
        return carry

    lax.fori_loop(0, IDS_PER_TILE_G, _row, 0)
    pltpu.sync_copy(
        bx, hidin_hbm.at[pl.ds(wid * IDS_PER_TILE_G, IDS_PER_TILE_G)])


@functools.partial(
    pl.kernel,
    mesh=_mesh,
    out_type=jax.ShapeDtypeStruct((N, D), jnp.float32),
    scratch_types=[
        pltpu.VMEM((IDS_PER_TILE_S,), jnp.int32),
        pltpu.VMEM((IDS_PER_TILE_S,), jnp.int32),
        pltpu.VMEM((IDS_PER_TILE_S, D), jnp.float32),
        pltpu.VMEM_SHARED((STAGE_ROWS, D), jnp.float32),
    ],
)
def _combine(outm_hbm, hid_hbm, ids_hbm, out_hbm, idxv, idx2v, hbuf, stage):
    c = lax.axis_index("c")
    s = lax.axis_index("s")
    base = c * HALF

    @pl.when(s < NS - 1)
    def _():
        pltpu.sync_copy(outm_hbm.at[pl.ds(base + s * SPT, SPT)],
                        stage.at[pl.ds(s * SPT, SPT)])

    @pl.when(s == NS - 1)
    def _():
        pltpu.sync_copy(
            outm_hbm.at[pl.ds(base + (NS - 1) * SPT, HALF - (NS - 1) * SPT)],
            stage.at[pl.ds((NS - 1) * SPT, HALF - (NS - 1) * SPT)])
    pltpu.sync_copy(ids_hbm.at[s], idxv)
    pltpu.sync_copy(hid_hbm.at[pl.ds(s * IDS_PER_TILE_S, IDS_PER_TILE_S)],
                    hbuf)

    def _tr(i, carry):
        v = idxv[pl.ds(i * 16, 16)]
        t = v - base
        ok = (t >= 0) & (t < HALF)
        idx2v[pl.ds(i * 16, 16)] = jnp.where(ok, t, DUMP_E)
        return carry

    lax.fori_loop(0, IDS_PER_TILE_S // 16, _tr, 0)

    plsc.subcore_barrier()
    pltpu.sync_copy(hbuf, stage.at[idx2v], add=True)
    plsc.subcore_barrier()

    @pl.when(s < NS - 1)
    def _():
        pltpu.sync_copy(stage.at[pl.ds(s * SPT, SPT)],
                        out_hbm.at[pl.ds(base + s * SPT, SPT)])

    @pl.when(s == NS - 1)
    def _():
        pltpu.sync_copy(stage.at[pl.ds((NS - 1) * SPT, HALF - (NS - 1) * SPT)],
                        out_hbm.at[pl.ds(base + (NS - 1) * SPT,
                                         HALF - (NS - 1) * SPT)])


def _main_mlp_body(x_ref, p0_ref, p1_ref, w1_ref, b1_ref, w2_ref, b2_ref,
                   o_ref):
    h = x_ref[...] + p0_ref[...] + p1_ref[...]
    a = jnp.dot(h, w1_ref[...], preferred_element_type=jnp.float32)
    a = jnp.maximum(a + b1_ref[...], 0.0)
    o_ref[...] = (jnp.dot(a, w2_ref[...], preferred_element_type=jnp.float32)
                  + b2_ref[...])


def _id_mlp_body(h_ref, w1_ref, b1_ref, w2_ref, b2_ref, o_ref):
    a = jnp.dot(h_ref[...], w1_ref[...], preferred_element_type=jnp.float32)
    a = jnp.maximum(a + b1_ref[...], 0.0)
    o_ref[...] = (jnp.dot(a, w2_ref[...], preferred_element_type=jnp.float32)
                  + b2_ref[...])


_MB = 2000


def _main_mlp(x, p0, p1, W1, b1, W2, b2):
    wspec = pl.BlockSpec((D, D), lambda i: (0, 0))
    bspec = pl.BlockSpec((1, D), lambda i: (0, 0))
    rspec = pl.BlockSpec((_MB, D), lambda i: (i, 0))
    return pl.pallas_call(
        _main_mlp_body,
        grid=(N // _MB,),
        in_specs=[rspec, rspec, rspec, wspec, bspec, wspec, bspec],
        out_specs=rspec,
        out_shape=jax.ShapeDtypeStruct((N, D), jnp.float32),
    )(x, p0, p1, W1, b1.reshape(1, D), W2, b2.reshape(1, D))


_IB = 2048


def _id_mlp(hid_in, Wi1, bi1, Wi2, bi2):
    wspec = pl.BlockSpec((D, D), lambda i: (0, 0))
    bspec = pl.BlockSpec((1, D), lambda i: (0, 0))
    rspec = pl.BlockSpec((_IB, D), lambda i: (i, 0))
    return pl.pallas_call(
        _id_mlp_body,
        grid=(NID_PAD // _IB,),
        in_specs=[rspec, wspec, bspec, wspec, bspec],
        out_specs=rspec,
        out_shape=jax.ShapeDtypeStruct((NID_PAD, D), jnp.float32),
    )(hid_in, Wi1, bi1.reshape(1, D), Wi2, bi2.reshape(1, D))


def kernel(x, edge_index, id_index, W1, b1, W2, b2, Wi1, bi1, Wi2, bi2):
    edges_p = edge_index.reshape(2, NSUP, SUPW, CHUNK)

    zeros_acc = jnp.zeros((ROWS_B, D), jnp.float32)
    p0, p1 = _aggregate(x, edges_p, zeros_acc)

    idg = jnp.concatenate(
        [id_index, jnp.zeros((NID_PAD - NID,), jnp.int32)]
    ).reshape(NW, IDS_PER_TILE_G)
    hid_in = _id_gather(x, p0, p1, idg)

    out_main = _main_mlp(x, p0, p1, W1, b1, W2, b2)
    hid = _id_mlp(hid_in, Wi1, bi1, Wi2, bi2)

    ids_s = jnp.concatenate(
        [id_index, jnp.full((NID_PAD - NID,), N, jnp.int32)]
    ).reshape(NS, IDS_PER_TILE_S)
    return _combine(out_main, hid, ids_s)

# --- scband reference (transcript-rebuilt; emitter-appended) ---
"""Pipeline reference for scband-idgin-73882027425872 (READ-ONLY COPY).

The authoritative reference and input builder live on the scoring server;
editing this copy changes nothing except your own understanding.
"""

import jax, jax.numpy as jnp
import numpy as np

N = 10000
E = 320000
D = 128
NID = 2000
EPS = 0.0


def setup_inputs(seed: int = 0) -> dict:
    key = jax.random.key(seed)
    ks = jax.random.split(key, 12)
    x = jax.random.normal(ks[0], (N, D), dtype=jnp.float32)
    edge_index = jax.random.randint(ks[1], (2, E), 0, N, dtype=jnp.int32)
    id_index = jax.random.randint(ks[2], (NID,), 0, N, dtype=jnp.int32)
    s = 1.0 / np.sqrt(D)
    W1 = jax.random.normal(ks[3], (D, D), dtype=jnp.float32) * s
    b1 = jnp.zeros((D,), dtype=jnp.float32)
    W2 = jax.random.normal(ks[4], (D, D), dtype=jnp.float32) * s
    b2 = jnp.zeros((D,), dtype=jnp.float32)
    Wi1 = jax.random.normal(ks[5], (D, D), dtype=jnp.float32) * s
    bi1 = jnp.zeros((D,), dtype=jnp.float32)
    Wi2 = jax.random.normal(ks[6], (D, D), dtype=jnp.float32) * s
    bi2 = jnp.zeros((D,), dtype=jnp.float32)
    return {"x": x, "edge_index": edge_index, "id_index": id_index,
            "W1": W1, "b1": b1, "W2": W2, "b2": b2,
            "Wi1": Wi1, "bi1": bi1, "Wi2": Wi2, "bi2": bi2}


def reference(x, edge_index, id_index, W1, b1, W2, b2, Wi1, bi1, Wi2, bi2):
    # sparse_adj @ x : gather source node features (col index) and scatter-add to dst (row index)
    src_feats = jnp.take(x, edge_index[1], axis=0)
    neighbor_h = jax.ops.segment_sum(src_feats, edge_index[0], num_segments=N)
    h = x * (1.0 + EPS) + neighbor_h
    # identity-branch MLP on gathered id nodes
    h_id = jnp.take(h, id_index, axis=0)
    h_id = jnp.maximum(h_id @ Wi1 + bi1, 0.0) @ Wi2 + bi2
    # main MLP on all nodes
    h = jnp.maximum(h @ W1 + b1, 0.0) @ W2 + b2
    # tensor_scatter_nd_add of id branch back into h
    h = h.at[id_index].add(h_id)
    return h

if __name__ == "__main__":
    import jax
    _d = setup_inputs()
    print(jax.jit(kernel)(*tuple(_d.values())))

</pallas_src>

<mosaic_0001>
#map = affine_map<(d0, d1) -> (0, 0)>
module attributes {stable_mosaic.version = 14 : i64} {
  func.func @_combine(%arg0: i32, %arg1: i32, %arg2: memref<10000x128xf32, #tpu.memory_space<hbm>>, %arg3: memref<2048x128xf32, #tpu.memory_space<hbm>>, %arg4: memref<16x128xi32, #tpu.memory_space<hbm>>, %arg5: memref<10000x128xf32, #tpu.memory_space<hbm>>, %arg6: memref<128xi32, #tpu.memory_space<vmem>>, %arg7: memref<128xi32, #tpu.memory_space<vmem>>, %arg8: memref<128x128xf32, #tpu.memory_space<vmem>>, %arg9: memref<5120x128xf32, #tpu.memory_space<vmem_shared>>) attributes {dimension_semantics = [#tpu.dimension_semantics<core_parallel>, #tpu.dimension_semantics<subcore_parallel>], iteration_bounds = array<i64: 2, 16>, scalar_prefetch = 0 : i64, scratch_operands = 4 : i64, tpu.core_type = #tpu.core_type<sc_vector_subcore>, window_params = [{transform_indices = #map}, {transform_indices = #map}, {transform_indices = #map}, {transform_indices = #map}]} {
    %mul3A = arith.constant 5000 : i32
    %mul3A_0 = arith.muli %arg0, %mul3A : i32
    %lt3A = arith.constant 15 : i32
    %lt3A_1 = arith.cmpi slt, %arg1, %lt3A : i32
    %convert_element_type3A = arith.extui %lt3A_1 : i1 to i32
    %cond3A = arith.constant 0 : i32
    %cond3A_2 = arith.cmpi ne, %convert_element_type3A, %cond3A : i32
    scf.if %cond3A_2 {
      %mul3A_25 = arith.constant 320 : i32
      %mul3A_26 = arith.muli %arg1, %mul3A_25 : i32
      %add3A = arith.addi %mul3A_0, %mul3A_26 : i32
      %mul3A_27 = arith.constant 320 : i32
      %mul3A_28 = arith.muli %arg1, %mul3A_27 : i32
      "tpu.region"() ({
        %run_scoped3A = tpu.sem_alloc : memref<!tpu.dma_semaphore, #tpu.memory_space<semaphore_mem>>
        %dma_start3A = arith.constant 0 : i32
        %dma_start3A_29 = tpu.memref_slice %arg9[%mul3A_28, %dma_start3A] : memref<5120x128xf32, #tpu.memory_space<vmem_shared>> -> memref<320x128xf32, #tpu.memory_space<vmem_shared>>
        %dma_start3A_30 = arith.constant 0 : i32
        %dma_start3A_31 = tpu.memref_slice %arg2[%add3A, %dma_start3A_30] : memref<10000x128xf32, #tpu.memory_space<hbm>> -> memref<320x128xf32, #tpu.memory_space<hbm>>
        tpu.enqueue_dma source(%dma_start3A_31 : memref<320x128xf32, #tpu.memory_space<hbm>>) target(%dma_start3A_29 : memref<320x128xf32, #tpu.memory_space<vmem_shared>>) target_semaphore(%run_scoped3A : memref<!tpu.dma_semaphore, #tpu.memory_space<semaphore_mem>>)
        %dma_wait3A = arith.constant 0 : i32
        %dma_wait3A_32 = tpu.memref_slice %arg9[%mul3A_28, %dma_wait3A] : memref<5120x128xf32, #tpu.memory_space<vmem_shared>> -> memref<320x128xf32, #tpu.memory_space<vmem_shared>>
        %dma_wait3A_33 = arith.constant 0 : i32
        %dma_wait3A_34 = tpu.memref_slice %arg2[%add3A, %dma_wait3A_33] : memref<10000x128xf32, #tpu.memory_space<hbm>> -> memref<320x128xf32, #tpu.memory_space<hbm>>
        tpu.wait_dma2 semaphore(%run_scoped3A : memref<!tpu.dma_semaphore, #tpu.memory_space<semaphore_mem>>) src(%dma_wait3A_34 : memref<320x128xf32, #tpu.memory_space<hbm>>) dst(%dma_wait3A_32 : memref<320x128xf32, #tpu.memory_space<vmem_shared>>)
        tpu.yield
      }) : () -> ()
    } else {
    }
    %eq3A = arith.constant 15 : i32
    %eq3A_3 = arith.cmpi eq, %arg1, %eq3A : i32
    %convert_element_type3A_4 = arith.extui %eq3A_3 : i1 to i32
    %cond3A_5 = arith.constant 0 : i32
    %cond3A_6 = arith.cmpi ne, %convert_element_type3A_4, %cond3A_5 : i32
    scf.if %cond3A_6 {
      %add3A = arith.constant 4800 : i32
      %add3A_25 = arith.addi %mul3A_0, %add3A : i32
      "tpu.region"() ({
        %run_scoped3A = tpu.sem_alloc : memref<!tpu.dma_semaphore, #tpu.memory_space<semaphore_mem>>
        %dma_start3A = arith.constant 4800 : i32
        %dma_start3A_26 = arith.constant 0 : i32
        %dma_start3A_27 = tpu.memref_slice %arg9[%dma_start3A, %dma_start3A_26] : memref<5120x128xf32, #tpu.memory_space<vmem_shared>> -> memref<200x128xf32, #tpu.memory_space<vmem_shared>>
        %dma_start3A_28 = arith.constant 0 : i32
        %dma_start3A_29 = tpu.memref_slice %arg2[%add3A_25, %dma_start3A_28] : memref<10000x128xf32, #tpu.memory_space<hbm>> -> memref<200x128xf32, #tpu.memory_space<hbm>>
        tpu.enqueue_dma source(%dma_start3A_29 : memref<200x128xf32, #tpu.memory_space<hbm>>) target(%dma_start3A_27 : memref<200x128xf32, #tpu.memory_space<vmem_shared>>) target_semaphore(%run_scoped3A : memref<!tpu.dma_semaphore, #tpu.memory_space<semaphore_mem>>)
        %dma_wait3A = arith.constant 4800 : i32
        %dma_wait3A_30 = arith.constant 0 : i32
        %dma_wait3A_31 = tpu.memref_slice %arg9[%dma_wait3A, %dma_wait3A_30] : memref<5120x128xf32, #tpu.memory_space<vmem_shared>> -> memref<200x128xf32, #tpu.memory_space<vmem_shared>>
        %dma_wait3A_32 = arith.constant 0 : i32
        %dma_wait3A_33 = tpu.memref_slice %arg2[%add3A_25, %dma_wait3A_32] : memref<10000x128xf32, #tpu.memory_space<hbm>> -> memref<200x128xf32, #tpu.memory_space<hbm>>
        tpu.wait_dma2 semaphore(%run_scoped3A : memref<!tpu.dma_semaphore, #tpu.memory_space<semaphore_mem>>) src(%dma_wait3A_33 : memref<200x128xf32, #tpu.memory_space<hbm>>) dst(%dma_wait3A_31 : memref<200x128xf32, #tpu.memory_space<vmem_shared>>)
        tpu.yield
      }) : () -> ()
    } else {
    }
    "tpu.region"() ({
      %run_scoped3A = tpu.sem_alloc : memref<!tpu.dma_semaphore, #tpu.memory_space<semaphore_mem>>
      %dma_start3A = arith.constant 0 : i32
      %dma_start3A_25 = tpu.memref_slice %arg4[%arg1, %dma_start3A] : memref<16x128xi32, #tpu.memory_space<hbm>> -> memref<1x128xi32, #tpu.memory_space<hbm>>
      %dma_start3A_26 = tpu.memref_squeeze %dma_start3A_25 : memref<1x128xi32, #tpu.memory_space<hbm>> -> memref<128xi32, #tpu.memory_space<hbm>>
      %dma_start3A_27 = arith.constant 0 : i32
      %dma_start3A_28 = tpu.memref_slice %arg4[%arg1, %dma_start3A_27] : memref<16x128xi32, #tpu.memory_space<hbm>> -> memref<1x128xi32, #tpu.memory_space<hbm>>
      %dma_start3A_29 = tpu.memref_squeeze %dma_start3A_28 : memref<1x128xi32, #tpu.memory_space<hbm>> -> memref<128xi32, #tpu.memory_space<hbm>>
      tpu.enqueue_dma source(%dma_start3A_29 : memref<128xi32, #tpu.memory_space<hbm>>) target(%arg6 : memref<128xi32, #tpu.memory_space<vmem>>) target_semaphore(%run_scoped3A : memref<!tpu.dma_semaphore, #tpu.memory_space<semaphore_mem>>)
      %dma_wait3A = arith.constant 0 : i32
      %dma_wait3A_30 = tpu.memref_slice %arg4[%arg1, %dma_wait3A] : memref<16x128xi32, #tpu.memory_space<hbm>> -> memref<1x128xi32, #tpu.memory_space<hbm>>
      %dma_wait3A_31 = tpu.memref_squeeze %dma_wait3A_30 : memref<1x128xi32, #tpu.memory_space<hbm>> -> memref<128xi32, #tpu.memory_space<hbm>>
      %dma_wait3A_32 = arith.constant 0 : i32
      %dma_wait3A_33 = tpu.memref_slice %arg4[%arg1, %dma_wait3A_32] : memref<16x128xi32, #tpu.memory_space<hbm>> -> memref<1x128xi32, #tpu.memory_space<hbm>>
      %dma_wait3A_34 = tpu.memref_squeeze %dma_wait3A_33 : memref<1x128xi32, #tpu.memory_space<hbm>> -> memref<128xi32, #tpu.memory_space<hbm>>
      tpu.wait_dma2 semaphore(%run_scoped3A : memref<!tpu.dma_semaphore, #tpu.memory_space<semaphore_mem>>) src(%dma_wait3A_34 : memref<128xi32, #tpu.memory_space<hbm>>) dst(%arg6 : memref<128xi32, #tpu.memory_space<vmem>>)
      tpu.yield
    }) : () -> ()
    %mul3A_7 = arith.constant 128 : i32
    %mul3A_8 = arith.muli %arg1, %mul3A_7 : i32
    "tpu.region"() ({
      %run_scoped3A = tpu.sem_alloc : memref<!tpu.dma_semaphore, #tpu.memory_space<semaphore_mem>>
      %dma_start3A = arith.constant 0 : i32
      %dma_start3A_25 = tpu.memref_slice %arg3[%mul3A_8, %dma_start3A] : memref<2048x128xf32, #tpu.memory_space<hbm>> -> memref<128x128xf32, #tpu.memory_space<hbm>>
      %dma_start3A_26 = arith.constant 0 : i32
      %dma_start3A_27 = tpu.memref_slice %arg3[%mul3A_8, %dma_start3A_26] : memref<2048x128xf32, #tpu.memory_space<hbm>> -> memref<128x128xf32, #tpu.memory_space<hbm>>
      tpu.enqueue_dma source(%dma_start3A_27 : memref<128x128xf32, #tpu.memory_space<hbm>>) target(%arg8 : memref<128x128xf32, #tpu.memory_space<vmem>>) target_semaphore(%run_scoped3A : memref<!tpu.dma_semaphore, #tpu.memory_space<semaphore_mem>>)
      %dma_wait3A = arith.constant 0 : i32
      %dma_wait3A_28 = tpu.memref_slice %arg3[%mul3A_8, %dma_wait3A] : memref<2048x128xf32, #tpu.memory_space<hbm>> -> memref<128x128xf32, #tpu.memory_space<hbm>>
      %dma_wait3A_29 = arith.constant 0 : i32
      %dma_wait3A_30 = tpu.memref_slice %arg3[%mul3A_8, %dma_wait3A_29] : memref<2048x128xf32, #tpu.memory_space<hbm>> -> memref<128x128xf32, #tpu.memory_space<hbm>>
      tpu.wait_dma2 semaphore(%run_scoped3A : memref<!tpu.dma_semaphore, #tpu.memory_space<semaphore_mem>>) src(%dma_wait3A_30 : memref<128x128xf32, #tpu.memory_space<hbm>>) dst(%arg8 : memref<128x128xf32, #tpu.memory_space<vmem>>)
      tpu.yield
    }) : () -> ()
    %scan3A = arith.constant 0 : i32
    %scan3A_9 = arith.constant 0 : i32
    %scan3A_10 = arith.constant 8 : i32
    %scan3A_11 = arith.addi %scan3A_9, %scan3A_10 : i32
    %scan3A_12 = arith.constant 1 : i32
    scf.for %scan3A_25 = %scan3A_9 to %scan3A_11 step %scan3A_12  : i32 {
      %mul3A_26 = arith.constant 16 : i32
      %mul3A_27 = arith.muli %scan3A_25, %mul3A_26 : i32
      %get3A = arith.index_cast %mul3A_27 : i32 to index
      %get3A_28 = tpu.vector_load %arg6[%get3A] {strides = array<i32>} : memref<128xi32, #tpu.memory_space<vmem>>, vector<16xi32>,
      %get3A_29 = vector.shape_cast %get3A_28 : vector<16xi32> to vector<16xi32>
      %sub3A = vector.broadcast %mul3A_0 : i32 to vector<16xi32>
      %sub3A_30 = arith.subi %get3A_29, %sub3A : vector<16xi32>
      %ge3A = arith.constant 0 : i32
      %ge3A_31 = vector.broadcast %ge3A : i32 to vector<16xi32>
      %ge3A_32 = arith.cmpi sge, %sub3A_30, %ge3A_31 : vector<16xi32>
      %lt3A_33 = arith.constant 5000 : i32
      %lt3A_34 = vector.broadcast %lt3A_33 : i32 to vector<16xi32>
      %lt3A_35 = arith.cmpi slt, %sub3A_30, %lt3A_34 : vector<16xi32>
      %and3A = arith.andi %ge3A_32, %lt3A_35 : vector<16xi1>
      %jit3A = arith.constant 5050 : i32
      %broadcast_in_dim3A = vector.broadcast %jit3A : i32 to vector<16xi32>
      %select_n3A = arith.select %and3A, %sub3A_30, %broadcast_in_dim3A : vector<16xi1>, vector<16xi32>
      %mul3A_36 = arith.constant 16 : i32
      %mul3A_37 = arith.muli %scan3A_25, %mul3A_36 : i32
      %swap3A = arith.index_cast %mul3A_37 : i32 to index
      %swap3A_38 = tpu.vector_load %arg7[%swap3A] {strides = array<i32>} : memref<128xi32, #tpu.memory_space<vmem>>, vector<16xi32>,
      %swap3A_39 = vector.shape_cast %swap3A_38 : vector<16xi32> to vector<16xi32>
      %swap3A_40 = vector.shape_cast %select_n3A : vector<16xi32> to vector<16xi32>
      tpu.vector_store %arg7[%swap3A], %swap3A_40 {strides = array<i32>} : memref<128xi32, #tpu.memory_space<vmem>>, vector<16xi32>,
    }
    %scan3A_13 = arith.constant 8 : i32
    %barrier3A = arith.constant 0 : index
    tpu.barrier barrier_id(%barrier3A)
    "tpu.region"() ({
      %run_scoped3A = tpu.sem_alloc : memref<!tpu.dma_semaphore, #tpu.memory_space<semaphore_mem>>
      %dma_start3A = arith.constant 0 : i32
      %dma_start3A_25 = arith.constant 0 : i32
      %dma_start3A_26 = tpu.memref_slice %arg9[%dma_start3A, %dma_start3A_25] : memref<5120x128xf32, #tpu.memory_space<vmem_shared>> -> memref<5120x128xf32, #tpu.memory_space<vmem_shared>>
      tpu.enqueue_indirect_dma source(%arg8 : memref<128x128xf32, #tpu.memory_space<vmem>>) target(%dma_start3A_26 : memref<5120x128xf32, #tpu.memory_space<vmem_shared>>) offsets(%arg7 : memref<128xi32, #tpu.memory_space<vmem>>) semaphore(%run_scoped3A : memref<!tpu.dma_semaphore, #tpu.memory_space<semaphore_mem>>) {add = true}
      %dma_wait3A = arith.constant 0 : i32
      %dma_wait3A_27 = arith.constant 0 : i32
      %dma_wait3A_28 = tpu.memref_slice %arg9[%dma_wait3A, %dma_wait3A_27] : memref<5120x128xf32, #tpu.memory_space<vmem_shared>> -> memref<5120x128xf32, #tpu.memory_space<vmem_shared>>
      tpu.wait_indirect_dma semaphore(%run_scoped3A : memref<!tpu.dma_semaphore, #tpu.memory_space<semaphore_mem>>) src(%arg8 : memref<128x128xf32, #tpu.memory_space<vmem>>) dst(%dma_wait3A_28 : memref<5120x128xf32, #tpu.memory_space<vmem_shared>>)
      tpu.yield
    }) : () -> ()
    %barrier3A_14 = arith.constant 0 : index
    tpu.barrier barrier_id(%barrier3A_14)
    %lt3A_15 = arith.constant 15 : i32
    %lt3A_16 = arith.cmpi slt, %arg1, %lt3A_15 : i32
    %convert_element_type3A_17 = arith.extui %lt3A_16 : i1 to i32
    %cond3A_18 = arith.constant 0 : i32
    %cond3A_19 = arith.cmpi ne, %convert_element_type3A_17, %cond3A_18 : i32
    scf.if %cond3A_19 {
      %mul3A_25 = arith.constant 320 : i32
      %mul3A_26 = arith.muli %arg1, %mul3A_25 : i32
      %mul3A_27 = arith.constant 320 : i32
      %mul3A_28 = arith.muli %arg1, %mul3A_27 : i32
      %add3A = arith.addi %mul3A_0, %mul3A_28 : i32
      "tpu.region"() ({
        %run_scoped3A = tpu.sem_alloc : memref<!tpu.dma_semaphore, #tpu.memory_space<semaphore_mem>>
        %dma_start3A = arith.constant 0 : i32
        %dma_start3A_29 = tpu.memref_slice %arg5[%add3A, %dma_start3A] : memref<10000x128xf32, #tpu.memory_space<hbm>> -> memref<320x128xf32, #tpu.memory_space<hbm>>
        %dma_start3A_30 = arith.constant 0 : i32
        %dma_start3A_31 = tpu.memref_slice %arg9[%mul3A_26, %dma_start3A_30] : memref<5120x128xf32, #tpu.memory_space<vmem_shared>> -> memref<320x128xf32, #tpu.memory_space<vmem_shared>>
        tpu.enqueue_dma source(%dma_start3A_31 : memref<320x128xf32, #tpu.memory_space<vmem_shared>>) target(%dma_start3A_29 : memref<320x128xf32, #tpu.memory_space<hbm>>) target_semaphore(%run_scoped3A : memref<!tpu.dma_semaphore, #tpu.memory_space<semaphore_mem>>)
        %dma_wait3A = arith.constant 0 : i32
        %dma_wait3A_32 = tpu.memref_slice %arg5[%add3A, %dma_wait3A] : memref<10000x128xf32, #tpu.memory_space<hbm>> -> memref<320x128xf32, #tpu.memory_space<hbm>>
        %dma_wait3A_33 = arith.constant 0 : i32
        %dma_wait3A_34 = tpu.memref_slice %arg9[%mul3A_26, %dma_wait3A_33] : memref<5120x128xf32, #tpu.memory_space<vmem_shared>> -> memref<320x128xf32, #tpu.memory_space<vmem_shared>>
        tpu.wait_dma2 semaphore(%run_scoped3A : memref<!tpu.dma_semaphore, #tpu.memory_space<semaphore_mem>>) src(%dma_wait3A_34 : memref<320x128xf32, #tpu.memory_space<vmem_shared>>) dst(%dma_wait3A_32 : memref<320x128xf32, #tpu.memory_space<hbm>>)
        tpu.yield
      }) : () -> ()
    } else {
    }
    %eq3A_20 = arith.constant 15 : i32
    %eq3A_21 = arith.cmpi eq, %arg1, %eq3A_20 : i32
    %convert_element_type3A_22 = arith.extui %eq3A_21 : i1 to i32
    %cond3A_23 = arith.constant 0 : i32
    %cond3A_24 = arith.cmpi ne, %convert_element_type3A_22, %cond3A_23 : i32
    scf.if %cond3A_24 {
      %add3A = arith.constant 4800 : i32
      %add3A_25 = arith.addi %mul3A_0, %add3A : i32
      "tpu.region"() ({
        %run_scoped3A = tpu.sem_alloc : memref<!tpu.dma_semaphore, #tpu.memory_space<semaphore_mem>>
        %dma_start3A = arith.constant 0 : i32
        %dma_start3A_26 = tpu.memref_slice %arg5[%add3A_25, %dma_start3A] : memref<10000x128xf32, #tpu.memory_space<hbm>> -> memref<200x128xf32, #tpu.memory_space<hbm>>
        %dma_start3A_27 = arith.constant 4800 : i32
        %dma_start3A_28 = arith.constant 0 : i32
        %dma_start3A_29 = tpu.memref_slice %arg9[%dma_start3A_27, %dma_start3A_28] : memref<5120x128xf32, #tpu.memory_space<vmem_shared>> -> memref<200x128xf32, #tpu.memory_space<vmem_shared>>
        tpu.enqueue_dma source(%dma_start3A_29 : memref<200x128xf32, #tpu.memory_space<vmem_shared>>) target(%dma_start3A_26 : memref<200x128xf32, #tpu.memory_space<hbm>>) target_semaphore(%run_scoped3A : memref<!tpu.dma_semaphore, #tpu.memory_space<semaphore_mem>>)
        %dma_wait3A = arith.constant 0 : i32
        %dma_wait3A_30 = tpu.memref_slice %arg5[%add3A_25, %dma_wait3A] : memref<10000x128xf32, #tpu.memory_space<hbm>> -> memref<200x128xf32, #tpu.memory_space<hbm>>
        %dma_wait3A_31 = arith.constant 4800 : i32
        %dma_wait3A_32 = arith.constant 0 : i32
        %dma_wait3A_33 = tpu.memref_slice %arg9[%dma_wait3A_31, %dma_wait3A_32] : memref<5120x128xf32, #tpu.memory_space<vmem_shared>> -> memref<200x128xf32, #tpu.memory_space<vmem_shared>>
        tpu.wait_dma2 semaphore(%run_scoped3A : memref<!tpu.dma_semaphore, #tpu.memory_space<semaphore_mem>>) src(%dma_wait3A_33 : memref<200x128xf32, #tpu.memory_space<vmem_shared>>) dst(%dma_wait3A_30 : memref<200x128xf32, #tpu.memory_space<hbm>>)
        tpu.yield
      }) : () -> ()
    } else {
    }
    return
  }
}

#map = affine_map<(d0, d1) -> (0, 0)>
#map1 = affine_map<(d0, d1) -> (0, 0, 0, 0)>
module attributes {stable_mosaic.version = 14 : i64} {
  func.func @_aggregate(%arg0: i32, %arg1: i32, %arg2: memref<10000x128xf32, #tpu.memory_space<hbm>>, %arg3: memref<2x625x4x128xi32, #tpu.memory_space<hbm>>, %arg4: memref<632x128xf32, #tpu.memory_space<hbm>>, %arg5: memref<10000x128xf32, #tpu.memory_space<hbm>>, %arg6: memref<10000x128xf32, #tpu.memory_space<hbm>>, %arg7: memref<4x128xi32, #tpu.memory_space<vmem>>, %arg8: memref<4x128xi32, #tpu.memory_space<vmem>>, %arg9: memref<4x128xi32, #tpu.memory_space<vmem>>, %arg10: memref<4x128xi32, #tpu.memory_space<vmem>>, %arg11: memref<128x128xf32, #tpu.memory_space<vmem>>, %arg12: memref<128x128xf32, #tpu.memory_space<vmem>>, %arg13: memref<!tpu.dma_semaphore, #tpu.memory_space<semaphore_mem>>, %arg14: memref<!tpu.dma_semaphore, #tpu.memory_space<semaphore_mem>>, %arg15: memref<!tpu.dma_semaphore, #tpu.memory_space<semaphore_mem>>, %arg16: memref<!tpu.dma_semaphore, #tpu.memory_space<semaphore_mem>>, %arg17: memref<!tpu.dma_semaphore, #tpu.memory_space<semaphore_mem>>, %arg18: memref<!tpu.dma_semaphore, #tpu.memory_space<semaphore_mem>>, %arg19: memref<10000x128xf32, #tpu.memory_space<vmem_shared>>) attributes {dimension_semantics = [#tpu.dimension_semantics<core_parallel>, #tpu.dimension_semantics<subcore_parallel>], iteration_bounds = array<i64: 2, 16>, scalar_prefetch = 0 : i64, scratch_operands = 13 : i64, tpu.core_type = #tpu.core_type<sc_vector_subcore>, window_params = [{transform_indices = #map}, {transform_indices = #map1}, {transform_indices = #map}, {transform_indices = #map}, {transform_indices = #map}]} {
    %min3A = arith.constant 14 : i32
    %min3A_0 = arith.minsi %arg1, %min3A : i32
    %mul3A = arith.constant 624 : i32
    %mul3A_1 = arith.muli %min3A_0, %mul3A : i32
    %sub3A = arith.constant 14 : i32
    %sub3A_2 = arith.subi %arg1, %sub3A : i32
    %max3A = arith.constant 0 : i32
    %max3A_3 = arith.maxsi %sub3A_2, %max3A : i32
    %mul3A_4 = arith.constant 632 : i32
    %mul3A_5 = arith.muli %max3A_3, %mul3A_4 : i32
    %add3A = arith.addi %mul3A_1, %mul3A_5 : i32
    %lt3A = arith.constant 14 : i32
    %lt3A_6 = arith.cmpi slt, %arg1, %lt3A : i32
    %convert_element_type3A = arith.extui %lt3A_6 : i1 to i32
    %cond3A = arith.constant 0 : i32
    %cond3A_7 = arith.cmpi ne, %convert_element_type3A, %cond3A : i32
    scf.if %cond3A_7 {
      "tpu.region"() ({
        %run_scoped3A = tpu.sem_alloc : memref<!tpu.dma_semaphore, #tpu.memory_space<semaphore_mem>>
        %dma_start3A_106 = arith.constant 0 : i32
        %dma_start3A_107 = tpu.memref_slice %arg19[%add3A, %dma_start3A_106] : memref<10000x128xf32, #tpu.memory_space<vmem_shared>> -> memref<624x128xf32, #tpu.memory_space<vmem_shared>>
        %dma_start3A_108 = arith.constant 0 : i32
        %dma_start3A_109 = arith.constant 0 : i32
        %dma_start3A_110 = tpu.memref_slice %arg4[%dma_start3A_108, %dma_start3A_109] : memref<632x128xf32, #tpu.memory_space<hbm>> -> memref<624x128xf32, #tpu.memory_space<hbm>>
        tpu.enqueue_dma source(%dma_start3A_110 : memref<624x128xf32, #tpu.memory_space<hbm>>) target(%dma_start3A_107 : memref<624x128xf32, #tpu.memory_space<vmem_shared>>) target_semaphore(%run_scoped3A : memref<!tpu.dma_semaphore, #tpu.memory_space<semaphore_mem>>)
        %dma_wait3A_111 = arith.constant 0 : i32
        %dma_wait3A_112 = tpu.memref_slice %arg19[%add3A, %dma_wait3A_111] : memref<10000x128xf32, #tpu.memory_space<vmem_shared>> -> memref<624x128xf32, #tpu.memory_space<vmem_shared>>
        %dma_wait3A_113 = arith.constant 0 : i32
        %dma_wait3A_114 = arith.constant 0 : i32
        %dma_wait3A_115 = tpu.memref_slice %arg4[%dma_wait3A_113, %dma_wait3A_114] : memref<632x128xf32, #tpu.memory_space<hbm>> -> memref<624x128xf32, #tpu.memory_space<hbm>>
        tpu.wait_dma2 semaphore(%run_scoped3A : memref<!tpu.dma_semaphore, #tpu.memory_space<semaphore_mem>>) src(%dma_wait3A_115 : memref<624x128xf32, #tpu.memory_space<hbm>>) dst(%dma_wait3A_112 : memref<624x128xf32, #tpu.memory_space<vmem_shared>>)
        tpu.yield
      }) : () -> ()
    } else {
    }
    %ge3A = arith.constant 14 : i32
    %ge3A_8 = arith.cmpi sge, %arg1, %ge3A : i32
    %convert_element_type3A_9 = arith.extui %ge3A_8 : i1 to i32
    %cond3A_10 = arith.constant 0 : i32
    %cond3A_11 = arith.cmpi ne, %convert_element_type3A_9, %cond3A_10 : i32
    scf.if %cond3A_11 {
      "tpu.region"() ({
        %run_scoped3A = tpu.sem_alloc : memref<!tpu.dma_semaphore, #tpu.memory_space<semaphore_mem>>
        %dma_start3A_106 = arith.constant 0 : i32
        %dma_start3A_107 = tpu.memref_slice %arg19[%add3A, %dma_start3A_106] : memref<10000x128xf32, #tpu.memory_space<vmem_shared>> -> memref<632x128xf32, #tpu.memory_space<vmem_shared>>
        tpu.enqueue_dma source(%arg4 : memref<632x128xf32, #tpu.memory_space<hbm>>) target(%dma_start3A_107 : memref<632x128xf32, #tpu.memory_space<vmem_shared>>) target_semaphore(%run_scoped3A : memref<!tpu.dma_semaphore, #tpu.memory_space<semaphore_mem>>)
        %dma_wait3A_108 = arith.constant 0 : i32
        %dma_wait3A_109 = tpu.memref_slice %arg19[%add3A, %dma_wait3A_108] : memref<10000x128xf32, #tpu.memory_space<vmem_shared>> -> memref<632x128xf32, #tpu.memory_space<vmem_shared>>
        tpu.wait_dma2 semaphore(%run_scoped3A : memref<!tpu.dma_semaphore, #tpu.memory_space<semaphore_mem>>) src(%arg4 : memref<632x128xf32, #tpu.memory_space<hbm>>) dst(%dma_wait3A_109 : memref<632x128xf32, #tpu.memory_space<vmem_shared>>)
        tpu.yield
      }) : () -> ()
    } else {
    }
    %barrier3A = arith.constant 0 : index
    tpu.barrier barrier_id(%barrier3A)
    %eq3A = arith.constant 0 : i32
    %eq3A_12 = arith.cmpi eq, %arg0, %eq3A : i32
    %mul3A_13 = arith.constant 20 : i32
    %mul3A_14 = arith.muli %mul3A_13, %arg1 : i32
    %mul3A_15 = arith.constant 19 : i32
    %mul3A_16 = arith.muli %mul3A_15, %arg1 : i32
    %add3A_17 = arith.constant 320 : i32
    %add3A_18 = arith.addi %add3A_17, %mul3A_16 : i32
    %select_n3A = arith.select %eq3A_12, %mul3A_14, %add3A_18 : i32
    %eq3A_19 = arith.constant 0 : i32
    %eq3A_20 = arith.cmpi eq, %arg0, %eq3A_19 : i32
    %jit3A = arith.constant 20 : i32
    %jit3A_21 = arith.constant 19 : i32
    %select_n3A_22 = arith.select %eq3A_20, %jit3A, %jit3A_21 : i32
    %add3A_23 = arith.constant 0 : i32
    %add3A_24 = arith.addi %select_n3A, %add3A_23 : i32
    %dma_start3A = arith.constant 1 : i32
    %dma_start3A_25 = arith.constant 0 : i32
    %dma_start3A_26 = arith.constant 0 : i32
    %dma_start3A_27 = tpu.memref_slice %arg3[%dma_start3A, %add3A_24, %dma_start3A_25, %dma_start3A_26] : memref<2x625x4x128xi32, #tpu.memory_space<hbm>> -> memref<1x1x4x128xi32, #tpu.memory_space<hbm>>
    %dma_start3A_28 = tpu.memref_squeeze %dma_start3A_27 : memref<1x1x4x128xi32, #tpu.memory_space<hbm>> -> memref<4x128xi32, #tpu.memory_space<hbm>>
    %dma_start3A_29 = arith.constant 0 : i32
    %dma_start3A_30 = arith.constant 0 : i32
    %dma_start3A_31 = tpu.memref_slice %arg3[%dma_start3A, %add3A_24, %dma_start3A_29, %dma_start3A_30] : memref<2x625x4x128xi32, #tpu.memory_space<hbm>> -> memref<1x1x4x128xi32, #tpu.memory_space<hbm>>
    %dma_start3A_32 = tpu.memref_squeeze %dma_start3A_31 : memref<1x1x4x128xi32, #tpu.memory_space<hbm>> -> memref<4x128xi32, #tpu.memory_space<hbm>>
    tpu.enqueue_dma source(%dma_start3A_32 : memref<4x128xi32, #tpu.memory_space<hbm>>) target(%arg7 : memref<4x128xi32, #tpu.memory_space<vmem>>) target_semaphore(%arg13 : memref<!tpu.dma_semaphore, #tpu.memory_space<semaphore_mem>>)
    %add3A_33 = arith.constant 0 : i32
    %add3A_34 = arith.addi %select_n3A, %add3A_33 : i32
    %dma_start3A_35 = arith.constant 0 : i32
    %dma_start3A_36 = arith.constant 0 : i32
    %dma_start3A_37 = arith.constant 0 : i32
    %dma_start3A_38 = tpu.memref_slice %arg3[%dma_start3A_35, %add3A_34, %dma_start3A_36, %dma_start3A_37] : memref<2x625x4x128xi32, #tpu.memory_space<hbm>> -> memref<1x1x4x128xi32, #tpu.memory_space<hbm>>
    %dma_start3A_39 = tpu.memref_squeeze %dma_start3A_38 : memref<1x1x4x128xi32, #tpu.memory_space<hbm>> -> memref<4x128xi32, #tpu.memory_space<hbm>>
    %dma_start3A_40 = arith.constant 0 : i32
    %dma_start3A_41 = arith.constant 0 : i32
    %dma_start3A_42 = tpu.memref_slice %arg3[%dma_start3A_35, %add3A_34, %dma_start3A_40, %dma_start3A_41] : memref<2x625x4x128xi32, #tpu.memory_space<hbm>> -> memref<1x1x4x128xi32, #tpu.memory_space<hbm>>
    %dma_start3A_43 = tpu.memref_squeeze %dma_start3A_42 : memref<1x1x4x128xi32, #tpu.memory_space<hbm>> -> memref<4x128xi32, #tpu.memory_space<hbm>>
    tpu.enqueue_dma source(%dma_start3A_43 : memref<4x128xi32, #tpu.memory_space<hbm>>) target(%arg9 : memref<4x128xi32, #tpu.memory_space<vmem>>) target_semaphore(%arg13 : memref<!tpu.dma_semaphore, #tpu.memory_space<semaphore_mem>>)
    %while3A = arith.constant 0 : i32
    %while3A_44 = arith.constant 0 : i32
    %while3A_45 = arith.subi %select_n3A_22, %while3A_44 : i32
    %while3A_46 = arith.addi %while3A_44, %while3A_45 : i32
    %while3A_47 = arith.constant 1 : i32
    %while3A_48 = arith.divsi %while3A_45, %while3A_47 : i32
    %while3A_49 = arith.muli %while3A_48, %while3A_47 : i32
    %while3A_50 = arith.addi %while3A_44, %while3A_49 : i32
    %while3A_51 = arith.constant 1 : i32
    scf.for %while3A_106 = %while3A_44 to %while3A_50 step %while3A_51  : i32 {
      %rem3A = arith.constant 2 : i32
      %rem3A_107 = arith.remsi %while3A_106, %rem3A : i32
      %eq3A_108 = arith.constant 0 : i32
      %eq3A_109 = arith.cmpi eq, %rem3A_107, %eq3A_108 : i32
      %convert_element_type3A_110 = arith.extui %eq3A_109 : i1 to i32
      %cond3A_111 = arith.constant 0 : i32
      %cond3A_112 = arith.cmpi ne, %convert_element_type3A_110, %cond3A_111 : i32
      scf.if %cond3A_112 {
        %add3A_118 = arith.addi %select_n3A, %while3A_106 : i32
        %dma_wait3A_119 = arith.constant 1 : i32
        %dma_wait3A_120 = arith.constant 0 : i32
        %dma_wait3A_121 = arith.constant 0 : i32
        %dma_wait3A_122 = tpu.memref_slice %arg3[%dma_wait3A_119, %add3A_118, %dma_wait3A_120, %dma_wait3A_121] : memref<2x625x4x128xi32, #tpu.memory_space<hbm>> -> memref<1x1x4x128xi32, #tpu.memory_space<hbm>>
        %dma_wait3A_123 = tpu.memref_squeeze %dma_wait3A_122 : memref<1x1x4x128xi32, #tpu.memory_space<hbm>> -> memref<4x128xi32, #tpu.memory_space<hbm>>
        %dma_wait3A_124 = arith.constant 0 : i32
        %dma_wait3A_125 = arith.constant 0 : i32
        %dma_wait3A_126 = tpu.memref_slice %arg3[%dma_wait3A_119, %add3A_118, %dma_wait3A_124, %dma_wait3A_125] : memref<2x625x4x128xi32, #tpu.memory_space<hbm>> -> memref<1x1x4x128xi32, #tpu.memory_space<hbm>>
        %dma_wait3A_127 = tpu.memref_squeeze %dma_wait3A_126 : memref<1x1x4x128xi32, #tpu.memory_space<hbm>> -> memref<4x128xi32, #tpu.memory_space<hbm>>
        tpu.wait_dma2 semaphore(%arg13 : memref<!tpu.dma_semaphore, #tpu.memory_space<semaphore_mem>>) src(%dma_wait3A_127 : memref<4x128xi32, #tpu.memory_space<hbm>>) dst(%arg7 : memref<4x128xi32, #tpu.memory_space<vmem>>)
        %add3A_128 = arith.addi %select_n3A, %while3A_106 : i32
        %dma_wait3A_129 = arith.constant 0 : i32
        %dma_wait3A_130 = arith.constant 0 : i32
        %dma_wait3A_131 = arith.constant 0 : i32
        %dma_wait3A_132 = tpu.memref_slice %arg3[%dma_wait3A_129, %add3A_128, %dma_wait3A_130, %dma_wait3A_131] : memref<2x625x4x128xi32, #tpu.memory_space<hbm>> -> memref<1x1x4x128xi32, #tpu.memory_space<hbm>>
        %dma_wait3A_133 = tpu.memref_squeeze %dma_wait3A_132 : memref<1x1x4x128xi32, #tpu.memory_space<hbm>> -> memref<4x128xi32, #tpu.memory_space<hbm>>
        %dma_wait3A_134 = arith.constant 0 : i32
        %dma_wait3A_135 = arith.constant 0 : i32
        %dma_wait3A_136 = tpu.memref_slice %arg3[%dma_wait3A_129, %add3A_128, %dma_wait3A_134, %dma_wait3A_135] : memref<2x625x4x128xi32, #tpu.memory_space<hbm>> -> memref<1x1x4x128xi32, #tpu.memory_space<hbm>>
        %dma_wait3A_137 = tpu.memref_squeeze %dma_wait3A_136 : memref<1x1x4x128xi32, #tpu.memory_space<hbm>> -> memref<4x128xi32, #tpu.memory_space<hbm>>
        tpu.wait_dma2 semaphore(%arg13 : memref<!tpu.dma_semaphore, #tpu.memory_space<semaphore_mem>>) src(%dma_wait3A_137 : memref<4x128xi32, #tpu.memory_space<hbm>>) dst(%arg9 : memref<4x128xi32, #tpu.memory_space<vmem>>)
        %gt3A = arith.constant 0 : i32
        %gt3A_138 = arith.cmpi sgt, %while3A_106, %gt3A : i32
        %convert_element_type3A_139 = arith.extui %gt3A_138 : i1 to i32
        %cond3A_140 = arith.constant 0 : i32
        %cond3A_141 = arith.cmpi ne, %convert_element_type3A_139, %cond3A_140 : i32
        scf.if %cond3A_141 {
          %dma_wait3A_251 = arith.constant 2 : i32
          %dma_wait3A_252 = arith.constant 0 : i32
          %dma_wait3A_253 = tpu.memref_slice %arg10[%dma_wait3A_251, %dma_wait3A_252] : memref<4x128xi32, #tpu.memory_space<vmem>> -> memref<1x128xi32, #tpu.memory_space<vmem>>
          %dma_wait3A_254 = tpu.memref_squeeze %dma_wait3A_253 : memref<1x128xi32, #tpu.memory_space<vmem>> -> memref<128xi32, #tpu.memory_space<vmem>>
          %dma_wait3A_255 = arith.constant 0 : i32
          %dma_wait3A_256 = arith.constant 0 : i32
          %dma_wait3A_257 = tpu.memref_slice %arg19[%dma_wait3A_255, %dma_wait3A_256] : memref<10000x128xf32, #tpu.memory_space<vmem_shared>> -> memref<10000x128xf32, #tpu.memory_space<vmem_shared>>
          tpu.wait_indirect_dma semaphore(%arg17 : memref<!tpu.dma_semaphore, #tpu.memory_space<semaphore_mem>>) src(%arg11 : memref<128x128xf32, #tpu.memory_space<vmem>>) dst(%dma_wait3A_257 : memref<10000x128xf32, #tpu.memory_space<vmem_shared>>)
        } else {
        }
        %dma_start3A_142 = arith.constant 0 : i32
        %dma_start3A_143 = arith.constant 0 : i32
        %dma_start3A_144 = tpu.memref_slice %arg7[%dma_start3A_142, %dma_start3A_143] : memref<4x128xi32, #tpu.memory_space<vmem>> -> memref<1x128xi32, #tpu.memory_space<vmem>>
        %dma_start3A_145 = tpu.memref_squeeze %dma_start3A_144 : memref<1x128xi32, #tpu.memory_space<vmem>> -> memref<128xi32, #tpu.memory_space<vmem>>
        %dma_start3A_146 = arith.constant 0 : i32
        %dma_start3A_147 = arith.constant 0 : i32
        %dma_start3A_148 = tpu.memref_slice %arg2[%dma_start3A_146, %dma_start3A_147] : memref<10000x128xf32, #tpu.memory_space<hbm>> -> memref<10000x128xf32, #tpu.memory_space<hbm>>
        tpu.enqueue_indirect_dma source(%dma_start3A_148 : memref<10000x128xf32, #tpu.memory_space<hbm>>) target(%arg11 : memref<128x128xf32, #tpu.memory_space<vmem>>) offsets(%dma_start3A_145 : memref<128xi32, #tpu.memory_space<vmem>>) semaphore(%arg15 : memref<!tpu.dma_semaphore, #tpu.memory_space<semaphore_mem>>)
        %gt3A_149 = arith.constant 0 : i32
        %gt3A_150 = arith.cmpi sgt, %while3A_106, %gt3A_149 : i32
        %convert_element_type3A_151 = arith.extui %gt3A_150 : i1 to i32
        %cond3A_152 = arith.constant 0 : i32
        %cond3A_153 = arith.cmpi ne, %convert_element_type3A_151, %cond3A_152 : i32
        scf.if %cond3A_153 {
          %dma_wait3A_251 = arith.constant 3 : i32
          %dma_wait3A_252 = arith.constant 0 : i32
          %dma_wait3A_253 = tpu.memref_slice %arg10[%dma_wait3A_251, %dma_wait3A_252] : memref<4x128xi32, #tpu.memory_space<vmem>> -> memref<1x128xi32, #tpu.memory_space<vmem>>
          %dma_wait3A_254 = tpu.memref_squeeze %dma_wait3A_253 : memref<1x128xi32, #tpu.memory_space<vmem>> -> memref<128xi32, #tpu.memory_space<vmem>>
          %dma_wait3A_255 = arith.constant 0 : i32
          %dma_wait3A_256 = arith.constant 0 : i32
          %dma_wait3A_257 = tpu.memref_slice %arg19[%dma_wait3A_255, %dma_wait3A_256] : memref<10000x128xf32, #tpu.memory_space<vmem_shared>> -> memref<10000x128xf32, #tpu.memory_space<vmem_shared>>
          tpu.wait_indirect_dma semaphore(%arg18 : memref<!tpu.dma_semaphore, #tpu.memory_space<semaphore_mem>>) src(%arg12 : memref<128x128xf32, #tpu.memory_space<vmem>>) dst(%dma_wait3A_257 : memref<10000x128xf32, #tpu.memory_space<vmem_shared>>)
        } else {
        }
        %dma_start3A_154 = arith.constant 1 : i32
        %dma_start3A_155 = arith.constant 0 : i32
        %dma_start3A_156 = tpu.memref_slice %arg7[%dma_start3A_154, %dma_start3A_155] : memref<4x128xi32, #tpu.memory_space<vmem>> -> memref<1x128xi32, #tpu.memory_space<vmem>>
        %dma_start3A_157 = tpu.memref_squeeze %dma_start3A_156 : memref<1x128xi32, #tpu.memory_space<vmem>> -> memref<128xi32, #tpu.memory_space<vmem>>
        %dma_start3A_158 = arith.constant 0 : i32
        %dma_start3A_159 = arith.constant 0 : i32
        %dma_start3A_160 = tpu.memref_slice %arg2[%dma_start3A_158, %dma_start3A_159] : memref<10000x128xf32, #tpu.memory_space<hbm>> -> memref<10000x128xf32, #tpu.memory_space<hbm>>
        tpu.enqueue_indirect_dma source(%dma_start3A_160 : memref<10000x128xf32, #tpu.memory_space<hbm>>) target(%arg12 : memref<128x128xf32, #tpu.memory_space<vmem>>) offsets(%dma_start3A_157 : memref<128xi32, #tpu.memory_space<vmem>>) semaphore(%arg16 : memref<!tpu.dma_semaphore, #tpu.memory_space<semaphore_mem>>)
        %add3A_161 = arith.constant 1 : i32
        %add3A_162 = arith.addi %while3A_106, %add3A_161 : i32
        %lt3A_163 = arith.cmpi slt, %add3A_162, %select_n3A_22 : i32
        %convert_element_type3A_164 = arith.extui %lt3A_163 : i1 to i32
        %cond3A_165 = arith.constant 0 : i32
        %cond3A_166 = arith.cmpi ne, %convert_element_type3A_164, %cond3A_165 : i32
        scf.if %cond3A_166 {
          %add3A_251 = arith.constant 1 : i32
          %add3A_252 = arith.addi %while3A_106, %add3A_251 : i32
          %add3A_253 = arith.addi %select_n3A, %add3A_252 : i32
          %dma_start3A_254 = arith.constant 1 : i32
          %dma_start3A_255 = arith.constant 0 : i32
          %dma_start3A_256 = arith.constant 0 : i32
          %dma_start3A_257 = tpu.memref_slice %arg3[%dma_start3A_254, %add3A_253, %dma_start3A_255, %dma_start3A_256] : memref<2x625x4x128xi32, #tpu.memory_space<hbm>> -> memref<1x1x4x128xi32, #tpu.memory_space<hbm>>
          %dma_start3A_258 = tpu.memref_squeeze %dma_start3A_257 : memref<1x1x4x128xi32, #tpu.memory_space<hbm>> -> memref<4x128xi32, #tpu.memory_space<hbm>>
          %dma_start3A_259 = arith.constant 0 : i32
          %dma_start3A_260 = arith.constant 0 : i32
          %dma_start3A_261 = tpu.memref_slice %arg3[%dma_start3A_254, %add3A_253, %dma_start3A_259, %dma_start3A_260] : memref<2x625x4x128xi32, #tpu.memory_space<hbm>> -> memref<1x1x4x128xi32, #tpu.memory_space<hbm>>
          %dma_start3A_262 = tpu.memref_squeeze %dma_start3A_261 : memref<1x1x4x128xi32, #tpu.memory_space<hbm>> -> memref<4x128xi32, #tpu.memory_space<hbm>>
          tpu.enqueue_dma source(%dma_start3A_262 : memref<4x128xi32, #tpu.memory_space<hbm>>) target(%arg8 : memref<4x128xi32, #tpu.memory_space<vmem>>) target_semaphore(%arg14 : memref<!tpu.dma_semaphore, #tpu.memory_space<semaphore_mem>>)
          %add3A_263 = arith.addi %select_n3A, %add3A_252 : i32
          %dma_start3A_264 = arith.constant 0 : i32
          %dma_start3A_265 = arith.constant 0 : i32
          %dma_start3A_266 = arith.constant 0 : i32
          %dma_start3A_267 = tpu.memref_slice %arg3[%dma_start3A_264, %add3A_263, %dma_start3A_265, %dma_start3A_266] : memref<2x625x4x128xi32, #tpu.memory_space<hbm>> -> memref<1x1x4x128xi32, #tpu.memory_space<hbm>>
          %dma_start3A_268 = tpu.memref_squeeze %dma_start3A_267 : memref<1x1x4x128xi32, #tpu.memory_space<hbm>> -> memref<4x128xi32, #tpu.memory_space<hbm>>
          %dma_start3A_269 = arith.constant 0 : i32
          %dma_start3A_270 = arith.constant 0 : i32
          %dma_start3A_271 = tpu.memref_slice %arg3[%dma_start3A_264, %add3A_263, %dma_start3A_269, %dma_start3A_270] : memref<2x625x4x128xi32, #tpu.memory_space<hbm>> -> memref<1x1x4x128xi32, #tpu.memory_space<hbm>>
          %dma_start3A_272 = tpu.memref_squeeze %dma_start3A_271 : memref<1x1x4x128xi32, #tpu.memory_space<hbm>> -> memref<4x128xi32, #tpu.memory_space<hbm>>
          tpu.enqueue_dma source(%dma_start3A_272 : memref<4x128xi32, #tpu.memory_space<hbm>>) target(%arg10 : memref<4x128xi32, #tpu.memory_space<vmem>>) target_semaphore(%arg14 : memref<!tpu.dma_semaphore, #tpu.memory_space<semaphore_mem>>)
        } else {
        }
        %dma_wait3A_167 = arith.constant 0 : i32
        %dma_wait3A_168 = arith.constant 0 : i32
        %dma_wait3A_169 = tpu.memref_slice %arg7[%dma_wait3A_167, %dma_wait3A_168] : memref<4x128xi32, #tpu.memory_space<vmem>> -> memref<1x128xi32, #tpu.memory_space<vmem>>
        %dma_wait3A_170 = tpu.memref_squeeze %dma_wait3A_169 : memref<1x128xi32, #tpu.memory_space<vmem>> -> memref<128xi32, #tpu.memory_space<vmem>>
        %dma_wait3A_171 = arith.constant 0 : i32
        %dma_wait3A_172 = arith.constant 0 : i32
        %dma_wait3A_173 = tpu.memref_slice %arg2[%dma_wait3A_171, %dma_wait3A_172] : memref<10000x128xf32, #tpu.memory_space<hbm>> -> memref<10000x128xf32, #tpu.memory_space<hbm>>
        tpu.wait_indirect_dma semaphore(%arg15 : memref<!tpu.dma_semaphore, #tpu.memory_space<semaphore_mem>>) src(%dma_wait3A_173 : memref<10000x128xf32, #tpu.memory_space<hbm>>) dst(%arg11 : memref<128x128xf32, #tpu.memory_space<vmem>>)
        %dma_start3A_174 = arith.constant 0 : i32
        %dma_start3A_175 = arith.constant 0 : i32
        %dma_start3A_176 = tpu.memref_slice %arg9[%dma_start3A_174, %dma_start3A_175] : memref<4x128xi32, #tpu.memory_space<vmem>> -> memref<1x128xi32, #tpu.memory_space<vmem>>
        %dma_start3A_177 = tpu.memref_squeeze %dma_start3A_176 : memref<1x128xi32, #tpu.memory_space<vmem>> -> memref<128xi32, #tpu.memory_space<vmem>>
        %dma_start3A_178 = arith.constant 0 : i32
        %dma_start3A_179 = arith.constant 0 : i32
        %dma_start3A_180 = tpu.memref_slice %arg19[%dma_start3A_178, %dma_start3A_179] : memref<10000x128xf32, #tpu.memory_space<vmem_shared>> -> memref<10000x128xf32, #tpu.memory_space<vmem_shared>>
        tpu.enqueue_indirect_dma source(%arg11 : memref<128x128xf32, #tpu.memory_space<vmem>>) target(%dma_start3A_180 : memref<10000x128xf32, #tpu.memory_space<vmem_shared>>) offsets(%dma_start3A_177 : memref<128xi32, #tpu.memory_space<vmem>>) semaphore(%arg17 : memref<!tpu.dma_semaphore, #tpu.memory_space<semaphore_mem>>) {add = true}
        %dma_wait3A_181 = arith.constant 1 : i32
        %dma_wait3A_182 = arith.constant 0 : i32
        %dma_wait3A_183 = tpu.memref_slice %arg7[%dma_wait3A_181, %dma_wait3A_182] : memref<4x128xi32, #tpu.memory_space<vmem>> -> memref<1x128xi32, #tpu.memory_space<vmem>>
        %dma_wait3A_184 = tpu.memref_squeeze %dma_wait3A_183 : memref<1x128xi32, #tpu.memory_space<vmem>> -> memref<128xi32, #tpu.memory_space<vmem>>
        %dma_wait3A_185 = arith.constant 0 : i32
        %dma_wait3A_186 = arith.constant 0 : i32
        %dma_wait3A_187 = tpu.memref_slice %arg2[%dma_wait3A_185, %dma_wait3A_186] : memref<10000x128xf32, #tpu.memory_space<hbm>> -> memref<10000x128xf32, #tpu.memory_space<hbm>>
        tpu.wait_indirect_dma semaphore(%arg16 : memref<!tpu.dma_semaphore, #tpu.memory_space<semaphore_mem>>) src(%dma_wait3A_187 : memref<10000x128xf32, #tpu.memory_space<hbm>>) dst(%arg12 : memref<128x128xf32, #tpu.memory_space<vmem>>)
        %dma_start3A_188 = arith.constant 1 : i32
        %dma_start3A_189 = arith.constant 0 : i32
        %dma_start3A_190 = tpu.memref_slice %arg9[%dma_start3A_188, %dma_start3A_189] : memref<4x128xi32, #tpu.memory_space<vmem>> -> memref<1x128xi32, #tpu.memory_space<vmem>>
        %dma_start3A_191 = tpu.memref_squeeze %dma_start3A_190 : memref<1x128xi32, #tpu.memory_space<vmem>> -> memref<128xi32, #tpu.memory_space<vmem>>
        %dma_start3A_192 = arith.constant 0 : i32
        %dma_start3A_193 = arith.constant 0 : i32
        %dma_start3A_194 = tpu.memref_slice %arg19[%dma_start3A_192, %dma_start3A_193] : memref<10000x128xf32, #tpu.memory_space<vmem_shared>> -> memref<10000x128xf32, #tpu.memory_space<vmem_shared>>
        tpu.enqueue_indirect_dma source(%arg12 : memref<128x128xf32, #tpu.memory_space<vmem>>) target(%dma_start3A_194 : memref<10000x128xf32, #tpu.memory_space<vmem_shared>>) offsets(%dma_start3A_191 : memref<128xi32, #tpu.memory_space<vmem>>) semaphore(%arg18 : memref<!tpu.dma_semaphore, #tpu.memory_space<semaphore_mem>>) {add = true}
        %dma_wait3A_195 = arith.constant 0 : i32
        %dma_wait3A_196 = arith.constant 0 : i32
        %dma_wait3A_197 = tpu.memref_slice %arg9[%dma_wait3A_195, %dma_wait3A_196] : memref<4x128xi32, #tpu.memory_space<vmem>> -> memref<1x128xi32, #tpu.memory_space<vmem>>
        %dma_wait3A_198 = tpu.memref_squeeze %dma_wait3A_197 : memref<1x128xi32, #tpu.memory_space<vmem>> -> memref<128xi32, #tpu.memory_space<vmem>>
        %dma_wait3A_199 = arith.constant 0 : i32
        %dma_wait3A_200 = arith.constant 0 : i32
        %dma_wait3A_201 = tpu.memref_slice %arg19[%dma_wait3A_199, %dma_wait3A_200] : memref<10000x128xf32, #tpu.memory_space<vmem_shared>> -> memref<10000x128xf32, #tpu.memory_space<vmem_shared>>
        tpu.wait_indirect_dma semaphore(%arg17 : memref<!tpu.dma_semaphore, #tpu.memory_space<semaphore_mem>>) src(%arg11 : memref<128x128xf32, #tpu.memory_space<vmem>>) dst(%dma_wait3A_201 : memref<10000x128xf32, #tpu.memory_space<vmem_shared>>)
        %dma_start3A_202 = arith.constant 2 : i32
        %dma_start3A_203 = arith.constant 0 : i32
        %dma_start3A_204 = tpu.memref_slice %arg7[%dma_start3A_202, %dma_start3A_203] : memref<4x128xi32, #tpu.memory_space<vmem>> -> memref<1x128xi32, #tpu.memory_space<vmem>>
        %dma_start3A_205 = tpu.memref_squeeze %dma_start3A_204 : memref<1x128xi32, #tpu.memory_space<vmem>> -> memref<128xi32, #tpu.memory_space<vmem>>
        %dma_start3A_206 = arith.constant 0 : i32
        %dma_start3A_207 = arith.constant 0 : i32
        %dma_start3A_208 = tpu.memref_slice %arg2[%dma_start3A_206, %dma_start3A_207] : memref<10000x128xf32, #tpu.memory_space<hbm>> -> memref<10000x128xf32, #tpu.memory_space<hbm>>
        tpu.enqueue_indirect_dma source(%dma_start3A_208 : memref<10000x128xf32, #tpu.memory_space<hbm>>) target(%arg11 : memref<128x128xf32, #tpu.memory_space<vmem>>) offsets(%dma_start3A_205 : memref<128xi32, #tpu.memory_space<vmem>>) semaphore(%arg15 : memref<!tpu.dma_semaphore, #tpu.memory_space<semaphore_mem>>)
        %dma_wait3A_209 = arith.constant 1 : i32
        %dma_wait3A_210 = arith.constant 0 : i32
        %dma_wait3A_211 = tpu.memref_slice %arg9[%dma_wait3A_209, %dma_wait3A_210] : memref<4x128xi32, #tpu.memory_space<vmem>> -> memref<1x128xi32, #tpu.memory_space<vmem>>
        %dma_wait3A_212 = tpu.memref_squeeze %dma_wait3A_211 : memref<1x128xi32, #tpu.memory_space<vmem>> -> memref<128xi32, #tpu.memory_space<vmem>>
        %dma_wait3A_213 = arith.constant 0 : i32
        %dma_wait3A_214 = arith.constant 0 : i32
        %dma_wait3A_215 = tpu.memref_slice %arg19[%dma_wait3A_213, %dma_wait3A_214] : memref<10000x128xf32, #tpu.memory_space<vmem_shared>> -> memref<10000x128xf32, #tpu.memory_space<vmem_shared>>
        tpu.wait_indirect_dma semaphore(%arg18 : memref<!tpu.dma_semaphore, #tpu.memory_space<semaphore_mem>>) src(%arg12 : memref<128x128xf32, #tpu.memory_space<vmem>>) dst(%dma_wait3A_215 : memref<10000x128xf32, #tpu.memory_space<vmem_shared>>)
        %dma_start3A_216 = arith.constant 3 : i32
        %dma_start3A_217 = arith.constant 0 : i32
        %dma_start3A_218 = tpu.memref_slice %arg7[%dma_start3A_216, %dma_start3A_217] : memref<4x128xi32, #tpu.memory_space<vmem>> -> memref<1x128xi32, #tpu.memory_space<vmem>>
        %dma_start3A_219 = tpu.memref_squeeze %dma_start3A_218 : memref<1x128xi32, #tpu.memory_space<vmem>> -> memref<128xi32, #tpu.memory_space<vmem>>
        %dma_start3A_220 = arith.constant 0 : i32
        %dma_start3A_221 = arith.constant 0 : i32
        %dma_start3A_222 = tpu.memref_slice %arg2[%dma_start3A_220, %dma_start3A_221] : memref<10000x128xf32, #tpu.memory_space<hbm>> -> memref<10000x128xf32, #tpu.memory_space<hbm>>
        tpu.enqueue_indirect_dma source(%dma_start3A_222 : memref<10000x128xf32, #tpu.memory_space<hbm>>) target(%arg12 : memref<128x128xf32, #tpu.memory_space<vmem>>) offsets(%dma_start3A_219 : memref<128xi32, #tpu.memory_space<vmem>>) semaphore(%arg16 : memref<!tpu.dma_semaphore, #tpu.memory_space<semaphore_mem>>)
        %dma_wait3A_223 = arith.constant 2 : i32
        %dma_wait3A_224 = arith.constant 0 : i32
        %dma_wait3A_225 = tpu.memref_slice %arg7[%dma_wait3A_223, %dma_wait3A_224] : memref<4x128xi32, #tpu.memory_space<vmem>> -> memref<1x128xi32, #tpu.memory_space<vmem>>
        %dma_wait3A_226 = tpu.memref_squeeze %dma_wait3A_225 : memref<1x128xi32, #tpu.memory_space<vmem>> -> memref<128xi32, #tpu.memory_space<vmem>>
        %dma_wait3A_227 = arith.constant 0 : i32
        %dma_wait3A_228 = arith.constant 0 : i32
        %dma_wait3A_229 = tpu.memref_slice %arg2[%dma_wait3A_227, %dma_wait3A_228] : memref<10000x128xf32, #tpu.memory_space<hbm>> -> memref<10000x128xf32, #tpu.memory_space<hbm>>
        tpu.wait_indirect_dma semaphore(%arg15 : memref<!tpu.dma_semaphore, #tpu.memory_space<semaphore_mem>>) src(%dma_wait3A_229 : memref<10000x128xf32, #tpu.memory_space<hbm>>) dst(%arg11 : memref<128x128xf32, #tpu.memory_space<vmem>>)
        %dma_start3A_230 = arith.constant 2 : i32
        %dma_start3A_231 = arith.constant 0 : i32
        %dma_start3A_232 = tpu.memref_slice %arg9[%dma_start3A_230, %dma_start3A_231] : memref<4x128xi32, #tpu.memory_space<vmem>> -> memref<1x128xi32, #tpu.memory_space<vmem>>
        %dma_start3A_233 = tpu.memref_squeeze %dma_start3A_232 : memref<1x128xi32, #tpu.memory_space<vmem>> -> memref<128xi32, #tpu.memory_space<vmem>>
        %dma_start3A_234 = arith.constant 0 : i32
        %dma_start3A_235 = arith.constant 0 : i32
        %dma_start3A_236 = tpu.memref_slice %arg19[%dma_start3A_234, %dma_start3A_235] : memref<10000x128xf32, #tpu.memory_space<vmem_shared>> -> memref<10000x128xf32, #tpu.memory_space<vmem_shared>>
        tpu.enqueue_indirect_dma source(%arg11 : memref<128x128xf32, #tpu.memory_space<vmem>>) target(%dma_start3A_236 : memref<10000x128xf32, #tpu.memory_space<vmem_shared>>) offsets(%dma_start3A_233 : memref<128xi32, #tpu.memory_space<vmem>>) semaphore(%arg17 : memref<!tpu.dma_semaphore, #tpu.memory_space<semaphore_mem>>) {add = true}
        %dma_wait3A_237 = arith.constant 3 : i32
        %dma_wait3A_238 = arith.constant 0 : i32
        %dma_wait3A_239 = tpu.memref_slice %arg7[%dma_wait3A_237, %dma_wait3A_238] : memref<4x128xi32, #tpu.memory_space<vmem>> -> memref<1x128xi32, #tpu.memory_space<vmem>>
        %dma_wait3A_240 = tpu.memref_squeeze %dma_wait3A_239 : memref<1x128xi32, #tpu.memory_space<vmem>> -> memref<128xi32, #tpu.memory_space<vmem>>
        %dma_wait3A_241 = arith.constant 0 : i32
        %dma_wait3A_242 = arith.constant 0 : i32
        %dma_wait3A_243 = tpu.memref_slice %arg2[%dma_wait3A_241, %dma_wait3A_242] : memref<10000x128xf32, #tpu.memory_space<hbm>> -> memref<10000x128xf32, #tpu.memory_space<hbm>>
        tpu.wait_indirect_dma semaphore(%arg16 : memref<!tpu.dma_semaphore, #tpu.memory_space<semaphore_mem>>) src(%dma_wait3A_243 : memref<10000x128xf32, #tpu.memory_space<hbm>>) dst(%arg12 : memref<128x128xf32, #tpu.memory_space<vmem>>)
        %dma_start3A_244 = arith.constant 3 : i32
        %dma_start3A_245 = arith.constant 0 : i32
        %dma_start3A_246 = tpu.memref_slice %arg9[%dma_start3A_244, %dma_start3A_245] : memref<4x128xi32, #tpu.memory_space<vmem>> -> memref<1x128xi32, #tpu.memory_space<vmem>>
        %dma_start3A_247 = tpu.memref_squeeze %dma_start3A_246 : memref<1x128xi32, #tpu.memory_space<vmem>> -> memref<128xi32, #tpu.memory_space<vmem>>
        %dma_start3A_248 = arith.constant 0 : i32
        %dma_start3A_249 = arith.constant 0 : i32
        %dma_start3A_250 = tpu.memref_slice %arg19[%dma_start3A_248, %dma_start3A_249] : memref<10000x128xf32, #tpu.memory_space<vmem_shared>> -> memref<10000x128xf32, #tpu.memory_space<vmem_shared>>
        tpu.enqueue_indirect_dma source(%arg12 : memref<128x128xf32, #tpu.memory_space<vmem>>) target(%dma_start3A_250 : memref<10000x128xf32, #tpu.memory_space<vmem_shared>>) offsets(%dma_start3A_247 : memref<128xi32, #tpu.memory_space<vmem>>) semaphore(%arg18 : memref<!tpu.dma_semaphore, #tpu.memory_space<semaphore_mem>>) {add = true}
      } else {
      }
      %eq3A_113 = arith.constant 1 : i32
      %eq3A_114 = arith.cmpi eq, %rem3A_107, %eq3A_113 : i32
      %convert_element_type3A_115 = arith.extui %eq3A_114 : i1 to i32
      %cond3A_116 = arith.constant 0 : i32
      %cond3A_117 = arith.cmpi ne, %convert_element_type3A_115, %cond3A_116 : i32
      scf.if %cond3A_117 {
        %add3A_118 = arith.addi %select_n3A, %while3A_106 : i32
        %dma_wait3A_119 = arith.constant 1 : i32
        %dma_wait3A_120 = arith.constant 0 : i32
        %dma_wait3A_121 = arith.constant 0 : i32
        %dma_wait3A_122 = tpu.memref_slice %arg3[%dma_wait3A_119, %add3A_118, %dma_wait3A_120, %dma_wait3A_121] : memref<2x625x4x128xi32, #tpu.memory_space<hbm>> -> memref<1x1x4x128xi32, #tpu.memory_space<hbm>>
        %dma_wait3A_123 = tpu.memref_squeeze %dma_wait3A_122 : memref<1x1x4x128xi32, #tpu.memory_space<hbm>> -> memref<4x128xi32, #tpu.memory_space<hbm>>
        %dma_wait3A_124 = arith.constant 0 : i32
        %dma_wait3A_125 = arith.constant 0 : i32
        %dma_wait3A_126 = tpu.memref_slice %arg3[%dma_wait3A_119, %add3A_118, %dma_wait3A_124, %dma_wait3A_125] : memref<2x625x4x128xi32, #tpu.memory_space<hbm>> -> memref<1x1x4x128xi32, #tpu.memory_space<hbm>>
        %dma_wait3A_127 = tpu.memref_squeeze %dma_wait3A_126 : memref<1x1x4x128xi32, #tpu.memory_space<hbm>> -> memref<4x128xi32, #tpu.memory_space<hbm>>
        tpu.wait_dma2 semaphore(%arg14 : memref<!tpu.dma_semaphore, #tpu.memory_space<semaphore_mem>>) src(%dma_wait3A_127 : memref<4x128xi32, #tpu.memory_space<hbm>>) dst(%arg8 : memref<4x128xi32, #tpu.memory_space<vmem>>)
        %add3A_128 = arith.addi %select_n3A, %while3A_106 : i32
        %dma_wait3A_129 = arith.constant 0 : i32
        %dma_wait3A_130 = arith.constant 0 : i32
        %dma_wait3A_131 = arith.constant 0 : i32
        %dma_wait3A_132 = tpu.memref_slice %arg3[%dma_wait3A_129, %add3A_128, %dma_wait3A_130, %dma_wait3A_131] : memref<2x625x4x128xi32, #tpu.memory_space<hbm>> -> memref<1x1x4x128xi32, #tpu.memory_space<hbm>>
        %dma_wait3A_133 = tpu.memref_squeeze %dma_wait3A_132 : memref<1x1x4x128xi32, #tpu.memory_space<hbm>> -> memref<4x128xi32, #tpu.memory_space<hbm>>
        %dma_wait3A_134 = arith.constant 0 : i32
        %dma_wait3A_135 = arith.constant 0 : i32
        %dma_wait3A_136 = tpu.memref_slice %arg3[%dma_wait3A_129, %add3A_128, %dma_wait3A_134, %dma_wait3A_135] : memref<2x625x4x128xi32, #tpu.memory_space<hbm>> -> memref<1x1x4x128xi32, #tpu.memory_space<hbm>>
        %dma_wait3A_137 = tpu.memref_squeeze %dma_wait3A_136 : memref<1x1x4x128xi32, #tpu.memory_space<hbm>> -> memref<4x128xi32, #tpu.memory_space<hbm>>
        tpu.wait_dma2 semaphore(%arg14 : memref<!tpu.dma_semaphore, #tpu.memory_space<semaphore_mem>>) src(%dma_wait3A_137 : memref<4x128xi32, #tpu.memory_space<hbm>>) dst(%arg10 : memref<4x128xi32, #tpu.memory_space<vmem>>)
        %gt3A = arith.constant 0 : i32
        %gt3A_138 = arith.cmpi sgt, %while3A_106, %gt3A : i32
        %convert_element_type3A_139 = arith.extui %gt3A_138 : i1 to i32
        %cond3A_140 = arith.constant 0 : i32
        %cond3A_141 = arith.cmpi ne, %convert_element_type3A_139, %cond3A_140 : i32
        scf.if %cond3A_141 {
          %dma_wait3A_251 = arith.constant 2 : i32
          %dma_wait3A_252 = arith.constant 0 : i32
          %dma_wait3A_253 = tpu.memref_slice %arg9[%dma_wait3A_251, %dma_wait3A_252] : memref<4x128xi32, #tpu.memory_space<vmem>> -> memref<1x128xi32, #tpu.memory_space<vmem>>
          %dma_wait3A_254 = tpu.memref_squeeze %dma_wait3A_253 : memref<1x128xi32, #tpu.memory_space<vmem>> -> memref<128xi32, #tpu.memory_space<vmem>>
          %dma_wait3A_255 = arith.constant 0 : i32
          %dma_wait3A_256 = arith.constant 0 : i32
          %dma_wait3A_257 = tpu.memref_slice %arg19[%dma_wait3A_255, %dma_wait3A_256] : memref<10000x128xf32, #tpu.memory_space<vmem_shared>> -> memref<10000x128xf32, #tpu.memory_space<vmem_shared>>
          tpu.wait_indirect_dma semaphore(%arg17 : memref<!tpu.dma_semaphore, #tpu.memory_space<semaphore_mem>>) src(%arg11 : memref<128x128xf32, #tpu.memory_space<vmem>>) dst(%dma_wait3A_257 : memref<10000x128xf32, #tpu.memory_space<vmem_shared>>)
        } else {
        }
        %dma_start3A_142 = arith.constant 0 : i32
        %dma_start3A_143 = arith.constant 0 : i32
        %dma_start3A_144 = tpu.memref_slice %arg8[%dma_start3A_142, %dma_start3A_143] : memref<4x128xi32, #tpu.memory_space<vmem>> -> memref<1x128xi32, #tpu.memory_space<vmem>>
        %dma_start3A_145 = tpu.memref_squeeze %dma_start3A_144 : memref<1x128xi32, #tpu.memory_space<vmem>> -> memref<128xi32, #tpu.memory_space<vmem>>
        %dma_start3A_146 = arith.constant 0 : i32
        %dma_start3A_147 = arith.constant 0 : i32
        %dma_start3A_148 = tpu.memref_slice %arg2[%dma_start3A_146, %dma_start3A_147] : memref<10000x128xf32, #tpu.memory_space<hbm>> -> memref<10000x128xf32, #tpu.memory_space<hbm>>
        tpu.enqueue_indirect_dma source(%dma_start3A_148 : memref<10000x128xf32, #tpu.memory_space<hbm>>) target(%arg11 : memref<128x128xf32, #tpu.memory_space<vmem>>) offsets(%dma_start3A_145 : memref<128xi32, #tpu.memory_space<vmem>>) semaphore(%arg15 : memref<!tpu.dma_semaphore, #tpu.memory_space<semaphore_mem>>)
        %gt3A_149 = arith.constant 0 : i32
        %gt3A_150 = arith.cmpi sgt, %while3A_106, %gt3A_149 : i32
        %convert_element_type3A_151 = arith.extui %gt3A_150 : i1 to i32
        %cond3A_152 = arith.constant 0 : i32
        %cond3A_153 = arith.cmpi ne, %convert_element_type3A_151, %cond3A_152 : i32
        scf.if %cond3A_153 {
          %dma_wait3A_251 = arith.constant 3 : i32
          %dma_wait3A_252 = arith.constant 0 : i32
          %dma_wait3A_253 = tpu.memref_slice %arg9[%dma_wait3A_251, %dma_wait3A_252] : memref<4x128xi32, #tpu.memory_space<vmem>> -> memref<1x128xi32, #tpu.memory_space<vmem>>
          %dma_wait3A_254 = tpu.memref_squeeze %dma_wait3A_253 : memref<1x128xi32, #tpu.memory_space<vmem>> -> memref<128xi32, #tpu.memory_space<vmem>>
          %dma_wait3A_255 = arith.constant 0 : i32
          %dma_wait3A_256 = arith.constant 0 : i32
          %dma_wait3A_257 = tpu.memref_slice %arg19[%dma_wait3A_255, %dma_wait3A_256] : memref<10000x128xf32, #tpu.memory_space<vmem_shared>> -> memref<10000x128xf32, #tpu.memory_space<vmem_shared>>
          tpu.wait_indirect_dma semaphore(%arg18 : memref<!tpu.dma_semaphore, #tpu.memory_space<semaphore_mem>>) src(%arg12 : memref<128x128xf32, #tpu.memory_space<vmem>>) dst(%dma_wait3A_257 : memref<10000x128xf32, #tpu.memory_space<vmem_shared>>)
        } else {
        }
        %dma_start3A_154 = arith.constant 1 : i32
        %dma_start3A_155 = arith.constant 0 : i32
        %dma_start3A_156 = tpu.memref_slice %arg8[%dma_start3A_154, %dma_start3A_155] : memref<4x128xi32, #tpu.memory_space<vmem>> -> memref<1x128xi32, #tpu.memory_space<vmem>>
        %dma_start3A_157 = tpu.memref_squeeze %dma_start3A_156 : memref<1x128xi32, #tpu.memory_space<vmem>> -> memref<128xi32, #tpu.memory_space<vmem>>
        %dma_start3A_158 = arith.constant 0 : i32
        %dma_start3A_159 = arith.constant 0 : i32
        %dma_start3A_160 = tpu.memref_slice %arg2[%dma_start3A_158, %dma_start3A_159] : memref<10000x128xf32, #tpu.memory_space<hbm>> -> memref<10000x128xf32, #tpu.memory_space<hbm>>
        tpu.enqueue_indirect_dma source(%dma_start3A_160 : memref<10000x128xf32, #tpu.memory_space<hbm>>) target(%arg12 : memref<128x128xf32, #tpu.memory_space<vmem>>) offsets(%dma_start3A_157 : memref<128xi32, #tpu.memory_space<vmem>>) semaphore(%arg16 : memref<!tpu.dma_semaphore, #tpu.memory_space<semaphore_mem>>)
        %add3A_161 = arith.constant 1 : i32
        %add3A_162 = arith.addi %while3A_106, %add3A_161 : i32
        %lt3A_163 = arith.cmpi slt, %add3A_162, %select_n3A_22 : i32
        %convert_element_type3A_164 = arith.extui %lt3A_163 : i1 to i32
        %cond3A_165 = arith.constant 0 : i32
        %cond3A_166 = arith.cmpi ne, %convert_element_type3A_164, %cond3A_165 : i32
        scf.if %cond3A_166 {
          %add3A_251 = arith.constant 1 : i32
          %add3A_252 = arith.addi %while3A_106, %add3A_251 : i32
          %add3A_253 = arith.addi %select_n3A, %add3A_252 : i32
          %dma_start3A_254 = arith.constant 1 : i32
          %dma_start3A_255 = arith.constant 0 : i32
          %dma_start3A_256 = arith.constant 0 : i32
          %dma_start3A_257 = tpu.memref_slice %arg3[%dma_start3A_254, %add3A_253, %dma_start3A_255, %dma_start3A_256] : memref<2x625x4x128xi32, #tpu.memory_space<hbm>> -> memref<1x1x4x128xi32, #tpu.memory_space<hbm>>
          %dma_start3A_258 = tpu.memref_squeeze %dma_start3A_257 : memref<1x1x4x128xi32, #tpu.memory_space<hbm>> -> memref<4x128xi32, #tpu.memory_space<hbm>>
          %dma_start3A_259 = arith.constant 0 : i32
          %dma_start3A_260 = arith.constant 0 : i32
          %dma_start3A_261 = tpu.memref_slice %arg3[%dma_start3A_254, %add3A_253, %dma_start3A_259, %dma_start3A_260] : memref<2x625x4x128xi32, #tpu.memory_space<hbm>> -> memref<1x1x4x128xi32, #tpu.memory_space<hbm>>
          %dma_start3A_262 = tpu.memref_squeeze %dma_start3A_261 : memref<1x1x4x128xi32, #tpu.memory_space<hbm>> -> memref<4x128xi32, #tpu.memory_space<hbm>>
          tpu.enqueue_dma source(%dma_start3A_262 : memref<4x128xi32, #tpu.memory_space<hbm>>) target(%arg7 : memref<4x128xi32, #tpu.memory_space<vmem>>) target_semaphore(%arg13 : memref<!tpu.dma_semaphore, #tpu.memory_space<semaphore_mem>>)
          %add3A_263 = arith.addi %select_n3A, %add3A_252 : i32
          %dma_start3A_264 = arith.constant 0 : i32
          %dma_start3A_265 = arith.constant 0 : i32
          %dma_start3A_266 = arith.constant 0 : i32
          %dma_start3A_267 = tpu.memref_slice %arg3[%dma_start3A_264, %add3A_263, %dma_start3A_265, %dma_start3A_266] : memref<2x625x4x128xi32, #tpu.memory_space<hbm>> -> memref<1x1x4x128xi32, #tpu.memory_space<hbm>>
          %dma_start3A_268 = tpu.memref_squeeze %dma_start3A_267 : memref<1x1x4x128xi32, #tpu.memory_space<hbm>> -> memref<4x128xi32, #tpu.memory_space<hbm>>
          %dma_start3A_269 = arith.constant 0 : i32
          %dma_start3A_270 = arith.constant 0 : i32
          %dma_start3A_271 = tpu.memref_slice %arg3[%dma_start3A_264, %add3A_263, %dma_start3A_269, %dma_start3A_270] : memref<2x625x4x128xi32, #tpu.memory_space<hbm>> -> memref<1x1x4x128xi32, #tpu.memory_space<hbm>>
          %dma_start3A_272 = tpu.memref_squeeze %dma_start3A_271 : memref<1x1x4x128xi32, #tpu.memory_space<hbm>> -> memref<4x128xi32, #tpu.memory_space<hbm>>
          tpu.enqueue_dma source(%dma_start3A_272 : memref<4x128xi32, #tpu.memory_space<hbm>>) target(%arg9 : memref<4x128xi32, #tpu.memory_space<vmem>>) target_semaphore(%arg13 : memref<!tpu.dma_semaphore, #tpu.memory_space<semaphore_mem>>)
        } else {
        }
        %dma_wait3A_167 = arith.constant 0 : i32
        %dma_wait3A_168 = arith.constant 0 : i32
        %dma_wait3A_169 = tpu.memref_slice %arg8[%dma_wait3A_167, %dma_wait3A_168] : memref<4x128xi32, #tpu.memory_space<vmem>> -> memref<1x128xi32, #tpu.memory_space<vmem>>
        %dma_wait3A_170 = tpu.memref_squeeze %dma_wait3A_169 : memref<1x128xi32, #tpu.memory_space<vmem>> -> memref<128xi32, #tpu.memory_space<vmem>>
        %dma_wait3A_171 = arith.constant 0 : i32
        %dma_wait3A_172 = arith.constant 0 : i32
        %dma_wait3A_173 = tpu.memref_slice %arg2[%dma_wait3A_171, %dma_wait3A_172] : memref<10000x128xf32, #tpu.memory_space<hbm>> -> memref<10000x128xf32, #tpu.memory_space<hbm>>
        tpu.wait_indirect_dma semaphore(%arg15 : memref<!tpu.dma_semaphore, #tpu.memory_space<semaphore_mem>>) src(%dma_wait3A_173 : memref<10000x128xf32, #tpu.memory_space<hbm>>) dst(%arg11 : memref<128x128xf32, #tpu.memory_space<vmem>>)
        %dma_start3A_174 = arith.constant 0 : i32
        %dma_start3A_175 = arith.constant 0 : i32
        %dma_start3A_176 = tpu.memref_slice %arg10[%dma_start3A_174, %dma_start3A_175] : memref<4x128xi32, #tpu.memory_space<vmem>> -> memref<1x128xi32, #tpu.memory_space<vmem>>
        %dma_start3A_177 = tpu.memref_squeeze %dma_start3A_176 : memref<1x128xi32, #tpu.memory_space<vmem>> -> memref<128xi32, #tpu.memory_space<vmem>>
        %dma_start3A_178 = arith.constant 0 : i32
        %dma_start3A_179 = arith.constant 0 : i32
        %dma_start3A_180 = tpu.memref_slice %arg19[%dma_start3A_178, %dma_start3A_179] : memref<10000x128xf32, #tpu.memory_space<vmem_shared>> -> memref<10000x128xf32, #tpu.memory_space<vmem_shared>>
        tpu.enqueue_indirect_dma source(%arg11 : memref<128x128xf32, #tpu.memory_space<vmem>>) target(%dma_start3A_180 : memref<10000x128xf32, #tpu.memory_space<vmem_shared>>) offsets(%dma_start3A_177 : memref<128xi32, #tpu.memory_space<vmem>>) semaphore(%arg17 : memref<!tpu.dma_semaphore, #tpu.memory_space<semaphore_mem>>) {add = true}
        %dma_wait3A_181 = arith.constant 1 : i32
        %dma_wait3A_182 = arith.constant 0 : i32
        %dma_wait3A_183 = tpu.memref_slice %arg8[%dma_wait3A_181, %dma_wait3A_182] : memref<4x128xi32, #tpu.memory_space<vmem>> -> memref<1x128xi32, #tpu.memory_space<vmem>>
        %dma_wait3A_184 = tpu.memref_squeeze %dma_wait3A_183 : memref<1x128xi32, #tpu.memory_space<vmem>> -> memref<128xi32, #tpu.memory_space<vmem>>
        %dma_wait3A_185 = arith.constant 0 : i32
        %dma_wait3A_186 = arith.constant 0 : i32
        %dma_wait3A_187 = tpu.memref_slice %arg2[%dma_wait3A_185, %dma_wait3A_186] : memref<10000x128xf32, #tpu.memory_space<hbm>> -> memref<10000x128xf32, #tpu.memory_space<hbm>>
        tpu.wait_indirect_dma semaphore(%arg16 : memref<!tpu.dma_semaphore, #tpu.memory_space<semaphore_mem>>) src(%dma_wait3A_187 : memref<10000x128xf32, #tpu.memory_space<hbm>>) dst(%arg12 : memref<128x128xf32, #tpu.memory_space<vmem>>)
        %dma_start3A_188 = arith.constant 1 : i32
        %dma_start3A_189 = arith.constant 0 : i32
        %dma_start3A_190 = tpu.memref_slice %arg10[%dma_start3A_188, %dma_start3A_189] : memref<4x128xi32, #tpu.memory_space<vmem>> -> memref<1x128xi32, #tpu.memory_space<vmem>>
        %dma_start3A_191 = tpu.memref_squeeze %dma_start3A_190 : memref<1x128xi32, #tpu.memory_space<vmem>> -> memref<128xi32, #tpu.memory_space<vmem>>
        %dma_start3A_192 = arith.constant 0 : i32
        %dma_start3A_193 = arith.constant 0 : i32
        %dma_start3A_194 = tpu.memref_slice %arg19[%dma_start3A_192, %dma_start3A_193] : memref<10000x128xf32, #tpu.memory_space<vmem_shared>> -> memref<10000x128xf32, #tpu.memory_space<vmem_shared>>
        tpu.enqueue_indirect_dma source(%arg12 : memref<128x128xf32, #tpu.memory_space<vmem>>) target(%dma_start3A_194 : memref<10000x128xf32, #tpu.memory_space<vmem_shared>>) offsets(%dma_start3A_191 : memref<128xi32, #tpu.memory_space<vmem>>) semaphore(%arg18 : memref<!tpu.dma_semaphore, #tpu.memory_space<semaphore_mem>>) {add = true}
        %dma_wait3A_195 = arith.constant 0 : i32
        %dma_wait3A_196 = arith.constant 0 : i32
        %dma_wait3A_197 = tpu.memref_slice %arg10[%dma_wait3A_195, %dma_wait3A_196] : memref<4x128xi32, #tpu.memory_space<vmem>> -> memref<1x128xi32, #tpu.memory_space<vmem>>
        %dma_wait3A_198 = tpu.memref_squeeze %dma_wait3A_197 : memref<1x128xi32, #tpu.memory_space<vmem>> -> memref<128xi32, #tpu.memory_space<vmem>>
        %dma_wait3A_199 = arith.constant 0 : i32
        %dma_wait3A_200 = arith.constant 0 : i32
        %dma_wait3A_201 = tpu.memref_slice %arg19[%dma_wait3A_199, %dma_wait3A_200] : memref<10000x128xf32, #tpu.memory_space<vmem_shared>> -> memref<10000x128xf32, #tpu.memory_space<vmem_shared>>
        tpu.wait_indirect_dma semaphore(%arg17 : memref<!tpu.dma_semaphore, #tpu.memory_space<semaphore_mem>>) src(%arg11 : memref<128x128xf32, #tpu.memory_space<vmem>>) dst(%dma_wait3A_201 : memref<10000x128xf32, #tpu.memory_space<vmem_shared>>)
        %dma_start3A_202 = arith.constant 2 : i32
        %dma_start3A_203 = arith.constant 0 : i32
        %dma_start3A_204 = tpu.memref_slice %arg8[%dma_start3A_202, %dma_start3A_203] : memref<4x128xi32, #tpu.memory_space<vmem>> -> memref<1x128xi32, #tpu.memory_space<vmem>>
        %dma_start3A_205 = tpu.memref_squeeze %dma_start3A_204 : memref<1x128xi32, #tpu.memory_space<vmem>> -> memref<128xi32, #tpu.memory_space<vmem>>
        %dma_start3A_206 = arith.constant 0 : i32
        %dma_start3A_207 = arith.constant 0 : i32
        %dma_start3A_208 = tpu.memref_slice %arg2[%dma_start3A_206, %dma_start3A_207] : memref<10000x128xf32, #tpu.memory_space<hbm>> -> memref<10000x128xf32, #tpu.memory_space<hbm>>
        tpu.enqueue_indirect_dma source(%dma_start3A_208 : memref<10000x128xf32, #tpu.memory_space<hbm>>) target(%arg11 : memref<128x128xf32, #tpu.memory_space<vmem>>) offsets(%dma_start3A_205 : memref<128xi32, #tpu.memory_space<vmem>>) semaphore(%arg15 : memref<!tpu.dma_semaphore, #tpu.memory_space<semaphore_mem>>)
        %dma_wait3A_209 = arith.constant 1 : i32
        %dma_wait3A_210 = arith.constant 0 : i32
        %dma_wait3A_211 = tpu.memref_slice %arg10[%dma_wait3A_209, %dma_wait3A_210] : memref<4x128xi32, #tpu.memory_space<vmem>> -> memref<1x128xi32, #tpu.memory_space<vmem>>
        %dma_wait3A_212 = tpu.memref_squeeze %dma_wait3A_211 : memref<1x128xi32, #tpu.memory_space<vmem>> -> memref<128xi32, #tpu.memory_space<vmem>>
        %dma_wait3A_213 = arith.constant 0 : i32
        %dma_wait3A_214 = arith.constant 0 : i32
        %dma_wait3A_215 = tpu.memref_slice %arg19[%dma_wait3A_213, %dma_wait3A_214] : memref<10000x128xf32, #tpu.memory_space<vmem_shared>> -> memref<10000x128xf32, #tpu.memory_space<vmem_shared>>
        tpu.wait_indirect_dma semaphore(%arg18 : memref<!tpu.dma_semaphore, #tpu.memory_space<semaphore_mem>>) src(%arg12 : memref<128x128xf32, #tpu.memory_space<vmem>>) dst(%dma_wait3A_215 : memref<10000x128xf32, #tpu.memory_space<vmem_shared>>)
        %dma_start3A_216 = arith.constant 3 : i32
        %dma_start3A_217 = arith.constant 0 : i32
        %dma_start3A_218 = tpu.memref_slice %arg8[%dma_start3A_216, %dma_start3A_217] : memref<4x128xi32, #tpu.memory_space<vmem>> -> memref<1x128xi32, #tpu.memory_space<vmem>>
        %dma_start3A_219 = tpu.memref_squeeze %dma_start3A_218 : memref<1x128xi32, #tpu.memory_space<vmem>> -> memref<128xi32, #tpu.memory_space<vmem>>
        %dma_start3A_220 = arith.constant 0 : i32
        %dma_start3A_221 = arith.constant 0 : i32
        %dma_start3A_222 = tpu.memref_slice %arg2[%dma_start3A_220, %dma_start3A_221] : memref<10000x128xf32, #tpu.memory_space<hbm>> -> memref<10000x128xf32, #tpu.memory_space<hbm>>
        tpu.enqueue_indirect_dma source(%dma_start3A_222 : memref<10000x128xf32, #tpu.memory_space<hbm>>) target(%arg12 : memref<128x128xf32, #tpu.memory_space<vmem>>) offsets(%dma_start3A_219 : memref<128xi32, #tpu.memory_space<vmem>>) semaphore(%arg16 : memref<!tpu.dma_semaphore, #tpu.memory_space<semaphore_mem>>)
        %dma_wait3A_223 = arith.constant 2 : i32
        %dma_wait3A_224 = arith.constant 0 : i32
        %dma_wait3A_225 = tpu.memref_slice %arg8[%dma_wait3A_223, %dma_wait3A_224] : memref<4x128xi32, #tpu.memory_space<vmem>> -> memref<1x128xi32, #tpu.memory_space<vmem>>
        %dma_wait3A_226 = tpu.memref_squeeze %dma_wait3A_225 : memref<1x128xi32, #tpu.memory_space<vmem>> -> memref<128xi32, #tpu.memory_space<vmem>>
        %dma_wait3A_227 = arith.constant 0 : i32
        %dma_wait3A_228 = arith.constant 0 : i32
        %dma_wait3A_229 = tpu.memref_slice %arg2[%dma_wait3A_227, %dma_wait3A_228] : memref<10000x128xf32, #tpu.memory_space<hbm>> -> memref<10000x128xf32, #tpu.memory_space<hbm>>
        tpu.wait_indirect_dma semaphore(%arg15 : memref<!tpu.dma_semaphore, #tpu.memory_space<semaphore_mem>>) src(%dma_wait3A_229 : memref<10000x128xf32, #tpu.memory_space<hbm>>) dst(%arg11 : memref<128x128xf32, #tpu.memory_space<vmem>>)
        %dma_start3A_230 = arith.constant 2 : i32
        %dma_start3A_231 = arith.constant 0 : i32
        %dma_start3A_232 = tpu.memref_slice %arg10[%dma_start3A_230, %dma_start3A_231] : memref<4x128xi32, #tpu.memory_space<vmem>> -> memref<1x128xi32, #tpu.memory_space<vmem>>
        %dma_start3A_233 = tpu.memref_squeeze %dma_start3A_232 : memref<1x128xi32, #tpu.memory_space<vmem>> -> memref<128xi32, #tpu.memory_space<vmem>>
        %dma_start3A_234 = arith.constant 0 : i32
        %dma_start3A_235 = arith.constant 0 : i32
        %dma_start3A_236 = tpu.memref_slice %arg19[%dma_start3A_234, %dma_start3A_235] : memref<10000x128xf32, #tpu.memory_space<vmem_shared>> -> memref<10000x128xf32, #tpu.memory_space<vmem_shared>>
        tpu.enqueue_indirect_dma source(%arg11 : memref<128x128xf32, #tpu.memory_space<vmem>>) target(%dma_start3A_236 : memref<10000x128xf32, #tpu.memory_space<vmem_shared>>) offsets(%dma_start3A_233 : memref<128xi32, #tpu.memory_space<vmem>>) semaphore(%arg17 : memref<!tpu.dma_semaphore, #tpu.memory_space<semaphore_mem>>) {add = true}
        %dma_wait3A_237 = arith.constant 3 : i32
        %dma_wait3A_238 = arith.constant 0 : i32
        %dma_wait3A_239 = tpu.memref_slice %arg8[%dma_wait3A_237, %dma_wait3A_238] : memref<4x128xi32, #tpu.memory_space<vmem>> -> memref<1x128xi32, #tpu.memory_space<vmem>>
        %dma_wait3A_240 = tpu.memref_squeeze %dma_wait3A_239 : memref<1x128xi32, #tpu.memory_space<vmem>> -> memref<128xi32, #tpu.memory_space<vmem>>
        %dma_wait3A_241 = arith.constant 0 : i32
        %dma_wait3A_242 = arith.constant 0 : i32
        %dma_wait3A_243 = tpu.memref_slice %arg2[%dma_wait3A_241, %dma_wait3A_242] : memref<10000x128xf32, #tpu.memory_space<hbm>> -> memref<10000x128xf32, #tpu.memory_space<hbm>>
        tpu.wait_indirect_dma semaphore(%arg16 : memref<!tpu.dma_semaphore, #tpu.memory_space<semaphore_mem>>) src(%dma_wait3A_243 : memref<10000x128xf32, #tpu.memory_space<hbm>>) dst(%arg12 : memref<128x128xf32, #tpu.memory_space<vmem>>)
        %dma_start3A_244 = arith.constant 3 : i32
        %dma_start3A_245 = arith.constant 0 : i32
        %dma_start3A_246 = tpu.memref_slice %arg10[%dma_start3A_244, %dma_start3A_245] : memref<4x128xi32, #tpu.memory_space<vmem>> -> memref<1x128xi32, #tpu.memory_space<vmem>>
        %dma_start3A_247 = tpu.memref_squeeze %dma_start3A_246 : memref<1x128xi32, #tpu.memory_space<vmem>> -> memref<128xi32, #tpu.memory_space<vmem>>
        %dma_start3A_248 = arith.constant 0 : i32
        %dma_start3A_249 = arith.constant 0 : i32
        %dma_start3A_250 = tpu.memref_slice %arg19[%dma_start3A_248, %dma_start3A_249] : memref<10000x128xf32, #tpu.memory_space<vmem_shared>> -> memref<10000x128xf32, #tpu.memory_space<vmem_shared>>
        tpu.enqueue_indirect_dma source(%arg12 : memref<128x128xf32, #tpu.memory_space<vmem>>) target(%dma_start3A_250 : memref<10000x128xf32, #tpu.memory_space<vmem_shared>>) offsets(%dma_start3A_247 : memref<128xi32, #tpu.memory_space<vmem>>) semaphore(%arg18 : memref<!tpu.dma_semaphore, #tpu.memory_space<semaphore_mem>>) {add = true}
      } else {
      }
    }
    %while3A_52 = arith.constant 1 : i32
    scf.for %while3A_106 = %while3A_50 to %while3A_46 step %while3A_52  : i32 {
      %rem3A = arith.constant 2 : i32
      %rem3A_107 = arith.remsi %while3A_106, %rem3A : i32
      %eq3A_108 = arith.constant 0 : i32
      %eq3A_109 = arith.cmpi eq, %rem3A_107, %eq3A_108 : i32
      %convert_element_type3A_110 = arith.extui %eq3A_109 : i1 to i32
      %cond3A_111 = arith.constant 0 : i32
      %cond3A_112 = arith.cmpi ne, %convert_element_type3A_110, %cond3A_111 : i32
      scf.if %cond3A_112 {
        %add3A_118 = arith.addi %select_n3A, %while3A_106 : i32
        %dma_wait3A_119 = arith.constant 1 : i32
        %dma_wait3A_120 = arith.constant 0 : i32
        %dma_wait3A_121 = arith.constant 0 : i32
        %dma_wait3A_122 = tpu.memref_slice %arg3[%dma_wait3A_119, %add3A_118, %dma_wait3A_120, %dma_wait3A_121] : memref<2x625x4x128xi32, #tpu.memory_space<hbm>> -> memref<1x1x4x128xi32, #tpu.memory_space<hbm>>
        %dma_wait3A_123 = tpu.memref_squeeze %dma_wait3A_122 : memref<1x1x4x128xi32, #tpu.memory_space<hbm>> -> memref<4x128xi32, #tpu.memory_space<hbm>>
        %dma_wait3A_124 = arith.constant 0 : i32
        %dma_wait3A_125 = arith.constant 0 : i32
        %dma_wait3A_126 = tpu.memref_slice %arg3[%dma_wait3A_119, %add3A_118, %dma_wait3A_124, %dma_wait3A_125] : memref<2x625x4x128xi32, #tpu.memory_space<hbm>> -> memref<1x1x4x128xi32, #tpu.memory_space<hbm>>
        %dma_wait3A_127 = tpu.memref_squeeze %dma_wait3A_126 : memref<1x1x4x128xi32, #tpu.memory_space<hbm>> -> memref<4x128xi32, #tpu.memory_space<hbm>>
        tpu.wait_dma2 semaphore(%arg13 : memref<!tpu.dma_semaphore, #tpu.memory_space<semaphore_mem>>) src(%dma_wait3A_127 : memref<4x128xi32, #tpu.memory_space<hbm>>) dst(%arg7 : memref<4x128xi32, #tpu.memory_space<vmem>>)
        %add3A_128 = arith.addi %select_n3A, %while3A_106 : i32
        %dma_wait3A_129 = arith.constant 0 : i32
        %dma_wait3A_130 = arith.constant 0 : i32
        %dma_wait3A_131 = arith.constant 0 : i32
        %dma_wait3A_132 = tpu.memref_slice %arg3[%dma_wait3A_129, %add3A_128, %dma_wait3A_130, %dma_wait3A_131] : memref<2x625x4x128xi32, #tpu.memory_space<hbm>> -> memref<1x1x4x128xi32, #tpu.memory_space<hbm>>
        %dma_wait3A_133 = tpu.memref_squeeze %dma_wait3A_132 : memref<1x1x4x128xi32, #tpu.memory_space<hbm>> -> memref<4x128xi32, #tpu.memory_space<hbm>>
        %dma_wait3A_134 = arith.constant 0 : i32
        %dma_wait3A_135 = arith.constant 0 : i32
        %dma_wait3A_136 = tpu.memref_slice %arg3[%dma_wait3A_129, %add3A_128, %dma_wait3A_134, %dma_wait3A_135] : memref<2x625x4x128xi32, #tpu.memory_space<hbm>> -> memref<1x1x4x128xi32, #tpu.memory_space<hbm>>
        %dma_wait3A_137 = tpu.memref_squeeze %dma_wait3A_136 : memref<1x1x4x128xi32, #tpu.memory_space<hbm>> -> memref<4x128xi32, #tpu.memory_space<hbm>>
        tpu.wait_dma2 semaphore(%arg13 : memref<!tpu.dma_semaphore, #tpu.memory_space<semaphore_mem>>) src(%dma_wait3A_137 : memref<4x128xi32, #tpu.memory_space<hbm>>) dst(%arg9 : memref<4x128xi32, #tpu.memory_space<vmem>>)
        %gt3A = arith.constant 0 : i32
        %gt3A_138 = arith.cmpi sgt, %while3A_106, %gt3A : i32
        %convert_element_type3A_139 = arith.extui %gt3A_138 : i1 to i32
        %cond3A_140 = arith.constant 0 : i32
        %cond3A_141 = arith.cmpi ne, %convert_element_type3A_139, %cond3A_140 : i32
        scf.if %cond3A_141 {
          %dma_wait3A_251 = arith.constant 2 : i32
          %dma_wait3A_252 = arith.constant 0 : i32
          %dma_wait3A_253 = tpu.memref_slice %arg10[%dma_wait3A_251, %dma_wait3A_252] : memref<4x128xi32, #tpu.memory_space<vmem>> -> memref<1x128xi32, #tpu.memory_space<vmem>>
          %dma_wait3A_254 = tpu.memref_squeeze %dma_wait3A_253 : memref<1x128xi32, #tpu.memory_space<vmem>> -> memref<128xi32, #tpu.memory_space<vmem>>
          %dma_wait3A_255 = arith.constant 0 : i32
          %dma_wait3A_256 = arith.constant 0 : i32
          %dma_wait3A_257 = tpu.memref_slice %arg19[%dma_wait3A_255, %dma_wait3A_256] : memref<10000x128xf32, #tpu.memory_space<vmem_shared>> -> memref<10000x128xf32, #tpu.memory_space<vmem_shared>>
          tpu.wait_indirect_dma semaphore(%arg17 : memref<!tpu.dma_semaphore, #tpu.memory_space<semaphore_mem>>) src(%arg11 : memref<128x128xf32, #tpu.memory_space<vmem>>) dst(%dma_wait3A_257 : memref<10000x128xf32, #tpu.memory_space<vmem_shared>>)
        } else {
        }
        %dma_start3A_142 = arith.constant 0 : i32
        %dma_start3A_143 = arith.constant 0 : i32
        %dma_start3A_144 = tpu.memref_slice %arg7[%dma_start3A_142, %dma_start3A_143] : memref<4x128xi32, #tpu.memory_space<vmem>> -> memref<1x128xi32, #tpu.memory_space<vmem>>
        %dma_start3A_145 = tpu.memref_squeeze %dma_start3A_144 : memref<1x128xi32, #tpu.memory_space<vmem>> -> memref<128xi32, #tpu.memory_space<vmem>>
        %dma_start3A_146 = arith.constant 0 : i32
        %dma_start3A_147 = arith.constant 0 : i32
        %dma_start3A_148 = tpu.memref_slice %arg2[%dma_start3A_146, %dma_start3A_147] : memref<10000x128xf32, #tpu.memory_space<hbm>> -> memref<10000x128xf32, #tpu.memory_space<hbm>>
        tpu.enqueue_indirect_dma source(%dma_start3A_148 : memref<10000x128xf32, #tpu.memory_space<hbm>>) target(%arg11 : memref<128x128xf32, #tpu.memory_space<vmem>>) offsets(%dma_start3A_145 : memref<128xi32, #tpu.memory_space<vmem>>) semaphore(%arg15 : memref<!tpu.dma_semaphore, #tpu.memory_space<semaphore_mem>>)
        %gt3A_149 = arith.constant 0 : i32
        %gt3A_150 = arith.cmpi sgt, %while3A_106, %gt3A_149 : i32
        %convert_element_type3A_151 = arith.extui %gt3A_150 : i1 to i32
        %cond3A_152 = arith.constant 0 : i32
        %cond3A_153 = arith.cmpi ne, %convert_element_type3A_151, %cond3A_152 : i32
        scf.if %cond3A_153 {
          %dma_wait3A_251 = arith.constant 3 : i32
          %dma_wait3A_252 = arith.constant 0 : i32
          %dma_wait3A_253 = tpu.memref_slice %arg10[%dma_wait3A_251, %dma_wait3A_252] : memref<4x128xi32, #tpu.memory_space<vmem>> -> memref<1x128xi32, #tpu.memory_space<vmem>>
          %dma_wait3A_254 = tpu.memref_squeeze %dma_wait3A_253 : memref<1x128xi32, #tpu.memory_space<vmem>> -> memref<128xi32, #tpu.memory_space<vmem>>
          %dma_wait3A_255 = arith.constant 0 : i32
          %dma_wait3A_256 = arith.constant 0 : i32
          %dma_wait3A_257 = tpu.memref_slice %arg19[%dma_wait3A_255, %dma_wait3A_256] : memref<10000x128xf32, #tpu.memory_space<vmem_shared>> -> memref<10000x128xf32, #tpu.memory_space<vmem_shared>>
          tpu.wait_indirect_dma semaphore(%arg18 : memref<!tpu.dma_semaphore, #tpu.memory_space<semaphore_mem>>) src(%arg12 : memref<128x128xf32, #tpu.memory_space<vmem>>) dst(%dma_wait3A_257 : memref<10000x128xf32, #tpu.memory_space<vmem_shared>>)
        } else {
        }
        %dma_start3A_154 = arith.constant 1 : i32
        %dma_start3A_155 = arith.constant 0 : i32
        %dma_start3A_156 = tpu.memref_slice %arg7[%dma_start3A_154, %dma_start3A_155] : memref<4x128xi32, #tpu.memory_space<vmem>> -> memref<1x128xi32, #tpu.memory_space<vmem>>
        %dma_start3A_157 = tpu.memref_squeeze %dma_start3A_156 : memref<1x128xi32, #tpu.memory_space<vmem>> -> memref<128xi32, #tpu.memory_space<vmem>>
        %dma_start3A_158 = arith.constant 0 : i32
        %dma_start3A_159 = arith.constant 0 : i32
        %dma_start3A_160 = tpu.memref_slice %arg2[%dma_start3A_158, %dma_start3A_159] : memref<10000x128xf32, #tpu.memory_space<hbm>> -> memref<10000x128xf32, #tpu.memory_space<hbm>>
        tpu.enqueue_indirect_dma source(%dma_start3A_160 : memref<10000x128xf32, #tpu.memory_space<hbm>>) target(%arg12 : memref<128x128xf32, #tpu.memory_space<vmem>>) offsets(%dma_start3A_157 : memref<128xi32, #tpu.memory_space<vmem>>) semaphore(%arg16 : memref<!tpu.dma_semaphore, #tpu.memory_space<semaphore_mem>>)
        %add3A_161 = arith.constant 1 : i32
        %add3A_162 = arith.addi %while3A_106, %add3A_161 : i32
        %lt3A_163 = arith.cmpi slt, %add3A_162, %select_n3A_22 : i32
        %convert_element_type3A_164 = arith.extui %lt3A_163 : i1 to i32
        %cond3A_165 = arith.constant 0 : i32
        %cond3A_166 = arith.cmpi ne, %convert_element_type3A_164, %cond3A_165 : i32
        scf.if %cond3A_166 {
          %add3A_251 = arith.constant 1 : i32
          %add3A_252 = arith.addi %while3A_106, %add3A_251 : i32
          %add3A_253 = arith.addi %select_n3A, %add3A_252 : i32
          %dma_start3A_254 = arith.constant 1 : i32
          %dma_start3A_255 = arith.constant 0 : i32
          %dma_start3A_256 = arith.constant 0 : i32
          %dma_start3A_257 = tpu.memref_slice %arg3[%dma_start3A_254, %add3A_253, %dma_start3A_255, %dma_start3A_256] : memref<2x625x4x128xi32, #tpu.memory_space<hbm>> -> memref<1x1x4x128xi32, #tpu.memory_space<hbm>>
          %dma_start3A_258 = tpu.memref_squeeze %dma_start3A_257 : memref<1x1x4x128xi32, #tpu.memory_space<hbm>> -> memref<4x128xi32, #tpu.memory_space<hbm>>
          %dma_start3A_259 = arith.constant 0 : i32
          %dma_start3A_260 = arith.constant 0 : i32
          %dma_start3A_261 = tpu.memref_slice %arg3[%dma_start3A_254, %add3A_253, %dma_start3A_259, %dma_start3A_260] : memref<2x625x4x128xi32, #tpu.memory_space<hbm>> -> memref<1x1x4x128xi32, #tpu.memory_space<hbm>>
          %dma_start3A_262 = tpu.memref_squeeze %dma_start3A_261 : memref<1x1x4x128xi32, #tpu.memory_space<hbm>> -> memref<4x128xi32, #tpu.memory_space<hbm>>
          tpu.enqueue_dma source(%dma_start3A_262 : memref<4x128xi32, #tpu.memory_space<hbm>>) target(%arg8 : memref<4x128xi32, #tpu.memory_space<vmem>>) target_semaphore(%arg14 : memref<!tpu.dma_semaphore, #tpu.memory_space<semaphore_mem>>)
          %add3A_263 = arith.addi %select_n3A, %add3A_252 : i32
          %dma_start3A_264 = arith.constant 0 : i32
          %dma_start3A_265 = arith.constant 0 : i32
          %dma_start3A_266 = arith.constant 0 : i32
          %dma_start3A_267 = tpu.memref_slice %arg3[%dma_start3A_264, %add3A_263, %dma_start3A_265, %dma_start3A_266] : memref<2x625x4x128xi32, #tpu.memory_space<hbm>> -> memref<1x1x4x128xi32, #tpu.memory_space<hbm>>
          %dma_start3A_268 = tpu.memref_squeeze %dma_start3A_267 : memref<1x1x4x128xi32, #tpu.memory_space<hbm>> -> memref<4x128xi32, #tpu.memory_space<hbm>>
          %dma_start3A_269 = arith.constant 0 : i32
          %dma_start3A_270 = arith.constant 0 : i32
          %dma_start3A_271 = tpu.memref_slice %arg3[%dma_start3A_264, %add3A_263, %dma_start3A_269, %dma_start3A_270] : memref<2x625x4x128xi32, #tpu.memory_space<hbm>> -> memref<1x1x4x128xi32, #tpu.memory_space<hbm>>
          %dma_start3A_272 = tpu.memref_squeeze %dma_start3A_271 : memref<1x1x4x128xi32, #tpu.memory_space<hbm>> -> memref<4x128xi32, #tpu.memory_space<hbm>>
          tpu.enqueue_dma source(%dma_start3A_272 : memref<4x128xi32, #tpu.memory_space<hbm>>) target(%arg10 : memref<4x128xi32, #tpu.memory_space<vmem>>) target_semaphore(%arg14 : memref<!tpu.dma_semaphore, #tpu.memory_space<semaphore_mem>>)
        } else {
        }
        %dma_wait3A_167 = arith.constant 0 : i32
        %dma_wait3A_168 = arith.constant 0 : i32
        %dma_wait3A_169 = tpu.memref_slice %arg7[%dma_wait3A_167, %dma_wait3A_168] : memref<4x128xi32, #tpu.memory_space<vmem>> -> memref<1x128xi32, #tpu.memory_space<vmem>>
        %dma_wait3A_170 = tpu.memref_squeeze %dma_wait3A_169 : memref<1x128xi32, #tpu.memory_space<vmem>> -> memref<128xi32, #tpu.memory_space<vmem>>
        %dma_wait3A_171 = arith.constant 0 : i32
        %dma_wait3A_172 = arith.constant 0 : i32
        %dma_wait3A_173 = tpu.memref_slice %arg2[%dma_wait3A_171, %dma_wait3A_172] : memref<10000x128xf32, #tpu.memory_space<hbm>> -> memref<10000x128xf32, #tpu.memory_space<hbm>>
        tpu.wait_indirect_dma semaphore(%arg15 : memref<!tpu.dma_semaphore, #tpu.memory_space<semaphore_mem>>) src(%dma_wait3A_173 : memref<10000x128xf32, #tpu.memory_space<hbm>>) dst(%arg11 : memref<128x128xf32, #tpu.memory_space<vmem>>)
        %dma_start3A_174 = arith.constant 0 : i32
        %dma_start3A_175 = arith.constant 0 : i32
        %dma_start3A_176 = tpu.memref_slice %arg9[%dma_start3A_174, %dma_start3A_175] : memref<4x128xi32, #tpu.memory_space<vmem>> -> memref<1x128xi32, #tpu.memory_space<vmem>>
        %dma_start3A_177 = tpu.memref_squeeze %dma_start3A_176 : memref<1x128xi32, #tpu.memory_space<vmem>> -> memref<128xi32, #tpu.memory_space<vmem>>
        %dma_start3A_178 = arith.constant 0 : i32
        %dma_start3A_179 = arith.constant 0 : i32
        %dma_start3A_180 = tpu.memref_slice %arg19[%dma_start3A_178, %dma_start3A_179] : memref<10000x128xf32, #tpu.memory_space<vmem_shared>> -> memref<10000x128xf32, #tpu.memory_space<vmem_shared>>
        tpu.enqueue_indirect_dma source(%arg11 : memref<128x128xf32, #tpu.memory_space<vmem>>) target(%dma_start3A_180 : memref<10000x128xf32, #tpu.memory_space<vmem_shared>>) offsets(%dma_start3A_177 : memref<128xi32, #tpu.memory_space<vmem>>) semaphore(%arg17 : memref<!tpu.dma_semaphore, #tpu.memory_space<semaphore_mem>>) {add = true}
        %dma_wait3A_181 = arith.constant 1 : i32
        %dma_wait3A_182 = arith.constant 0 : i32
        %dma_wait3A_183 = tpu.memref_slice %arg7[%dma_wait3A_181, %dma_wait3A_182] : memref<4x128xi32, #tpu.memory_space<vmem>> -> memref<1x128xi32, #tpu.memory_space<vmem>>
        %dma_wait3A_184 = tpu.memref_squeeze %dma_wait3A_183 : memref<1x128xi32, #tpu.memory_space<vmem>> -> memref<128xi32, #tpu.memory_space<vmem>>
        %dma_wait3A_185 = arith.constant 0 : i32
        %dma_wait3A_186 = arith.constant 0 : i32
        %dma_wait3A_187 = tpu.memref_slice %arg2[%dma_wait3A_185, %dma_wait3A_186] : memref<10000x128xf32, #tpu.memory_space<hbm>> -> memref<10000x128xf32, #tpu.memory_space<hbm>>
        tpu.wait_indirect_dma semaphore(%arg16 : memref<!tpu.dma_semaphore, #tpu.memory_space<semaphore_mem>>) src(%dma_wait3A_187 : memref<10000x128xf32, #tpu.memory_space<hbm>>) dst(%arg12 : memref<128x128xf32, #tpu.memory_space<vmem>>)
        %dma_start3A_188 = arith.constant 1 : i32
        %dma_start3A_189 = arith.constant 0 : i32
        %dma_start3A_190 = tpu.memref_slice %arg9[%dma_start3A_188, %dma_start3A_189] : memref<4x128xi32, #tpu.memory_space<vmem>> -> memref<1x128xi32, #tpu.memory_space<vmem>>
        %dma_start3A_191 = tpu.memref_squeeze %dma_start3A_190 : memref<1x128xi32, #tpu.memory_space<vmem>> -> memref<128xi32, #tpu.memory_space<vmem>>
        %dma_start3A_192 = arith.constant 0 : i32
        %dma_start3A_193 = arith.constant 0 : i32
        %dma_start3A_194 = tpu.memref_slice %arg19[%dma_start3A_192, %dma_start3A_193] : memref<10000x128xf32, #tpu.memory_space<vmem_shared>> -> memref<10000x128xf32, #tpu.memory_space<vmem_shared>>
        tpu.enqueue_indirect_dma source(%arg12 : memref<128x128xf32, #tpu.memory_space<vmem>>) target(%dma_start3A_194 : memref<10000x128xf32, #tpu.memory_space<vmem_shared>>) offsets(%dma_start3A_191 : memref<128xi32, #tpu.memory_space<vmem>>) semaphore(%arg18 : memref<!tpu.dma_semaphore, #tpu.memory_space<semaphore_mem>>) {add = true}
        %dma_wait3A_195 = arith.constant 0 : i32
        %dma_wait3A_196 = arith.constant 0 : i32
        %dma_wait3A_197 = tpu.memref_slice %arg9[%dma_wait3A_195, %dma_wait3A_196] : memref<4x128xi32, #tpu.memory_space<vmem>> -> memref<1x128xi32, #tpu.memory_space<vmem>>
        %dma_wait3A_198 = tpu.memref_squeeze %dma_wait3A_197 : memref<1x128xi32, #tpu.memory_space<vmem>> -> memref<128xi32, #tpu.memory_space<vmem>>
        %dma_wait3A_199 = arith.constant 0 : i32
        %dma_wait3A_200 = arith.constant 0 : i32
        %dma_wait3A_201 = tpu.memref_slice %arg19[%dma_wait3A_199, %dma_wait3A_200] : memref<10000x128xf32, #tpu.memory_space<vmem_shared>> -> memref<10000x128xf32, #tpu.memory_space<vmem_shared>>
        tpu.wait_indirect_dma semaphore(%arg17 : memref<!tpu.dma_semaphore, #tpu.memory_space<semaphore_mem>>) src(%arg11 : memref<128x128xf32, #tpu.memory_space<vmem>>) dst(%dma_wait3A_201 : memref<10000x128xf32, #tpu.memory_space<vmem_shared>>)
        %dma_start3A_202 = arith.constant 2 : i32
        %dma_start3A_203 = arith.constant 0 : i32
        %dma_start3A_204 = tpu.memref_slice %arg7[%dma_start3A_202, %dma_start3A_203] : memref<4x128xi32, #tpu.memory_space<vmem>> -> memref<1x128xi32, #tpu.memory_space<vmem>>
        %dma_start3A_205 = tpu.memref_squeeze %dma_start3A_204 : memref<1x128xi32, #tpu.memory_space<vmem>> -> memref<128xi32, #tpu.memory_space<vmem>>
        %dma_start3A_206 = arith.constant 0 : i32
        %dma_start3A_207 = arith.constant 0 : i32
        %dma_start3A_208 = tpu.memref_slice %arg2[%dma_start3A_206, %dma_start3A_207] : memref<10000x128xf32, #tpu.memory_space<hbm>> -> memref<10000x128xf32, #tpu.memory_space<hbm>>
        tpu.enqueue_indirect_dma source(%dma_start3A_208 : memref<10000x128xf32, #tpu.memory_space<hbm>>) target(%arg11 : memref<128x128xf32, #tpu.memory_space<vmem>>) offsets(%dma_start3A_205 : memref<128xi32, #tpu.memory_space<vmem>>) semaphore(%arg15 : memref<!tpu.dma_semaphore, #tpu.memory_space<semaphore_mem>>)
        %dma_wait3A_209 = arith.constant 1 : i32
        %dma_wait3A_210 = arith.constant 0 : i32
        %dma_wait3A_211 = tpu.memref_slice %arg9[%dma_wait3A_209, %dma_wait3A_210] : memref<4x128xi32, #tpu.memory_space<vmem>> -> memref<1x128xi32, #tpu.memory_space<vmem>>
        %dma_wait3A_212 = tpu.memref_squeeze %dma_wait3A_211 : memref<1x128xi32, #tpu.memory_space<vmem>> -> memref<128xi32, #tpu.memory_space<vmem>>
        %dma_wait3A_213 = arith.constant 0 : i32
        %dma_wait3A_214 = arith.constant 0 : i32
        %dma_wait3A_215 = tpu.memref_slice %arg19[%dma_wait3A_213, %dma_wait3A_214] : memref<10000x128xf32, #tpu.memory_space<vmem_shared>> -> memref<10000x128xf32, #tpu.memory_space<vmem_shared>>
        tpu.wait_indirect_dma semaphore(%arg18 : memref<!tpu.dma_semaphore, #tpu.memory_space<semaphore_mem>>) src(%arg12 : memref<128x128xf32, #tpu.memory_space<vmem>>) dst(%dma_wait3A_215 : memref<10000x128xf32, #tpu.memory_space<vmem_shared>>)
        %dma_start3A_216 = arith.constant 3 : i32
        %dma_start3A_217 = arith.constant 0 : i32
        %dma_start3A_218 = tpu.memref_slice %arg7[%dma_start3A_216, %dma_start3A_217] : memref<4x128xi32, #tpu.memory_space<vmem>> -> memref<1x128xi32, #tpu.memory_space<vmem>>
        %dma_start3A_219 = tpu.memref_squeeze %dma_start3A_218 : memref<1x128xi32, #tpu.memory_space<vmem>> -> memref<128xi32, #tpu.memory_space<vmem>>
        %dma_start3A_220 = arith.constant 0 : i32
        %dma_start3A_221 = arith.constant 0 : i32
        %dma_start3A_222 = tpu.memref_slice %arg2[%dma_start3A_220, %dma_start3A_221] : memref<10000x128xf32, #tpu.memory_space<hbm>> -> memref<10000x128xf32, #tpu.memory_space<hbm>>
        tpu.enqueue_indirect_dma source(%dma_start3A_222 : memref<10000x128xf32, #tpu.memory_space<hbm>>) target(%arg12 : memref<128x128xf32, #tpu.memory_space<vmem>>) offsets(%dma_start3A_219 : memref<128xi32, #tpu.memory_space<vmem>>) semaphore(%arg16 : memref<!tpu.dma_semaphore, #tpu.memory_space<semaphore_mem>>)
        %dma_wait3A_223 = arith.constant 2 : i32
        %dma_wait3A_224 = arith.constant 0 : i32
        %dma_wait3A_225 = tpu.memref_slice %arg7[%dma_wait3A_223, %dma_wait3A_224] : memref<4x128xi32, #tpu.memory_space<vmem>> -> memref<1x128xi32, #tpu.memory_space<vmem>>
        %dma_wait3A_226 = tpu.memref_squeeze %dma_wait3A_225 : memref<1x128xi32, #tpu.memory_space<vmem>> -> memref<128xi32, #tpu.memory_space<vmem>>
        %dma_wait3A_227 = arith.constant 0 : i32
        %dma_wait3A_228 = arith.constant 0 : i32
        %dma_wait3A_229 = tpu.memref_slice %arg2[%dma_wait3A_227, %dma_wait3A_228] : memref<10000x128xf32, #tpu.memory_space<hbm>> -> memref<10000x128xf32, #tpu.memory_space<hbm>>
        tpu.wait_indirect_dma semaphore(%arg15 : memref<!tpu.dma_semaphore, #tpu.memory_space<semaphore_mem>>) src(%dma_wait3A_229 : memref<10000x128xf32, #tpu.memory_space<hbm>>) dst(%arg11 : memref<128x128xf32, #tpu.memory_space<vmem>>)
        %dma_start3A_230 = arith.constant 2 : i32
        %dma_start3A_231 = arith.constant 0 : i32
        %dma_start3A_232 = tpu.memref_slice %arg9[%dma_start3A_230, %dma_start3A_231] : memref<4x128xi32, #tpu.memory_space<vmem>> -> memref<1x128xi32, #tpu.memory_space<vmem>>
        %dma_start3A_233 = tpu.memref_squeeze %dma_start3A_232 : memref<1x128xi32, #tpu.memory_space<vmem>> -> memref<128xi32, #tpu.memory_space<vmem>>
        %dma_start3A_234 = arith.constant 0 : i32
        %dma_start3A_235 = arith.constant 0 : i32
        %dma_start3A_236 = tpu.memref_slice %arg19[%dma_start3A_234, %dma_start3A_235] : memref<10000x128xf32, #tpu.memory_space<vmem_shared>> -> memref<10000x128xf32, #tpu.memory_space<vmem_shared>>
        tpu.enqueue_indirect_dma source(%arg11 : memref<128x128xf32, #tpu.memory_space<vmem>>) target(%dma_start3A_236 : memref<10000x128xf32, #tpu.memory_space<vmem_shared>>) offsets(%dma_start3A_233 : memref<128xi32, #tpu.memory_space<vmem>>) semaphore(%arg17 : memref<!tpu.dma_semaphore, #tpu.memory_space<semaphore_mem>>) {add = true}
        %dma_wait3A_237 = arith.constant 3 : i32
        %dma_wait3A_238 = arith.constant 0 : i32
        %dma_wait3A_239 = tpu.memref_slice %arg7[%dma_wait3A_237, %dma_wait3A_238] : memref<4x128xi32, #tpu.memory_space<vmem>> -> memref<1x128xi32, #tpu.memory_space<vmem>>
        %dma_wait3A_240 = tpu.memref_squeeze %dma_wait3A_239 : memref<1x128xi32, #tpu.memory_space<vmem>> -> memref<128xi32, #tpu.memory_space<vmem>>
        %dma_wait3A_241 = arith.constant 0 : i32
        %dma_wait3A_242 = arith.constant 0 : i32
        %dma_wait3A_243 = tpu.memref_slice %arg2[%dma_wait3A_241, %dma_wait3A_242] : memref<10000x128xf32, #tpu.memory_space<hbm>> -> memref<10000x128xf32, #tpu.memory_space<hbm>>
        tpu.wait_indirect_dma semaphore(%arg16 : memref<!tpu.dma_semaphore, #tpu.memory_space<semaphore_mem>>) src(%dma_wait3A_243 : memref<10000x128xf32, #tpu.memory_space<hbm>>) dst(%arg12 : memref<128x128xf32, #tpu.memory_space<vmem>>)
        %dma_start3A_244 = arith.constant 3 : i32
        %dma_start3A_245 = arith.constant 0 : i32
        %dma_start3A_246 = tpu.memref_slice %arg9[%dma_start3A_244, %dma_start3A_245] : memref<4x128xi32, #tpu.memory_space<vmem>> -> memref<1x128xi32, #tpu.memory_space<vmem>>
        %dma_start3A_247 = tpu.memref_squeeze %dma_start3A_246 : memref<1x128xi32, #tpu.memory_space<vmem>> -> memref<128xi32, #tpu.memory_space<vmem>>
        %dma_start3A_248 = arith.constant 0 : i32
        %dma_start3A_249 = arith.constant 0 : i32
        %dma_start3A_250 = tpu.memref_slice %arg19[%dma_start3A_248, %dma_start3A_249] : memref<10000x128xf32, #tpu.memory_space<vmem_shared>> -> memref<10000x128xf32, #tpu.memory_space<vmem_shared>>
        tpu.enqueue_indirect_dma source(%arg12 : memref<128x128xf32, #tpu.memory_space<vmem>>) target(%dma_start3A_250 : memref<10000x128xf32, #tpu.memory_space<vmem_shared>>) offsets(%dma_start3A_247 : memref<128xi32, #tpu.memory_space<vmem>>) semaphore(%arg18 : memref<!tpu.dma_semaphore, #tpu.memory_space<semaphore_mem>>) {add = true}
      } else {
      }
      %eq3A_113 = arith.constant 1 : i32
      %eq3A_114 = arith.cmpi eq, %rem3A_107, %eq3A_113 : i32
      %convert_element_type3A_115 = arith.extui %eq3A_114 : i1 to i32
      %cond3A_116 = arith.constant 0 : i32
      %cond3A_117 = arith.cmpi ne, %convert_element_type3A_115, %cond3A_116 : i32
      scf.if %cond3A_117 {
        %add3A_118 = arith.addi %select_n3A, %while3A_106 : i32
        %dma_wait3A_119 = arith.constant 1 : i32
        %dma_wait3A_120 = arith.constant 0 : i32
        %dma_wait3A_121 = arith.constant 0 : i32
        %dma_wait3A_122 = tpu.memref_slice %arg3[%dma_wait3A_119, %add3A_118, %dma_wait3A_120, %dma_wait3A_121] : memref<2x625x4x128xi32, #tpu.memory_space<hbm>> -> memref<1x1x4x128xi32, #tpu.memory_space<hbm>>
        %dma_wait3A_123 = tpu.memref_squeeze %dma_wait3A_122 : memref<1x1x4x128xi32, #tpu.memory_space<hbm>> -> memref<4x128xi32, #tpu.memory_space<hbm>>
        %dma_wait3A_124 = arith.constant 0 : i32
        %dma_wait3A_125 = arith.constant 0 : i32
        %dma_wait3A_126 = tpu.memref_slice %arg3[%dma_wait3A_119, %add3A_118, %dma_wait3A_124, %dma_wait3A_125] : memref<2x625x4x128xi32, #tpu.memory_space<hbm>> -> memref<1x1x4x128xi32, #tpu.memory_space<hbm>>
        %dma_wait3A_127 = tpu.memref_squeeze %dma_wait3A_126 : memref<1x1x4x128xi32, #tpu.memory_space<hbm>> -> memref<4x128xi32, #tpu.memory_space<hbm>>
        tpu.wait_dma2 semaphore(%arg14 : memref<!tpu.dma_semaphore, #tpu.memory_space<semaphore_mem>>) src(%dma_wait3A_127 : memref<4x128xi32, #tpu.memory_space<hbm>>) dst(%arg8 : memref<4x128xi32, #tpu.memory_space<vmem>>)
        %add3A_128 = arith.addi %select_n3A, %while3A_106 : i32
        %dma_wait3A_129 = arith.constant 0 : i32
        %dma_wait3A_130 = arith.constant 0 : i32
        %dma_wait3A_131 = arith.constant 0 : i32
        %dma_wait3A_132 = tpu.memref_slice %arg3[%dma_wait3A_129, %add3A_128, %dma_wait3A_130, %dma_wait3A_131] : memref<2x625x4x128xi32, #tpu.memory_space<hbm>> -> memref<1x1x4x128xi32, #tpu.memory_space<hbm>>
        %dma_wait3A_133 = tpu.memref_squeeze %dma_wait3A_132 : memref<1x1x4x128xi32, #tpu.memory_space<hbm>> -> memref<4x128xi32, #tpu.memory_space<hbm>>
        %dma_wait3A_134 = arith.constant 0 : i32
        %dma_wait3A_135 = arith.constant 0 : i32
        %dma_wait3A_136 = tpu.memref_slice %arg3[%dma_wait3A_129, %add3A_128, %dma_wait3A_134, %dma_wait3A_135] : memref<2x625x4x128xi32, #tpu.memory_space<hbm>> -> memref<1x1x4x128xi32, #tpu.memory_space<hbm>>
        %dma_wait3A_137 = tpu.memref_squeeze %dma_wait3A_136 : memref<1x1x4x128xi32, #tpu.memory_space<hbm>> -> memref<4x128xi32, #tpu.memory_space<hbm>>
        tpu.wait_dma2 semaphore(%arg14 : memref<!tpu.dma_semaphore, #tpu.memory_space<semaphore_mem>>) src(%dma_wait3A_137 : memref<4x128xi32, #tpu.memory_space<hbm>>) dst(%arg10 : memref<4x128xi32, #tpu.memory_space<vmem>>)
        %gt3A = arith.constant 0 : i32
        %gt3A_138 = arith.cmpi sgt, %while3A_106, %gt3A : i32
        %convert_element_type3A_139 = arith.extui %gt3A_138 : i1 to i32
        %cond3A_140 = arith.constant 0 : i32
        %cond3A_141 = arith.cmpi ne, %convert_element_type3A_139, %cond3A_140 : i32
        scf.if %cond3A_141 {
          %dma_wait3A_251 = arith.constant 2 : i32
          %dma_wait3A_252 = arith.constant 0 : i32
          %dma_wait3A_253 = tpu.memref_slice %arg9[%dma_wait3A_251, %dma_wait3A_252] : memref<4x128xi32, #tpu.memory_space<vmem>> -> memref<1x128xi32, #tpu.memory_space<vmem>>
          %dma_wait3A_254 = tpu.memref_squeeze %dma_wait3A_253 : memref<1x128xi32, #tpu.memory_space<vmem>> -> memref<128xi32, #tpu.memory_space<vmem>>
          %dma_wait3A_255 = arith.constant 0 : i32
          %dma_wait3A_256 = arith.constant 0 : i32
          %dma_wait3A_257 = tpu.memref_slice %arg19[%dma_wait3A_255, %dma_wait3A_256] : memref<10000x128xf32, #tpu.memory_space<vmem_shared>> -> memref<10000x128xf32, #tpu.memory_space<vmem_shared>>
          tpu.wait_indirect_dma semaphore(%arg17 : memref<!tpu.dma_semaphore, #tpu.memory_space<semaphore_mem>>) src(%arg11 : memref<128x128xf32, #tpu.memory_space<vmem>>) dst(%dma_wait3A_257 : memref<10000x128xf32, #tpu.memory_space<vmem_shared>>)
        } else {
        }
        %dma_start3A_142 = arith.constant 0 : i32
        %dma_start3A_143 = arith.constant 0 : i32
        %dma_start3A_144 = tpu.memref_slice %arg8[%dma_start3A_142, %dma_start3A_143] : memref<4x128xi32, #tpu.memory_space<vmem>> -> memref<1x128xi32, #tpu.memory_space<vmem>>
        %dma_start3A_145 = tpu.memref_squeeze %dma_start3A_144 : memref<1x128xi32, #tpu.memory_space<vmem>> -> memref<128xi32, #tpu.memory_space<vmem>>
        %dma_start3A_146 = arith.constant 0 : i32
        %dma_start3A_147 = arith.constant 0 : i32
        %dma_start3A_148 = tpu.memref_slice %arg2[%dma_start3A_146, %dma_start3A_147] : memref<10000x128xf32, #tpu.memory_space<hbm>> -> memref<10000x128xf32, #tpu.memory_space<hbm>>
        tpu.enqueue_indirect_dma source(%dma_start3A_148 : memref<10000x128xf32, #tpu.memory_space<hbm>>) target(%arg11 : memref<128x128xf32, #tpu.memory_space<vmem>>) offsets(%dma_start3A_145 : memref<128xi32, #tpu.memory_space<vmem>>) semaphore(%arg15 : memref<!tpu.dma_semaphore, #tpu.memory_space<semaphore_mem>>)
        %gt3A_149 = arith.constant 0 : i32
        %gt3A_150 = arith.cmpi sgt, %while3A_106, %gt3A_149 : i32
        %convert_element_type3A_151 = arith.extui %gt3A_150 : i1 to i32
        %cond3A_152 = arith.constant 0 : i32
        %cond3A_153 = arith.cmpi ne, %convert_element_type3A_151, %cond3A_152 : i32
        scf.if %cond3A_153 {
          %dma_wait3A_251 = arith.constant 3 : i32
          %dma_wait3A_252 = arith.constant 0 : i32
          %dma_wait3A_253 = tpu.memref_slice %arg9[%dma_wait3A_251, %dma_wait3A_252] : memref<4x128xi32, #tpu.memory_space<vmem>> -> memref<1x128xi32, #tpu.memory_space<vmem>>
          %dma_wait3A_254 = tpu.memref_squeeze %dma_wait3A_253 : memref<1x128xi32, #tpu.memory_space<vmem>> -> memref<128xi32, #tpu.memory_space<vmem>>
          %dma_wait3A_255 = arith.constant 0 : i32
          %dma_wait3A_256 = arith.constant 0 : i32
          %dma_wait3A_257 = tpu.memref_slice %arg19[%dma_wait3A_255, %dma_wait3A_256] : memref<10000x128xf32, #tpu.memory_space<vmem_shared>> -> memref<10000x128xf32, #tpu.memory_space<vmem_shared>>
          tpu.wait_indirect_dma semaphore(%arg18 : memref<!tpu.dma_semaphore, #tpu.memory_space<semaphore_mem>>) src(%arg12 : memref<128x128xf32, #tpu.memory_space<vmem>>) dst(%dma_wait3A_257 : memref<10000x128xf32, #tpu.memory_space<vmem_shared>>)
        } else {
        }
        %dma_start3A_154 = arith.constant 1 : i32
        %dma_start3A_155 = arith.constant 0 : i32
        %dma_start3A_156 = tpu.memref_slice %arg8[%dma_start3A_154, %dma_start3A_155] : memref<4x128xi32, #tpu.memory_space<vmem>> -> memref<1x128xi32, #tpu.memory_space<vmem>>
        %dma_start3A_157 = tpu.memref_squeeze %dma_start3A_156 : memref<1x128xi32, #tpu.memory_space<vmem>> -> memref<128xi32, #tpu.memory_space<vmem>>
        %dma_start3A_158 = arith.constant 0 : i32
        %dma_start3A_159 = arith.constant 0 : i32
        %dma_start3A_160 = tpu.memref_slice %arg2[%dma_start3A_158, %dma_start3A_159] : memref<10000x128xf32, #tpu.memory_space<hbm>> -> memref<10000x128xf32, #tpu.memory_space<hbm>>
        tpu.enqueue_indirect_dma source(%dma_start3A_160 : memref<10000x128xf32, #tpu.memory_space<hbm>>) target(%arg12 : memref<128x128xf32, #tpu.memory_space<vmem>>) offsets(%dma_start3A_157 : memref<128xi32, #tpu.memory_space<vmem>>) semaphore(%arg16 : memref<!tpu.dma_semaphore, #tpu.memory_space<semaphore_mem>>)
        %add3A_161 = arith.constant 1 : i32
        %add3A_162 = arith.addi %while3A_106, %add3A_161 : i32
        %lt3A_163 = arith.cmpi slt, %add3A_162, %select_n3A_22 : i32
        %convert_element_type3A_164 = arith.extui %lt3A_163 : i1 to i32
        %cond3A_165 = arith.constant 0 : i32
        %cond3A_166 = arith.cmpi ne, %convert_element_type3A_164, %cond3A_165 : i32
        scf.if %cond3A_166 {
          %add3A_251 = arith.constant 1 : i32
          %add3A_252 = arith.addi %while3A_106, %add3A_251 : i32
          %add3A_253 = arith.addi %select_n3A, %add3A_252 : i32
          %dma_start3A_254 = arith.constant 1 : i32
          %dma_start3A_255 = arith.constant 0 : i32
          %dma_start3A_256 = arith.constant 0 : i32
          %dma_start3A_257 = tpu.memref_slice %arg3[%dma_start3A_254, %add3A_253, %dma_start3A_255, %dma_start3A_256] : memref<2x625x4x128xi32, #tpu.memory_space<hbm>> -> memref<1x1x4x128xi32, #tpu.memory_space<hbm>>
          %dma_start3A_258 = tpu.memref_squeeze %dma_start3A_257 : memref<1x1x4x128xi32, #tpu.memory_space<hbm>> -> memref<4x128xi32, #tpu.memory_space<hbm>>
          %dma_start3A_259 = arith.constant 0 : i32
          %dma_start3A_260 = arith.constant 0 : i32
          %dma_start3A_261 = tpu.memref_slice %arg3[%dma_start3A_254, %add3A_253, %dma_start3A_259, %dma_start3A_260] : memref<2x625x4x128xi32, #tpu.memory_space<hbm>> -> memref<1x1x4x128xi32, #tpu.memory_space<hbm>>
          %dma_start3A_262 = tpu.memref_squeeze %dma_start3A_261 : memref<1x1x4x128xi32, #tpu.memory_space<hbm>> -> memref<4x128xi32, #tpu.memory_space<hbm>>
          tpu.enqueue_dma source(%dma_start3A_262 : memref<4x128xi32, #tpu.memory_space<hbm>>) target(%arg7 : memref<4x128xi32, #tpu.memory_space<vmem>>) target_semaphore(%arg13 : memref<!tpu.dma_semaphore, #tpu.memory_space<semaphore_mem>>)
          %add3A_263 = arith.addi %select_n3A, %add3A_252 : i32
          %dma_start3A_264 = arith.constant 0 : i32
          %dma_start3A_265 = arith.constant 0 : i32
          %dma_start3A_266 = arith.constant 0 : i32
          %dma_start3A_267 = tpu.memref_slice %arg3[%dma_start3A_264, %add3A_263, %dma_start3A_265, %dma_start3A_266] : memref<2x625x4x128xi32, #tpu.memory_space<hbm>> -> memref<1x1x4x128xi32, #tpu.memory_space<hbm>>
          %dma_start3A_268 = tpu.memref_squeeze %dma_start3A_267 : memref<1x1x4x128xi32, #tpu.memory_space<hbm>> -> memref<4x128xi32, #tpu.memory_space<hbm>>
          %dma_start3A_269 = arith.constant 0 : i32
          %dma_start3A_270 = arith.constant 0 : i32
          %dma_start3A_271 = tpu.memref_slice %arg3[%dma_start3A_264, %add3A_263, %dma_start3A_269, %dma_start3A_270] : memref<2x625x4x128xi32, #tpu.memory_space<hbm>> -> memref<1x1x4x128xi32, #tpu.memory_space<hbm>>
          %dma_start3A_272 = tpu.memref_squeeze %dma_start3A_271 : memref<1x1x4x128xi32, #tpu.memory_space<hbm>> -> memref<4x128xi32, #tpu.memory_space<hbm>>
          tpu.enqueue_dma source(%dma_start3A_272 : memref<4x128xi32, #tpu.memory_space<hbm>>) target(%arg9 : memref<4x128xi32, #tpu.memory_space<vmem>>) target_semaphore(%arg13 : memref<!tpu.dma_semaphore, #tpu.memory_space<semaphore_mem>>)
        } else {
        }
        %dma_wait3A_167 = arith.constant 0 : i32
        %dma_wait3A_168 = arith.constant 0 : i32
        %dma_wait3A_169 = tpu.memref_slice %arg8[%dma_wait3A_167, %dma_wait3A_168] : memref<4x128xi32, #tpu.memory_space<vmem>> -> memref<1x128xi32, #tpu.memory_space<vmem>>
        %dma_wait3A_170 = tpu.memref_squeeze %dma_wait3A_169 : memref<1x128xi32, #tpu.memory_space<vmem>> -> memref<128xi32, #tpu.memory_space<vmem>>
        %dma_wait3A_171 = arith.constant 0 : i32
        %dma_wait3A_172 = arith.constant 0 : i32
        %dma_wait3A_173 = tpu.memref_slice %arg2[%dma_wait3A_171, %dma_wait3A_172] : memref<10000x128xf32, #tpu.memory_space<hbm>> -> memref<10000x128xf32, #tpu.memory_space<hbm>>
        tpu.wait_indirect_dma semaphore(%arg15 : memref<!tpu.dma_semaphore, #tpu.memory_space<semaphore_mem>>) src(%dma_wait3A_173 : memref<10000x128xf32, #tpu.memory_space<hbm>>) dst(%arg11 : memref<128x128xf32, #tpu.memory_space<vmem>>)
        %dma_start3A_174 = arith.constant 0 : i32
        %dma_start3A_175 = arith.constant 0 : i32
        %dma_start3A_176 = tpu.memref_slice %arg10[%dma_start3A_174, %dma_start3A_175] : memref<4x128xi32, #tpu.memory_space<vmem>> -> memref<1x128xi32, #tpu.memory_space<vmem>>
        %dma_start3A_177 = tpu.memref_squeeze %dma_start3A_176 : memref<1x128xi32, #tpu.memory_space<vmem>> -> memref<128xi32, #tpu.memory_space<vmem>>
        %dma_start3A_178 = arith.constant 0 : i32
        %dma_start3A_179 = arith.constant 0 : i32
        %dma_start3A_180 = tpu.memref_slice %arg19[%dma_start3A_178, %dma_start3A_179] : memref<10000x128xf32, #tpu.memory_space<vmem_shared>> -> memref<10000x128xf32, #tpu.memory_space<vmem_shared>>
        tpu.enqueue_indirect_dma source(%arg11 : memref<128x128xf32, #tpu.memory_space<vmem>>) target(%dma_start3A_180 : memref<10000x128xf32, #tpu.memory_space<vmem_shared>>) offsets(%dma_start3A_177 : memref<128xi32, #tpu.memory_space<vmem>>) semaphore(%arg17 : memref<!tpu.dma_semaphore, #tpu.memory_space<semaphore_mem>>) {add = true}
        %dma_wait3A_181 = arith.constant 1 : i32
        %dma_wait3A_182 = arith.constant 0 : i32
        %dma_wait3A_183 = tpu.memref_slice %arg8[%dma_wait3A_181, %dma_wait3A_182] : memref<4x128xi32, #tpu.memory_space<vmem>> -> memref<1x128xi32, #tpu.memory_space<vmem>>
        %dma_wait3A_184 = tpu.memref_squeeze %dma_wait3A_183 : memref<1x128xi32, #tpu.memory_space<vmem>> -> memref<128xi32, #tpu.memory_space<vmem>>
        %dma_wait3A_185 = arith.constant 0 : i32
        %dma_wait3A_186 = arith.constant 0 : i32
        %dma_wait3A_187 = tpu.memref_slice %arg2[%dma_wait3A_185, %dma_wait3A_186] : memref<10000x128xf32, #tpu.memory_space<hbm>> -> memref<10000x128xf32, #tpu.memory_space<hbm>>
        tpu.wait_indirect_dma semaphore(%arg16 : memref<!tpu.dma_semaphore, #tpu.memory_space<semaphore_mem>>) src(%dma_wait3A_187 : memref<10000x128xf32, #tpu.memory_space<hbm>>) dst(%arg12 : memref<128x128xf32, #tpu.memory_space<vmem>>)
        %dma_start3A_188 = arith.constant 1 : i32
        %dma_start3A_189 = arith.constant 0 : i32
        %dma_start3A_190 = tpu.memref_slice %arg10[%dma_start3A_188, %dma_start3A_189] : memref<4x128xi32, #tpu.memory_space<vmem>> -> memref<1x128xi32, #tpu.memory_space<vmem>>
        %dma_start3A_191 = tpu.memref_squeeze %dma_start3A_190 : memref<1x128xi32, #tpu.memory_space<vmem>> -> memref<128xi32, #tpu.memory_space<vmem>>
        %dma_start3A_192 = arith.constant 0 : i32
        %dma_start3A_193 = arith.constant 0 : i32
        %dma_start3A_194 = tpu.memref_slice %arg19[%dma_start3A_192, %dma_start3A_193] : memref<10000x128xf32, #tpu.memory_space<vmem_shared>> -> memref<10000x128xf32, #tpu.memory_space<vmem_shared>>
        tpu.enqueue_indirect_dma source(%arg12 : memref<128x128xf32, #tpu.memory_space<vmem>>) target(%dma_start3A_194 : memref<10000x128xf32, #tpu.memory_space<vmem_shared>>) offsets(%dma_start3A_191 : memref<128xi32, #tpu.memory_space<vmem>>) semaphore(%arg18 : memref<!tpu.dma_semaphore, #tpu.memory_space<semaphore_mem>>) {add = true}
        %dma_wait3A_195 = arith.constant 0 : i32
        %dma_wait3A_196 = arith.constant 0 : i32
        %dma_wait3A_197 = tpu.memref_slice %arg10[%dma_wait3A_195, %dma_wait3A_196] : memref<4x128xi32, #tpu.memory_space<vmem>> -> memref<1x128xi32, #tpu.memory_space<vmem>>
        %dma_wait3A_198 = tpu.memref_squeeze %dma_wait3A_197 : memref<1x128xi32, #tpu.memory_space<vmem>> -> memref<128xi32, #tpu.memory_space<vmem>>
        %dma_wait3A_199 = arith.constant 0 : i32
        %dma_wait3A_200 = arith.constant 0 : i32
        %dma_wait3A_201 = tpu.memref_slice %arg19[%dma_wait3A_199, %dma_wait3A_200] : memref<10000x128xf32, #tpu.memory_space<vmem_shared>> -> memref<10000x128xf32, #tpu.memory_space<vmem_shared>>
        tpu.wait_indirect_dma semaphore(%arg17 : memref<!tpu.dma_semaphore, #tpu.memory_space<semaphore_mem>>) src(%arg11 : memref<128x128xf32, #tpu.memory_space<vmem>>) dst(%dma_wait3A_201 : memref<10000x128xf32, #tpu.memory_space<vmem_shared>>)
        %dma_start3A_202 = arith.constant 2 : i32
        %dma_start3A_203 = arith.constant 0 : i32
        %dma_start3A_204 = tpu.memref_slice %arg8[%dma_start3A_202, %dma_start3A_203] : memref<4x128xi32, #tpu.memory_space<vmem>> -> memref<1x128xi32, #tpu.memory_space<vmem>>
        %dma_start3A_205 = tpu.memref_squeeze %dma_start3A_204 : memref<1x128xi32, #tpu.memory_space<vmem>> -> memref<128xi32, #tpu.memory_space<vmem>>
        %dma_start3A_206 = arith.constant 0 : i32
        %dma_start3A_207 = arith.constant 0 : i32
        %dma_start3A_208 = tpu.memref_slice %arg2[%dma_start3A_206, %dma_start3A_207] : memref<10000x128xf32, #tpu.memory_space<hbm>> -> memref<10000x128xf32, #tpu.memory_space<hbm>>
        tpu.enqueue_indirect_dma source(%dma_start3A_208 : memref<10000x128xf32, #tpu.memory_space<hbm>>) target(%arg11 : memref<128x128xf32, #tpu.memory_space<vmem>>) offsets(%dma_start3A_205 : memref<128xi32, #tpu.memory_space<vmem>>) semaphore(%arg15 : memref<!tpu.dma_semaphore, #tpu.memory_space<semaphore_mem>>)
        %dma_wait3A_209 = arith.constant 1 : i32
        %dma_wait3A_210 = arith.constant 0 : i32
        %dma_wait3A_211 = tpu.memref_slice %arg10[%dma_wait3A_209, %dma_wait3A_210] : memref<4x128xi32, #tpu.memory_space<vmem>> -> memref<1x128xi32, #tpu.memory_space<vmem>>
        %dma_wait3A_212 = tpu.memref_squeeze %dma_wait3A_211 : memref<1x128xi32, #tpu.memory_space<vmem>> -> memref<128xi32, #tpu.memory_space<vmem>>
        %dma_wait3A_213 = arith.constant 0 : i32
        %dma_wait3A_214 = arith.constant 0 : i32
        %dma_wait3A_215 = tpu.memref_slice %arg19[%dma_wait3A_213, %dma_wait3A_214] : memref<10000x128xf32, #tpu.memory_space<vmem_shared>> -> memref<10000x128xf32, #tpu.memory_space<vmem_shared>>
        tpu.wait_indirect_dma semaphore(%arg18 : memref<!tpu.dma_semaphore, #tpu.memory_space<semaphore_mem>>) src(%arg12 : memref<128x128xf32, #tpu.memory_space<vmem>>) dst(%dma_wait3A_215 : memref<10000x128xf32, #tpu.memory_space<vmem_shared>>)
        %dma_start3A_216 = arith.constant 3 : i32
        %dma_start3A_217 = arith.constant 0 : i32
        %dma_start3A_218 = tpu.memref_slice %arg8[%dma_start3A_216, %dma_start3A_217] : memref<4x128xi32, #tpu.memory_space<vmem>> -> memref<1x128xi32, #tpu.memory_space<vmem>>
        %dma_start3A_219 = tpu.memref_squeeze %dma_start3A_218 : memref<1x128xi32, #tpu.memory_space<vmem>> -> memref<128xi32, #tpu.memory_space<vmem>>
        %dma_start3A_220 = arith.constant 0 : i32
        %dma_start3A_221 = arith.constant 0 : i32
        %dma_start3A_222 = tpu.memref_slice %arg2[%dma_start3A_220, %dma_start3A_221] : memref<10000x128xf32, #tpu.memory_space<hbm>> -> memref<10000x128xf32, #tpu.memory_space<hbm>>
        tpu.enqueue_indirect_dma source(%dma_start3A_222 : memref<10000x128xf32, #tpu.memory_space<hbm>>) target(%arg12 : memref<128x128xf32, #tpu.memory_space<vmem>>) offsets(%dma_start3A_219 : memref<128xi32, #tpu.memory_space<vmem>>) semaphore(%arg16 : memref<!tpu.dma_semaphore, #tpu.memory_space<semaphore_mem>>)
        %dma_wait3A_223 = arith.constant 2 : i32
        %dma_wait3A_224 = arith.constant 0 : i32
        %dma_wait3A_225 = tpu.memref_slice %arg8[%dma_wait3A_223, %dma_wait3A_224] : memref<4x128xi32, #tpu.memory_space<vmem>> -> memref<1x128xi32, #tpu.memory_space<vmem>>
        %dma_wait3A_226 = tpu.memref_squeeze %dma_wait3A_225 : memref<1x128xi32, #tpu.memory_space<vmem>> -> memref<128xi32, #tpu.memory_space<vmem>>
        %dma_wait3A_227 = arith.constant 0 : i32
        %dma_wait3A_228 = arith.constant 0 : i32
        %dma_wait3A_229 = tpu.memref_slice %arg2[%dma_wait3A_227, %dma_wait3A_228] : memref<10000x128xf32, #tpu.memory_space<hbm>> -> memref<10000x128xf32, #tpu.memory_space<hbm>>
        tpu.wait_indirect_dma semaphore(%arg15 : memref<!tpu.dma_semaphore, #tpu.memory_space<semaphore_mem>>) src(%dma_wait3A_229 : memref<10000x128xf32, #tpu.memory_space<hbm>>) dst(%arg11 : memref<128x128xf32, #tpu.memory_space<vmem>>)
        %dma_start3A_230 = arith.constant 2 : i32
        %dma_start3A_231 = arith.constant 0 : i32
        %dma_start3A_232 = tpu.memref_slice %arg10[%dma_start3A_230, %dma_start3A_231] : memref<4x128xi32, #tpu.memory_space<vmem>> -> memref<1x128xi32, #tpu.memory_space<vmem>>
        %dma_start3A_233 = tpu.memref_squeeze %dma_start3A_232 : memref<1x128xi32, #tpu.memory_space<vmem>> -> memref<128xi32, #tpu.memory_space<vmem>>
        %dma_start3A_234 = arith.constant 0 : i32
        %dma_start3A_235 = arith.constant 0 : i32
        %dma_start3A_236 = tpu.memref_slice %arg19[%dma_start3A_234, %dma_start3A_235] : memref<10000x128xf32, #tpu.memory_space<vmem_shared>> -> memref<10000x128xf32, #tpu.memory_space<vmem_shared>>
        tpu.enqueue_indirect_dma source(%arg11 : memref<128x128xf32, #tpu.memory_space<vmem>>) target(%dma_start3A_236 : memref<10000x128xf32, #tpu.memory_space<vmem_shared>>) offsets(%dma_start3A_233 : memref<128xi32, #tpu.memory_space<vmem>>) semaphore(%arg17 : memref<!tpu.dma_semaphore, #tpu.memory_space<semaphore_mem>>) {add = true}
        %dma_wait3A_237 = arith.constant 3 : i32
        %dma_wait3A_238 = arith.constant 0 : i32
        %dma_wait3A_239 = tpu.memref_slice %arg8[%dma_wait3A_237, %dma_wait3A_238] : memref<4x128xi32, #tpu.memory_space<vmem>> -> memref<1x128xi32, #tpu.memory_space<vmem>>
        %dma_wait3A_240 = tpu.memref_squeeze %dma_wait3A_239 : memref<1x128xi32, #tpu.memory_space<vmem>> -> memref<128xi32, #tpu.memory_space<vmem>>
        %dma_wait3A_241 = arith.constant 0 : i32
        %dma_wait3A_242 = arith.constant 0 : i32
        %dma_wait3A_243 = tpu.memref_slice %arg2[%dma_wait3A_241, %dma_wait3A_242] : memref<10000x128xf32, #tpu.memory_space<hbm>> -> memref<10000x128xf32, #tpu.memory_space<hbm>>
        tpu.wait_indirect_dma semaphore(%arg16 : memref<!tpu.dma_semaphore, #tpu.memory_space<semaphore_mem>>) src(%dma_wait3A_243 : memref<10000x128xf32, #tpu.memory_space<hbm>>) dst(%arg12 : memref<128x128xf32, #tpu.memory_space<vmem>>)
        %dma_start3A_244 = arith.constant 3 : i32
        %dma_start3A_245 = arith.constant 0 : i32
        %dma_start3A_246 = tpu.memref_slice %arg10[%dma_start3A_244, %dma_start3A_245] : memref<4x128xi32, #tpu.memory_space<vmem>> -> memref<1x128xi32, #tpu.memory_space<vmem>>
        %dma_start3A_247 = tpu.memref_squeeze %dma_start3A_246 : memref<1x128xi32, #tpu.memory_space<vmem>> -> memref<128xi32, #tpu.memory_space<vmem>>
        %dma_start3A_248 = arith.constant 0 : i32
        %dma_start3A_249 = arith.constant 0 : i32
        %dma_start3A_250 = tpu.memref_slice %arg19[%dma_start3A_248, %dma_start3A_249] : memref<10000x128xf32, #tpu.memory_space<vmem_shared>> -> memref<10000x128xf32, #tpu.memory_space<vmem_shared>>
        tpu.enqueue_indirect_dma source(%arg12 : memref<128x128xf32, #tpu.memory_space<vmem>>) target(%dma_start3A_250 : memref<10000x128xf32, #tpu.memory_space<vmem_shared>>) offsets(%dma_start3A_247 : memref<128xi32, #tpu.memory_space<vmem>>) semaphore(%arg18 : memref<!tpu.dma_semaphore, #tpu.memory_space<semaphore_mem>>) {add = true}
      } else {
      }
    }
    %dma_wait3A = arith.constant 2 : i32
    %dma_wait3A_53 = arith.constant 0 : i32
    %dma_wait3A_54 = tpu.memref_slice %arg9[%dma_wait3A, %dma_wait3A_53] : memref<4x128xi32, #tpu.memory_space<vmem>> -> memref<1x128xi32, #tpu.memory_space<vmem>>
    %dma_wait3A_55 = tpu.memref_squeeze %dma_wait3A_54 : memref<1x128xi32, #tpu.memory_space<vmem>> -> memref<128xi32, #tpu.memory_space<vmem>>
    %dma_wait3A_56 = arith.constant 0 : i32
    %dma_wait3A_57 = arith.constant 0 : i32
    %dma_wait3A_58 = tpu.memref_slice %arg19[%dma_wait3A_56, %dma_wait3A_57] : memref<10000x128xf32, #tpu.memory_space<vmem_shared>> -> memref<10000x128xf32, #tpu.memory_space<vmem_shared>>
    tpu.wait_indirect_dma semaphore(%arg17 : memref<!tpu.dma_semaphore, #tpu.memory_space<semaphore_mem>>) src(%arg11 : memref<128x128xf32, #tpu.memory_space<vmem>>) dst(%dma_wait3A_58 : memref<10000x128xf32, #tpu.memory_space<vmem_shared>>)
    %dma_wait3A_59 = arith.constant 3 : i32
    %dma_wait3A_60 = arith.constant 0 : i32
    %dma_wait3A_61 = tpu.memref_slice %arg9[%dma_wait3A_59, %dma_wait3A_60] : memref<4x128xi32, #tpu.memory_space<vmem>> -> memref<1x128xi32, #tpu.memory_space<vmem>>
    %dma_wait3A_62 = tpu.memref_squeeze %dma_wait3A_61 : memref<1x128xi32, #tpu.memory_space<vmem>> -> memref<128xi32, #tpu.memory_space<vmem>>
    %dma_wait3A_63 = arith.constant 0 : i32
    %dma_wait3A_64 = arith.constant 0 : i32
    %dma_wait3A_65 = tpu.memref_slice %arg19[%dma_wait3A_63, %dma_wait3A_64] : memref<10000x128xf32, #tpu.memory_space<vmem_shared>> -> memref<10000x128xf32, #tpu.memory_space<vmem_shared>>
    tpu.wait_indirect_dma semaphore(%arg18 : memref<!tpu.dma_semaphore, #tpu.memory_space<semaphore_mem>>) src(%arg12 : memref<128x128xf32, #tpu.memory_space<vmem>>) dst(%dma_wait3A_65 : memref<10000x128xf32, #tpu.memory_space<vmem_shared>>)
    %eq3A_66 = arith.constant 1 : i32
    %eq3A_67 = arith.cmpi eq, %arg0, %eq3A_66 : i32
    %eq3A_68 = arith.constant 0 : i32
    %eq3A_69 = arith.cmpi eq, %arg1, %eq3A_68 : i32
    %and3A = arith.andi %eq3A_67, %eq3A_69 : i1
    %convert_element_type3A_70 = arith.extui %and3A : i1 to i32
    %cond3A_71 = arith.constant 0 : i32
    %cond3A_72 = arith.cmpi ne, %convert_element_type3A_70, %cond3A_71 : i32
    scf.if %cond3A_72 {
      %run_scoped3A = arith.constant 1 : i32
      %run_scoped3A_106 = arith.constant 624 : i32
      "tpu.region"() ({
        %run_scoped3A_117 = tpu.sem_alloc : memref<!tpu.dma_semaphore, #tpu.memory_space<semaphore_mem>>
        %dma_start3A_118 = arith.constant 0 : i32
        %dma_start3A_119 = arith.constant 0 : i32
        %dma_start3A_120 = tpu.memref_slice %arg3[%run_scoped3A, %run_scoped3A_106, %dma_start3A_118, %dma_start3A_119] : memref<2x625x4x128xi32, #tpu.memory_space<hbm>> -> memref<1x1x4x128xi32, #tpu.memory_space<hbm>>
        %dma_start3A_121 = tpu.memref_squeeze %dma_start3A_120 : memref<1x1x4x128xi32, #tpu.memory_space<hbm>> -> memref<4x128xi32, #tpu.memory_space<hbm>>
        %dma_start3A_122 = arith.constant 0 : i32
        %dma_start3A_123 = arith.constant 0 : i32
        %dma_start3A_124 = tpu.memref_slice %arg3[%run_scoped3A, %run_scoped3A_106, %dma_start3A_122, %dma_start3A_123] : memref<2x625x4x128xi32, #tpu.memory_space<hbm>> -> memref<1x1x4x128xi32, #tpu.memory_space<hbm>>
        %dma_start3A_125 = tpu.memref_squeeze %dma_start3A_124 : memref<1x1x4x128xi32, #tpu.memory_space<hbm>> -> memref<4x128xi32, #tpu.memory_space<hbm>>
        tpu.enqueue_dma source(%dma_start3A_125 : memref<4x128xi32, #tpu.memory_space<hbm>>) target(%arg7 : memref<4x128xi32, #tpu.memory_space<vmem>>) target_semaphore(%run_scoped3A_117 : memref<!tpu.dma_semaphore, #tpu.memory_space<semaphore_mem>>)
        %dma_wait3A_126 = arith.constant 0 : i32
        %dma_wait3A_127 = arith.constant 0 : i32
        %dma_wait3A_128 = tpu.memref_slice %arg3[%run_scoped3A, %run_scoped3A_106, %dma_wait3A_126, %dma_wait3A_127] : memref<2x625x4x128xi32, #tpu.memory_space<hbm>> -> memref<1x1x4x128xi32, #tpu.memory_space<hbm>>
        %dma_wait3A_129 = tpu.memref_squeeze %dma_wait3A_128 : memref<1x1x4x128xi32, #tpu.memory_space<hbm>> -> memref<4x128xi32, #tpu.memory_space<hbm>>
        %dma_wait3A_130 = arith.constant 0 : i32
        %dma_wait3A_131 = arith.constant 0 : i32
        %dma_wait3A_132 = tpu.memref_slice %arg3[%run_scoped3A, %run_scoped3A_106, %dma_wait3A_130, %dma_wait3A_131] : memref<2x625x4x128xi32, #tpu.memory_space<hbm>> -> memref<1x1x4x128xi32, #tpu.memory_space<hbm>>
        %dma_wait3A_133 = tpu.memref_squeeze %dma_wait3A_132 : memref<1x1x4x128xi32, #tpu.memory_space<hbm>> -> memref<4x128xi32, #tpu.memory_space<hbm>>
        tpu.wait_dma2 semaphore(%run_scoped3A_117 : memref<!tpu.dma_semaphore, #tpu.memory_space<semaphore_mem>>) src(%dma_wait3A_133 : memref<4x128xi32, #tpu.memory_space<hbm>>) dst(%arg7 : memref<4x128xi32, #tpu.memory_space<vmem>>)
        tpu.yield
      }) : () -> ()
      %run_scoped3A_107 = arith.constant 0 : i32
      %run_scoped3A_108 = arith.constant 624 : i32
      "tpu.region"() ({
        %run_scoped3A_117 = tpu.sem_alloc : memref<!tpu.dma_semaphore, #tpu.memory_space<semaphore_mem>>
        %dma_start3A_118 = arith.constant 0 : i32
        %dma_start3A_119 = arith.constant 0 : i32
        %dma_start3A_120 = tpu.memref_slice %arg3[%run_scoped3A_107, %run_scoped3A_108, %dma_start3A_118, %dma_start3A_119] : memref<2x625x4x128xi32, #tpu.memory_space<hbm>> -> memref<1x1x4x128xi32, #tpu.memory_space<hbm>>
        %dma_start3A_121 = tpu.memref_squeeze %dma_start3A_120 : memref<1x1x4x128xi32, #tpu.memory_space<hbm>> -> memref<4x128xi32, #tpu.memory_space<hbm>>
        %dma_start3A_122 = arith.constant 0 : i32
        %dma_start3A_123 = arith.constant 0 : i32
        %dma_start3A_124 = tpu.memref_slice %arg3[%run_scoped3A_107, %run_scoped3A_108, %dma_start3A_122, %dma_start3A_123] : memref<2x625x4x128xi32, #tpu.memory_space<hbm>> -> memref<1x1x4x128xi32, #tpu.memory_space<hbm>>
        %dma_start3A_125 = tpu.memref_squeeze %dma_start3A_124 : memref<1x1x4x128xi32, #tpu.memory_space<hbm>> -> memref<4x128xi32, #tpu.memory_space<hbm>>
        tpu.enqueue_dma source(%dma_start3A_125 : memref<4x128xi32, #tpu.memory_space<hbm>>) target(%arg9 : memref<4x128xi32, #tpu.memory_space<vmem>>) target_semaphore(%run_scoped3A_117 : memref<!tpu.dma_semaphore, #tpu.memory_space<semaphore_mem>>)
        %dma_wait3A_126 = arith.constant 0 : i32
        %dma_wait3A_127 = arith.constant 0 : i32
        %dma_wait3A_128 = tpu.memref_slice %arg3[%run_scoped3A_107, %run_scoped3A_108, %dma_wait3A_126, %dma_wait3A_127] : memref<2x625x4x128xi32, #tpu.memory_space<hbm>> -> memref<1x1x4x128xi32, #tpu.memory_space<hbm>>
        %dma_wait3A_129 = tpu.memref_squeeze %dma_wait3A_128 : memref<1x1x4x128xi32, #tpu.memory_space<hbm>> -> memref<4x128xi32, #tpu.memory_space<hbm>>
        %dma_wait3A_130 = arith.constant 0 : i32
        %dma_wait3A_131 = arith.constant 0 : i32
        %dma_wait3A_132 = tpu.memref_slice %arg3[%run_scoped3A_107, %run_scoped3A_108, %dma_wait3A_130, %dma_wait3A_131] : memref<2x625x4x128xi32, #tpu.memory_space<hbm>> -> memref<1x1x4x128xi32, #tpu.memory_space<hbm>>
        %dma_wait3A_133 = tpu.memref_squeeze %dma_wait3A_132 : memref<1x1x4x128xi32, #tpu.memory_space<hbm>> -> memref<4x128xi32, #tpu.memory_space<hbm>>
        tpu.wait_dma2 semaphore(%run_scoped3A_117 : memref<!tpu.dma_semaphore, #tpu.memory_space<semaphore_mem>>) src(%dma_wait3A_133 : memref<4x128xi32, #tpu.memory_space<hbm>>) dst(%arg9 : memref<4x128xi32, #tpu.memory_space<vmem>>)
        tpu.yield
      }) : () -> ()
      %run_scoped3A_109 = arith.constant 0 : i32
      "tpu.region"() ({
        %run_scoped3A_117 = tpu.sem_alloc : memref<!tpu.dma_semaphore, #tpu.memory_space<semaphore_mem>>
        %dma_start3A_118 = arith.constant 0 : i32
        %dma_start3A_119 = tpu.memref_slice %arg7[%run_scoped3A_109, %dma_start3A_118] : memref<4x128xi32, #tpu.memory_space<vmem>> -> memref<1x128xi32, #tpu.memory_space<vmem>>
        %dma_start3A_120 = tpu.memref_squeeze %dma_start3A_119 : memref<1x128xi32, #tpu.memory_space<vmem>> -> memref<128xi32, #tpu.memory_space<vmem>>
        %dma_start3A_121 = arith.constant 0 : i32
        %dma_start3A_122 = arith.constant 0 : i32
        %dma_start3A_123 = tpu.memref_slice %arg2[%dma_start3A_121, %dma_start3A_122] : memref<10000x128xf32, #tpu.memory_space<hbm>> -> memref<10000x128xf32, #tpu.memory_space<hbm>>
        tpu.enqueue_indirect_dma source(%dma_start3A_123 : memref<10000x128xf32, #tpu.memory_space<hbm>>) target(%arg11 : memref<128x128xf32, #tpu.memory_space<vmem>>) offsets(%dma_start3A_120 : memref<128xi32, #tpu.memory_space<vmem>>) semaphore(%run_scoped3A_117 : memref<!tpu.dma_semaphore, #tpu.memory_space<semaphore_mem>>)
        %dma_wait3A_124 = arith.constant 0 : i32
        %dma_wait3A_125 = tpu.memref_slice %arg7[%run_scoped3A_109, %dma_wait3A_124] : memref<4x128xi32, #tpu.memory_space<vmem>> -> memref<1x128xi32, #tpu.memory_space<vmem>>
        %dma_wait3A_126 = tpu.memref_squeeze %dma_wait3A_125 : memref<1x128xi32, #tpu.memory_space<vmem>> -> memref<128xi32, #tpu.memory_space<vmem>>
        %dma_wait3A_127 = arith.constant 0 : i32
        %dma_wait3A_128 = arith.constant 0 : i32
        %dma_wait3A_129 = tpu.memref_slice %arg2[%dma_wait3A_127, %dma_wait3A_128] : memref<10000x128xf32, #tpu.memory_space<hbm>> -> memref<10000x128xf32, #tpu.memory_space<hbm>>
        tpu.wait_indirect_dma semaphore(%run_scoped3A_117 : memref<!tpu.dma_semaphore, #tpu.memory_space<semaphore_mem>>) src(%dma_wait3A_129 : memref<10000x128xf32, #tpu.memory_space<hbm>>) dst(%arg11 : memref<128x128xf32, #tpu.memory_space<vmem>>)
        tpu.yield
      }) : () -> ()
      %run_scoped3A_110 = arith.constant 0 : i32
      "tpu.region"() ({
        %run_scoped3A_117 = tpu.sem_alloc : memref<!tpu.dma_semaphore, #tpu.memory_space<semaphore_mem>>
        %dma_start3A_118 = arith.constant 0 : i32
        %dma_start3A_119 = tpu.memref_slice %arg9[%run_scoped3A_110, %dma_start3A_118] : memref<4x128xi32, #tpu.memory_space<vmem>> -> memref<1x128xi32, #tpu.memory_space<vmem>>
        %dma_start3A_120 = tpu.memref_squeeze %dma_start3A_119 : memref<1x128xi32, #tpu.memory_space<vmem>> -> memref<128xi32, #tpu.memory_space<vmem>>
        %dma_start3A_121 = arith.constant 0 : i32
        %dma_start3A_122 = arith.constant 0 : i32
        %dma_start3A_123 = tpu.memref_slice %arg19[%dma_start3A_121, %dma_start3A_122] : memref<10000x128xf32, #tpu.memory_space<vmem_shared>> -> memref<10000x128xf32, #tpu.memory_space<vmem_shared>>
        tpu.enqueue_indirect_dma source(%arg11 : memref<128x128xf32, #tpu.memory_space<vmem>>) target(%dma_start3A_123 : memref<10000x128xf32, #tpu.memory_space<vmem_shared>>) offsets(%dma_start3A_120 : memref<128xi32, #tpu.memory_space<vmem>>) semaphore(%run_scoped3A_117 : memref<!tpu.dma_semaphore, #tpu.memory_space<semaphore_mem>>) {add = true}
        %dma_wait3A_124 = arith.constant 0 : i32
        %dma_wait3A_125 = tpu.memref_slice %arg9[%run_scoped3A_110, %dma_wait3A_124] : memref<4x128xi32, #tpu.memory_space<vmem>> -> memref<1x128xi32, #tpu.memory_space<vmem>>
        %dma_wait3A_126 = tpu.memref_squeeze %dma_wait3A_125 : memref<1x128xi32, #tpu.memory_space<vmem>> -> memref<128xi32, #tpu.memory_space<vmem>>
        %dma_wait3A_127 = arith.constant 0 : i32
        %dma_wait3A_128 = arith.constant 0 : i32
        %dma_wait3A_129 = tpu.memref_slice %arg19[%dma_wait3A_127, %dma_wait3A_128] : memref<10000x128xf32, #tpu.memory_space<vmem_shared>> -> memref<10000x128xf32, #tpu.memory_space<vmem_shared>>
        tpu.wait_indirect_dma semaphore(%run_scoped3A_117 : memref<!tpu.dma_semaphore, #tpu.memory_space<semaphore_mem>>) src(%arg11 : memref<128x128xf32, #tpu.memory_space<vmem>>) dst(%dma_wait3A_129 : memref<10000x128xf32, #tpu.memory_space<vmem_shared>>)
        tpu.yield
      }) : () -> ()
      %run_scoped3A_111 = arith.constant 1 : i32
      "tpu.region"() ({
        %run_scoped3A_117 = tpu.sem_alloc : memref<!tpu.dma_semaphore, #tpu.memory_space<semaphore_mem>>
        %dma_start3A_118 = arith.constant 0 : i32
        %dma_start3A_119 = tpu.memref_slice %arg7[%run_scoped3A_111, %dma_start3A_118] : memref<4x128xi32, #tpu.memory_space<vmem>> -> memref<1x128xi32, #tpu.memory_space<vmem>>
        %dma_start3A_120 = tpu.memref_squeeze %dma_start3A_119 : memref<1x128xi32, #tpu.memory_space<vmem>> -> memref<128xi32, #tpu.memory_space<vmem>>
        %dma_start3A_121 = arith.constant 0 : i32
        %dma_start3A_122 = arith.constant 0 : i32
        %dma_start3A_123 = tpu.memref_slice %arg2[%dma_start3A_121, %dma_start3A_122] : memref<10000x128xf32, #tpu.memory_space<hbm>> -> memref<10000x128xf32, #tpu.memory_space<hbm>>
        tpu.enqueue_indirect_dma source(%dma_start3A_123 : memref<10000x128xf32, #tpu.memory_space<hbm>>) target(%arg12 : memref<128x128xf32, #tpu.memory_space<vmem>>) offsets(%dma_start3A_120 : memref<128xi32, #tpu.memory_space<vmem>>) semaphore(%run_scoped3A_117 : memref<!tpu.dma_semaphore, #tpu.memory_space<semaphore_mem>>)
        %dma_wait3A_124 = arith.constant 0 : i32
        %dma_wait3A_125 = tpu.memref_slice %arg7[%run_scoped3A_111, %dma_wait3A_124] : memref<4x128xi32, #tpu.memory_space<vmem>> -> memref<1x128xi32, #tpu.memory_space<vmem>>
        %dma_wait3A_126 = tpu.memref_squeeze %dma_wait3A_125 : memref<1x128xi32, #tpu.memory_space<vmem>> -> memref<128xi32, #tpu.memory_space<vmem>>
        %dma_wait3A_127 = arith.constant 0 : i32
        %dma_wait3A_128 = arith.constant 0 : i32
        %dma_wait3A_129 = tpu.memref_slice %arg2[%dma_wait3A_127, %dma_wait3A_128] : memref<10000x128xf32, #tpu.memory_space<hbm>> -> memref<10000x128xf32, #tpu.memory_space<hbm>>
        tpu.wait_indirect_dma semaphore(%run_scoped3A_117 : memref<!tpu.dma_semaphore, #tpu.memory_space<semaphore_mem>>) src(%dma_wait3A_129 : memref<10000x128xf32, #tpu.memory_space<hbm>>) dst(%arg12 : memref<128x128xf32, #tpu.memory_space<vmem>>)
        tpu.yield
      }) : () -> ()
      %run_scoped3A_112 = arith.constant 1 : i32
      "tpu.region"() ({
        %run_scoped3A_117 = tpu.sem_alloc : memref<!tpu.dma_semaphore, #tpu.memory_space<semaphore_mem>>
        %dma_start3A_118 = arith.constant 0 : i32
        %dma_start3A_119 = tpu.memref_slice %arg9[%run_scoped3A_112, %dma_start3A_118] : memref<4x128xi32, #tpu.memory_space<vmem>> -> memref<1x128xi32, #tpu.memory_space<vmem>>
        %dma_start3A_120 = tpu.memref_squeeze %dma_start3A_119 : memref<1x128xi32, #tpu.memory_space<vmem>> -> memref<128xi32, #tpu.memory_space<vmem>>
        %dma_start3A_121 = arith.constant 0 : i32
        %dma_start3A_122 = arith.constant 0 : i32
        %dma_start3A_123 = tpu.memref_slice %arg19[%dma_start3A_121, %dma_start3A_122] : memref<10000x128xf32, #tpu.memory_space<vmem_shared>> -> memref<10000x128xf32, #tpu.memory_space<vmem_shared>>
        tpu.enqueue_indirect_dma source(%arg12 : memref<128x128xf32, #tpu.memory_space<vmem>>) target(%dma_start3A_123 : memref<10000x128xf32, #tpu.memory_space<vmem_shared>>) offsets(%dma_start3A_120 : memref<128xi32, #tpu.memory_space<vmem>>) semaphore(%run_scoped3A_117 : memref<!tpu.dma_semaphore, #tpu.memory_space<semaphore_mem>>) {add = true}
        %dma_wait3A_124 = arith.constant 0 : i32
        %dma_wait3A_125 = tpu.memref_slice %arg9[%run_scoped3A_112, %dma_wait3A_124] : memref<4x128xi32, #tpu.memory_space<vmem>> -> memref<1x128xi32, #tpu.memory_space<vmem>>
        %dma_wait3A_126 = tpu.memref_squeeze %dma_wait3A_125 : memref<1x128xi32, #tpu.memory_space<vmem>> -> memref<128xi32, #tpu.memory_space<vmem>>
        %dma_wait3A_127 = arith.constant 0 : i32
        %dma_wait3A_128 = arith.constant 0 : i32
        %dma_wait3A_129 = tpu.memref_slice %arg19[%dma_wait3A_127, %dma_wait3A_128] : memref<10000x128xf32, #tpu.memory_space<vmem_shared>> -> memref<10000x128xf32, #tpu.memory_space<vmem_shared>>
        tpu.wait_indirect_dma semaphore(%run_scoped3A_117 : memref<!tpu.dma_semaphore, #tpu.memory_space<semaphore_mem>>) src(%arg12 : memref<128x128xf32, #tpu.memory_space<vmem>>) dst(%dma_wait3A_129 : memref<10000x128xf32, #tpu.memory_space<vmem_shared>>)
        tpu.yield
      }) : () -> ()
      %run_scoped3A_113 = arith.constant 2 : i32
      "tpu.region"() ({
        %run_scoped3A_117 = tpu.sem_alloc : memref<!tpu.dma_semaphore, #tpu.memory_space<semaphore_mem>>
        %dma_start3A_118 = arith.constant 0 : i32
        %dma_start3A_119 = tpu.memref_slice %arg7[%run_scoped3A_113, %dma_start3A_118] : memref<4x128xi32, #tpu.memory_space<vmem>> -> memref<1x128xi32, #tpu.memory_space<vmem>>
        %dma_start3A_120 = tpu.memref_squeeze %dma_start3A_119 : memref<1x128xi32, #tpu.memory_space<vmem>> -> memref<128xi32, #tpu.memory_space<vmem>>
        %dma_start3A_121 = arith.constant 0 : i32
        %dma_start3A_122 = arith.constant 0 : i32
        %dma_start3A_123 = tpu.memref_slice %arg2[%dma_start3A_121, %dma_start3A_122] : memref<10000x128xf32, #tpu.memory_space<hbm>> -> memref<10000x128xf32, #tpu.memory_space<hbm>>
        tpu.enqueue_indirect_dma source(%dma_start3A_123 : memref<10000x128xf32, #tpu.memory_space<hbm>>) target(%arg11 : memref<128x128xf32, #tpu.memory_space<vmem>>) offsets(%dma_start3A_120 : memref<128xi32, #tpu.memory_space<vmem>>) semaphore(%run_scoped3A_117 : memref<!tpu.dma_semaphore, #tpu.memory_space<semaphore_mem>>)
        %dma_wait3A_124 = arith.constant 0 : i32
        %dma_wait3A_125 = tpu.memref_slice %arg7[%run_scoped3A_113, %dma_wait3A_124] : memref<4x128xi32, #tpu.memory_space<vmem>> -> memref<1x128xi32, #tpu.memory_space<vmem>>
        %dma_wait3A_126 = tpu.memref_squeeze %dma_wait3A_125 : memref<1x128xi32, #tpu.memory_space<vmem>> -> memref<128xi32, #tpu.memory_space<vmem>>
        %dma_wait3A_127 = arith.constant 0 : i32
        %dma_wait3A_128 = arith.constant 0 : i32
        %dma_wait3A_129 = tpu.memref_slice %arg2[%dma_wait3A_127, %dma_wait3A_128] : memref<10000x128xf32, #tpu.memory_space<hbm>> -> memref<10000x128xf32, #tpu.memory_space<hbm>>
        tpu.wait_indirect_dma semaphore(%run_scoped3A_117 : memref<!tpu.dma_semaphore, #tpu.memory_space<semaphore_mem>>) src(%dma_wait3A_129 : memref<10000x128xf32, #tpu.memory_space<hbm>>) dst(%arg11 : memref<128x128xf32, #tpu.memory_space<vmem>>)
        tpu.yield
      }) : () -> ()
      %run_scoped3A_114 = arith.constant 2 : i32
      "tpu.region"() ({
        %run_scoped3A_117 = tpu.sem_alloc : memref<!tpu.dma_semaphore, #tpu.memory_space<semaphore_mem>>
        %dma_start3A_118 = arith.constant 0 : i32
        %dma_start3A_119 = tpu.memref_slice %arg9[%run_scoped3A_114, %dma_start3A_118] : memref<4x128xi32, #tpu.memory_space<vmem>> -> memref<1x128xi32, #tpu.memory_space<vmem>>
        %dma_start3A_120 = tpu.memref_squeeze %dma_start3A_119 : memref<1x128xi32, #tpu.memory_space<vmem>> -> memref<128xi32, #tpu.memory_space<vmem>>
        %dma_start3A_121 = arith.constant 0 : i32
        %dma_start3A_122 = arith.constant 0 : i32
        %dma_start3A_123 = tpu.memref_slice %arg19[%dma_start3A_121, %dma_start3A_122] : memref<10000x128xf32, #tpu.memory_space<vmem_shared>> -> memref<10000x128xf32, #tpu.memory_space<vmem_shared>>
        tpu.enqueue_indirect_dma source(%arg11 : memref<128x128xf32, #tpu.memory_space<vmem>>) target(%dma_start3A_123 : memref<10000x128xf32, #tpu.memory_space<vmem_shared>>) offsets(%dma_start3A_120 : memref<128xi32, #tpu.memory_space<vmem>>) semaphore(%run_scoped3A_117 : memref<!tpu.dma_semaphore, #tpu.memory_space<semaphore_mem>>) {add = true}
        %dma_wait3A_124 = arith.constant 0 : i32
        %dma_wait3A_125 = tpu.memref_slice %arg9[%run_scoped3A_114, %dma_wait3A_124] : memref<4x128xi32, #tpu.memory_space<vmem>> -> memref<1x128xi32, #tpu.memory_space<vmem>>
        %dma_wait3A_126 = tpu.memref_squeeze %dma_wait3A_125 : memref<1x128xi32, #tpu.memory_space<vmem>> -> memref<128xi32, #tpu.memory_space<vmem>>
        %dma_wait3A_127 = arith.constant 0 : i32
        %dma_wait3A_128 = arith.constant 0 : i32
        %dma_wait3A_129 = tpu.memref_slice %arg19[%dma_wait3A_127, %dma_wait3A_128] : memref<10000x128xf32, #tpu.memory_space<vmem_shared>> -> memref<10000x128xf32, #tpu.memory_space<vmem_shared>>
        tpu.wait_indirect_dma semaphore(%run_scoped3A_117 : memref<!tpu.dma_semaphore, #tpu.memory_space<semaphore_mem>>) src(%arg11 : memref<128x128xf32, #tpu.memory_space<vmem>>) dst(%dma_wait3A_129 : memref<10000x128xf32, #tpu.memory_space<vmem_shared>>)
        tpu.yield
      }) : () -> ()
      %run_scoped3A_115 = arith.constant 3 : i32
      "tpu.region"() ({
        %run_scoped3A_117 = tpu.sem_alloc : memref<!tpu.dma_semaphore, #tpu.memory_space<semaphore_mem>>
        %dma_start3A_118 = arith.constant 0 : i32
        %dma_start3A_119 = tpu.memref_slice %arg7[%run_scoped3A_115, %dma_start3A_118] : memref<4x128xi32, #tpu.memory_space<vmem>> -> memref<1x128xi32, #tpu.memory_space<vmem>>
        %dma_start3A_120 = tpu.memref_squeeze %dma_start3A_119 : memref<1x128xi32, #tpu.memory_space<vmem>> -> memref<128xi32, #tpu.memory_space<vmem>>
        %dma_start3A_121 = arith.constant 0 : i32
        %dma_start3A_122 = arith.constant 0 : i32
        %dma_start3A_123 = tpu.memref_slice %arg2[%dma_start3A_121, %dma_start3A_122] : memref<10000x128xf32, #tpu.memory_space<hbm>> -> memref<10000x128xf32, #tpu.memory_space<hbm>>
        tpu.enqueue_indirect_dma source(%dma_start3A_123 : memref<10000x128xf32, #tpu.memory_space<hbm>>) target(%arg12 : memref<128x128xf32, #tpu.memory_space<vmem>>) offsets(%dma_start3A_120 : memref<128xi32, #tpu.memory_space<vmem>>) semaphore(%run_scoped3A_117 : memref<!tpu.dma_semaphore, #tpu.memory_space<semaphore_mem>>)
        %dma_wait3A_124 = arith.constant 0 : i32
        %dma_wait3A_125 = tpu.memref_slice %arg7[%run_scoped3A_115, %dma_wait3A_124] : memref<4x128xi32, #tpu.memory_space<vmem>> -> memref<1x128xi32, #tpu.memory_space<vmem>>
        %dma_wait3A_126 = tpu.memref_squeeze %dma_wait3A_125 : memref<1x128xi32, #tpu.memory_space<vmem>> -> memref<128xi32, #tpu.memory_space<vmem>>
        %dma_wait3A_127 = arith.constant 0 : i32
        %dma_wait3A_128 = arith.constant 0 : i32
        %dma_wait3A_129 = tpu.memref_slice %arg2[%dma_wait3A_127, %dma_wait3A_128] : memref<10000x128xf32, #tpu.memory_space<hbm>> -> memref<10000x128xf32, #tpu.memory_space<hbm>>
        tpu.wait_indirect_dma semaphore(%run_scoped3A_117 : memref<!tpu.dma_semaphore, #tpu.memory_space<semaphore_mem>>) src(%dma_wait3A_129 : memref<10000x128xf32, #tpu.memory_space<hbm>>) dst(%arg12 : memref<128x128xf32, #tpu.memory_space<vmem>>)
        tpu.yield
      }) : () -> ()
      %run_scoped3A_116 = arith.constant 3 : i32
      "tpu.region"() ({
        %run_scoped3A_117 = tpu.sem_alloc : memref<!tpu.dma_semaphore, #tpu.memory_space<semaphore_mem>>
        %dma_start3A_118 = arith.constant 0 : i32
        %dma_start3A_119 = tpu.memref_slice %arg9[%run_scoped3A_116, %dma_start3A_118] : memref<4x128xi32, #tpu.memory_space<vmem>> -> memref<1x128xi32, #tpu.memory_space<vmem>>
        %dma_start3A_120 = tpu.memref_squeeze %dma_start3A_119 : memref<1x128xi32, #tpu.memory_space<vmem>> -> memref<128xi32, #tpu.memory_space<vmem>>
        %dma_start3A_121 = arith.constant 0 : i32
        %dma_start3A_122 = arith.constant 0 : i32
        %dma_start3A_123 = tpu.memref_slice %arg19[%dma_start3A_121, %dma_start3A_122] : memref<10000x128xf32, #tpu.memory_space<vmem_shared>> -> memref<10000x128xf32, #tpu.memory_space<vmem_shared>>
        tpu.enqueue_indirect_dma source(%arg12 : memref<128x128xf32, #tpu.memory_space<vmem>>) target(%dma_start3A_123 : memref<10000x128xf32, #tpu.memory_space<vmem_shared>>) offsets(%dma_start3A_120 : memref<128xi32, #tpu.memory_space<vmem>>) semaphore(%run_scoped3A_117 : memref<!tpu.dma_semaphore, #tpu.memory_space<semaphore_mem>>) {add = true}
        %dma_wait3A_124 = arith.constant 0 : i32
        %dma_wait3A_125 = tpu.memref_slice %arg9[%run_scoped3A_116, %dma_wait3A_124] : memref<4x128xi32, #tpu.memory_space<vmem>> -> memref<1x128xi32, #tpu.memory_space<vmem>>
        %dma_wait3A_126 = tpu.memref_squeeze %dma_wait3A_125 : memref<1x128xi32, #tpu.memory_space<vmem>> -> memref<128xi32, #tpu.memory_space<vmem>>
        %dma_wait3A_127 = arith.constant 0 : i32
        %dma_wait3A_128 = arith.constant 0 : i32
        %dma_wait3A_129 = tpu.memref_slice %arg19[%dma_wait3A_127, %dma_wait3A_128] : memref<10000x128xf32, #tpu.memory_space<vmem_shared>> -> memref<10000x128xf32, #tpu.memory_space<vmem_shared>>
        tpu.wait_indirect_dma semaphore(%run_scoped3A_117 : memref<!tpu.dma_semaphore, #tpu.memory_space<semaphore_mem>>) src(%arg12 : memref<128x128xf32, #tpu.memory_space<vmem>>) dst(%dma_wait3A_129 : memref<10000x128xf32, #tpu.memory_space<vmem_shared>>)
        tpu.yield
      }) : () -> ()
    } else {
    }
    %barrier3A_73 = arith.constant 0 : index
    tpu.barrier barrier_id(%barrier3A_73)
    %lt3A_74 = arith.constant 14 : i32
    %lt3A_75 = arith.cmpi slt, %arg1, %lt3A_74 : i32
    %ge3A_76 = arith.constant 14 : i32
    %ge3A_77 = arith.cmpi sge, %arg1, %ge3A_76 : i32
    %eq3A_78 = arith.constant 0 : i32
    %eq3A_79 = arith.cmpi eq, %arg0, %eq3A_78 : i32
    %and3A_80 = arith.andi %eq3A_79, %lt3A_75 : i1
    %convert_element_type3A_81 = arith.extui %and3A_80 : i1 to i32
    %cond3A_82 = arith.constant 0 : i32
    %cond3A_83 = arith.cmpi ne, %convert_element_type3A_81, %cond3A_82 : i32
    scf.if %cond3A_83 {
      "tpu.region"() ({
        %run_scoped3A = tpu.sem_alloc : memref<!tpu.dma_semaphore, #tpu.memory_space<semaphore_mem>>
        %dma_start3A_106 = arith.constant 0 : i32
        %dma_start3A_107 = tpu.memref_slice %arg5[%add3A, %dma_start3A_106] : memref<10000x128xf32, #tpu.memory_space<hbm>> -> memref<624x128xf32, #tpu.memory_space<hbm>>
        %dma_start3A_108 = arith.constant 0 : i32
        %dma_start3A_109 = tpu.memref_slice %arg19[%add3A, %dma_start3A_108] : memref<10000x128xf32, #tpu.memory_space<vmem_shared>> -> memref<624x128xf32, #tpu.memory_space<vmem_shared>>
        tpu.enqueue_dma source(%dma_start3A_109 : memref<624x128xf32, #tpu.memory_space<vmem_shared>>) target(%dma_start3A_107 : memref<624x128xf32, #tpu.memory_space<hbm>>) target_semaphore(%run_scoped3A : memref<!tpu.dma_semaphore, #tpu.memory_space<semaphore_mem>>)
        %dma_wait3A_110 = arith.constant 0 : i32
        %dma_wait3A_111 = tpu.memref_slice %arg5[%add3A, %dma_wait3A_110] : memref<10000x128xf32, #tpu.memory_space<hbm>> -> memref<624x128xf32, #tpu.memory_space<hbm>>
        %dma_wait3A_112 = arith.constant 0 : i32
        %dma_wait3A_113 = tpu.memref_slice %arg19[%add3A, %dma_wait3A_112] : memref<10000x128xf32, #tpu.memory_space<vmem_shared>> -> memref<624x128xf32, #tpu.memory_space<vmem_shared>>
        tpu.wait_dma2 semaphore(%run_scoped3A : memref<!tpu.dma_semaphore, #tpu.memory_space<semaphore_mem>>) src(%dma_wait3A_113 : memref<624x128xf32, #tpu.memory_space<vmem_shared>>) dst(%dma_wait3A_111 : memref<624x128xf32, #tpu.memory_space<hbm>>)
        tpu.yield
      }) : () -> ()
    } else {
    }
    %eq3A_84 = arith.constant 0 : i32
    %eq3A_85 = arith.cmpi eq, %arg0, %eq3A_84 : i32
    %and3A_86 = arith.andi %eq3A_85, %ge3A_77 : i1
    %convert_element_type3A_87 = arith.extui %and3A_86 : i1 to i32
    %cond3A_88 = arith.constant 0 : i32
    %cond3A_89 = arith.cmpi ne, %convert_element_type3A_87, %cond3A_88 : i32
    scf.if %cond3A_89 {
      "tpu.region"() ({
        %run_scoped3A = tpu.sem_alloc : memref<!tpu.dma_semaphore, #tpu.memory_space<semaphore_mem>>
        %dma_start3A_106 = arith.constant 0 : i32
        %dma_start3A_107 = tpu.memref_slice %arg5[%add3A, %dma_start3A_106] : memref<10000x128xf32, #tpu.memory_space<hbm>> -> memref<632x128xf32, #tpu.memory_space<hbm>>
        %dma_start3A_108 = arith.constant 0 : i32
        %dma_start3A_109 = tpu.memref_slice %arg19[%add3A, %dma_start3A_108] : memref<10000x128xf32, #tpu.memory_space<vmem_shared>> -> memref<632x128xf32, #tpu.memory_space<vmem_shared>>
        tpu.enqueue_dma source(%dma_start3A_109 : memref<632x128xf32, #tpu.memory_space<vmem_shared>>) target(%dma_start3A_107 : memref<632x128xf32, #tpu.memory_space<hbm>>) target_semaphore(%run_scoped3A : memref<!tpu.dma_semaphore, #tpu.memory_space<semaphore_mem>>)
        %dma_wait3A_110 = arith.constant 0 : i32
        %dma_wait3A_111 = tpu.memref_slice %arg5[%add3A, %dma_wait3A_110] : memref<10000x128xf32, #tpu.memory_space<hbm>> -> memref<632x128xf32, #tpu.memory_space<hbm>>
        %dma_wait3A_112 = arith.constant 0 : i32
        %dma_wait3A_113 = tpu.memref_slice %arg19[%add3A, %dma_wait3A_112] : memref<10000x128xf32, #tpu.memory_space<vmem_shared>> -> memref<632x128xf32, #tpu.memory_space<vmem_shared>>
        tpu.wait_dma2 semaphore(%run_scoped3A : memref<!tpu.dma_semaphore, #tpu.memory_space<semaphore_mem>>) src(%dma_wait3A_113 : memref<632x128xf32, #tpu.memory_space<vmem_shared>>) dst(%dma_wait3A_111 : memref<632x128xf32, #tpu.memory_space<hbm>>)
        tpu.yield
      }) : () -> ()
    } else {
    }
    %lt3A_90 = arith.constant 14 : i32
    %lt3A_91 = arith.cmpi slt, %arg1, %lt3A_90 : i32
    %ge3A_92 = arith.constant 14 : i32
    %ge3A_93 = arith.cmpi sge, %arg1, %ge3A_92 : i32
    %eq3A_94 = arith.constant 1 : i32
    %eq3A_95 = arith.cmpi eq, %arg0, %eq3A_94 : i32
    %and3A_96 = arith.andi %eq3A_95, %lt3A_91 : i1
    %convert_element_type3A_97 = arith.extui %and3A_96 : i1 to i32
    %cond3A_98 = arith.constant 0 : i32
    %cond3A_99 = arith.cmpi ne, %convert_element_type3A_97, %cond3A_98 : i32
    scf.if %cond3A_99 {
      "tpu.region"() ({
        %run_scoped3A = tpu.sem_alloc : memref<!tpu.dma_semaphore, #tpu.memory_space<semaphore_mem>>
        %dma_start3A_106 = arith.constant 0 : i32
        %dma_start3A_107 = tpu.memref_slice %arg6[%add3A, %dma_start3A_106] : memref<10000x128xf32, #tpu.memory_space<hbm>> -> memref<624x128xf32, #tpu.memory_space<hbm>>
        %dma_start3A_108 = arith.constant 0 : i32
        %dma_start3A_109 = tpu.memref_slice %arg19[%add3A, %dma_start3A_108] : memref<10000x128xf32, #tpu.memory_space<vmem_shared>> -> memref<624x128xf32, #tpu.memory_space<vmem_shared>>
        tpu.enqueue_dma source(%dma_start3A_109 : memref<624x128xf32, #tpu.memory_space<vmem_shared>>) target(%dma_start3A_107 : memref<624x128xf32, #tpu.memory_space<hbm>>) target_semaphore(%run_scoped3A : memref<!tpu.dma_semaphore, #tpu.memory_space<semaphore_mem>>)
        %dma_wait3A_110 = arith.constant 0 : i32
        %dma_wait3A_111 = tpu.memref_slice %arg6[%add3A, %dma_wait3A_110] : memref<10000x128xf32, #tpu.memory_space<hbm>> -> memref<624x128xf32, #tpu.memory_space<hbm>>
        %dma_wait3A_112 = arith.constant 0 : i32
        %dma_wait3A_113 = tpu.memref_slice %arg19[%add3A, %dma_wait3A_112] : memref<10000x128xf32, #tpu.memory_space<vmem_shared>> -> memref<624x128xf32, #tpu.memory_space<vmem_shared>>
        tpu.wait_dma2 semaphore(%run_scoped3A : memref<!tpu.dma_semaphore, #tpu.memory_space<semaphore_mem>>) src(%dma_wait3A_113 : memref<624x128xf32, #tpu.memory_space<vmem_shared>>) dst(%dma_wait3A_111 : memref<624x128xf32, #tpu.memory_space<hbm>>)
        tpu.yield
      }) : () -> ()
    } else {
    }
    %eq3A_100 = arith.constant 1 : i32
    %eq3A_101 = arith.cmpi eq, %arg0, %eq3A_100 : i32
    %and3A_102 = arith.andi %eq3A_101, %ge3A_93 : i1
    %convert_element_type3A_103 = arith.extui %and3A_102 : i1 to i32
    %cond3A_104 = arith.constant 0 : i32
    %cond3A_105 = arith.cmpi ne, %convert_element_type3A_103, %cond3A_104 : i32
    scf.if %cond3A_105 {
      "tpu.region"() ({
        %run_scoped3A = tpu.sem_alloc : memref<!tpu.dma_semaphore, #tpu.memory_space<semaphore_mem>>
        %dma_start3A_106 = arith.constant 0 : i32
        %dma_start3A_107 = tpu.memref_slice %arg6[%add3A, %dma_start3A_106] : memref<10000x128xf32, #tpu.memory_space<hbm>> -> memref<632x128xf32, #tpu.memory_space<hbm>>
        %dma_start3A_108 = arith.constant 0 : i32
        %dma_start3A_109 = tpu.memref_slice %arg19[%add3A, %dma_start3A_108] : memref<10000x128xf32, #tpu.memory_space<vmem_shared>> -> memref<632x128xf32, #tpu.memory_space<vmem_shared>>
        tpu.enqueue_dma source(%dma_start3A_109 : memref<632x128xf32, #tpu.memory_space<vmem_shared>>) target(%dma_start3A_107 : memref<632x128xf32, #tpu.memory_space<hbm>>) target_semaphore(%run_scoped3A : memref<!tpu.dma_semaphore, #tpu.memory_space<semaphore_mem>>)
        %dma_wait3A_110 = arith.constant 0 : i32
        %dma_wait3A_111 = tpu.memref_slice %arg6[%add3A, %dma_wait3A_110] : memref<10000x128xf32, #tpu.memory_space<hbm>> -> memref<632x128xf32, #tpu.memory_space<hbm>>
        %dma_wait3A_112 = arith.constant 0 : i32
        %dma_wait3A_113 = tpu.memref_slice %arg19[%add3A, %dma_wait3A_112] : memref<10000x128xf32, #tpu.memory_space<vmem_shared>> -> memref<632x128xf32, #tpu.memory_space<vmem_shared>>
        tpu.wait_dma2 semaphore(%run_scoped3A : memref<!tpu.dma_semaphore, #tpu.memory_space<semaphore_mem>>) src(%dma_wait3A_113 : memref<632x128xf32, #tpu.memory_space<vmem_shared>>) dst(%dma_wait3A_111 : memref<632x128xf32, #tpu.memory_space<hbm>>)
        tpu.yield
      }) : () -> ()
    } else {
    }
    return
  }
}

#map = affine_map<(d0, d1) -> (0, 0)>
module attributes {stable_mosaic.version = 14 : i64} {
  func.func @_id_gather(%arg0: i32, %arg1: i32, %arg2: memref<10000x128xf32, #tpu.memory_space<hbm>>, %arg3: memref<10000x128xf32, #tpu.memory_space<hbm>>, %arg4: memref<10000x128xf32, #tpu.memory_space<hbm>>, %arg5: memref<32x64xi32, #tpu.memory_space<hbm>>, %arg6: memref<2048x128xf32, #tpu.memory_space<hbm>>, %arg7: memref<64xi32, #tpu.memory_space<vmem>>, %arg8: memref<64x128xf32, #tpu.memory_space<vmem>>, %arg9: memref<64x128xf32, #tpu.memory_space<vmem>>, %arg10: memref<64x128xf32, #tpu.memory_space<vmem>>, %arg11: memref<!tpu.dma_semaphore, #tpu.memory_space<semaphore_mem>>) attributes {dimension_semantics = [#tpu.dimension_semantics<core_parallel>, #tpu.dimension_semantics<subcore_parallel>], iteration_bounds = array<i64: 2, 16>, scalar_prefetch = 0 : i64, scratch_operands = 5 : i64, tpu.core_type = #tpu.core_type<sc_vector_subcore>, window_params = [{transform_indices = #map}, {transform_indices = #map}, {transform_indices = #map}, {transform_indices = #map}, {transform_indices = #map}]} {
    %mul3A = arith.constant 16 : i32
    %mul3A_0 = arith.muli %arg0, %mul3A : i32
    %add3A = arith.addi %mul3A_0, %arg1 : i32
    "tpu.region"() ({
      %run_scoped3A = tpu.sem_alloc : memref<!tpu.dma_semaphore, #tpu.memory_space<semaphore_mem>>
      %dma_start3A_24 = arith.constant 0 : i32
      %dma_start3A_25 = tpu.memref_slice %arg5[%add3A, %dma_start3A_24] : memref<32x64xi32, #tpu.memory_space<hbm>> -> memref<1x64xi32, #tpu.memory_space<hbm>>
      %dma_start3A_26 = tpu.memref_squeeze %dma_start3A_25 : memref<1x64xi32, #tpu.memory_space<hbm>> -> memref<64xi32, #tpu.memory_space<hbm>>
      %dma_start3A_27 = arith.constant 0 : i32
      %dma_start3A_28 = tpu.memref_slice %arg5[%add3A, %dma_start3A_27] : memref<32x64xi32, #tpu.memory_space<hbm>> -> memref<1x64xi32, #tpu.memory_space<hbm>>
      %dma_start3A_29 = tpu.memref_squeeze %dma_start3A_28 : memref<1x64xi32, #tpu.memory_space<hbm>> -> memref<64xi32, #tpu.memory_space<hbm>>
      tpu.enqueue_dma source(%dma_start3A_29 : memref<64xi32, #tpu.memory_space<hbm>>) target(%arg7 : memref<64xi32, #tpu.memory_space<vmem>>) target_semaphore(%run_scoped3A : memref<!tpu.dma_semaphore, #tpu.memory_space<semaphore_mem>>)
      %dma_wait3A_30 = arith.constant 0 : i32
      %dma_wait3A_31 = tpu.memref_slice %arg5[%add3A, %dma_wait3A_30] : memref<32x64xi32, #tpu.memory_space<hbm>> -> memref<1x64xi32, #tpu.memory_space<hbm>>
      %dma_wait3A_32 = tpu.memref_squeeze %dma_wait3A_31 : memref<1x64xi32, #tpu.memory_space<hbm>> -> memref<64xi32, #tpu.memory_space<hbm>>
      %dma_wait3A_33 = arith.constant 0 : i32
      %dma_wait3A_34 = tpu.memref_slice %arg5[%add3A, %dma_wait3A_33] : memref<32x64xi32, #tpu.memory_space<hbm>> -> memref<1x64xi32, #tpu.memory_space<hbm>>
      %dma_wait3A_35 = tpu.memref_squeeze %dma_wait3A_34 : memref<1x64xi32, #tpu.memory_space<hbm>> -> memref<64xi32, #tpu.memory_space<hbm>>
      tpu.wait_dma2 semaphore(%run_scoped3A : memref<!tpu.dma_semaphore, #tpu.memory_space<semaphore_mem>>) src(%dma_wait3A_35 : memref<64xi32, #tpu.memory_space<hbm>>) dst(%arg7 : memref<64xi32, #tpu.memory_space<vmem>>)
      tpu.yield
    }) : () -> ()
    %dma_start3A = arith.constant 0 : i32
    %dma_start3A_1 = arith.constant 0 : i32
    %dma_start3A_2 = tpu.memref_slice %arg2[%dma_start3A, %dma_start3A_1] : memref<10000x128xf32, #tpu.memory_space<hbm>> -> memref<10000x128xf32, #tpu.memory_space<hbm>>
    tpu.enqueue_indirect_dma source(%dma_start3A_2 : memref<10000x128xf32, #tpu.memory_space<hbm>>) target(%arg8 : memref<64x128xf32, #tpu.memory_space<vmem>>) offsets(%arg7 : memref<64xi32, #tpu.memory_space<vmem>>) semaphore(%arg11 : memref<!tpu.dma_semaphore, #tpu.memory_space<semaphore_mem>>)
    %dma_start3A_3 = arith.constant 0 : i32
    %dma_start3A_4 = arith.constant 0 : i32
    %dma_start3A_5 = tpu.memref_slice %arg3[%dma_start3A_3, %dma_start3A_4] : memref<10000x128xf32, #tpu.memory_space<hbm>> -> memref<10000x128xf32, #tpu.memory_space<hbm>>
    tpu.enqueue_indirect_dma source(%dma_start3A_5 : memref<10000x128xf32, #tpu.memory_space<hbm>>) target(%arg9 : memref<64x128xf32, #tpu.memory_space<vmem>>) offsets(%arg7 : memref<64xi32, #tpu.memory_space<vmem>>) semaphore(%arg11 : memref<!tpu.dma_semaphore, #tpu.memory_space<semaphore_mem>>)
    %dma_start3A_6 = arith.constant 0 : i32
    %dma_start3A_7 = arith.constant 0 : i32
    %dma_start3A_8 = tpu.memref_slice %arg4[%dma_start3A_6, %dma_start3A_7] : memref<10000x128xf32, #tpu.memory_space<hbm>> -> memref<10000x128xf32, #tpu.memory_space<hbm>>
    tpu.enqueue_indirect_dma source(%dma_start3A_8 : memref<10000x128xf32, #tpu.memory_space<hbm>>) target(%arg10 : memref<64x128xf32, #tpu.memory_space<vmem>>) offsets(%arg7 : memref<64xi32, #tpu.memory_space<vmem>>) semaphore(%arg11 : memref<!tpu.dma_semaphore, #tpu.memory_space<semaphore_mem>>)
    %dma_wait3A = arith.constant 0 : i32
    %dma_wait3A_9 = arith.constant 0 : i32
    %dma_wait3A_10 = tpu.memref_slice %arg2[%dma_wait3A, %dma_wait3A_9] : memref<10000x128xf32, #tpu.memory_space<hbm>> -> memref<10000x128xf32, #tpu.memory_space<hbm>>
    tpu.wait_indirect_dma semaphore(%arg11 : memref<!tpu.dma_semaphore, #tpu.memory_space<semaphore_mem>>) src(%dma_wait3A_10 : memref<10000x128xf32, #tpu.memory_space<hbm>>) dst(%arg8 : memref<64x128xf32, #tpu.memory_space<vmem>>)
    %dma_wait3A_11 = arith.constant 0 : i32
    %dma_wait3A_12 = arith.constant 0 : i32
    %dma_wait3A_13 = tpu.memref_slice %arg3[%dma_wait3A_11, %dma_wait3A_12] : memref<10000x128xf32, #tpu.memory_space<hbm>> -> memref<10000x128xf32, #tpu.memory_space<hbm>>
    tpu.wait_indirect_dma semaphore(%arg11 : memref<!tpu.dma_semaphore, #tpu.memory_space<semaphore_mem>>) src(%dma_wait3A_13 : memref<10000x128xf32, #tpu.memory_space<hbm>>) dst(%arg9 : memref<64x128xf32, #tpu.memory_space<vmem>>)
    %dma_wait3A_14 = arith.constant 0 : i32
    %dma_wait3A_15 = arith.constant 0 : i32
    %dma_wait3A_16 = tpu.memref_slice %arg4[%dma_wait3A_14, %dma_wait3A_15] : memref<10000x128xf32, #tpu.memory_space<hbm>> -> memref<10000x128xf32, #tpu.memory_space<hbm>>
    tpu.wait_indirect_dma semaphore(%arg11 : memref<!tpu.dma_semaphore, #tpu.memory_space<semaphore_mem>>) src(%dma_wait3A_16 : memref<10000x128xf32, #tpu.memory_space<hbm>>) dst(%arg10 : memref<64x128xf32, #tpu.memory_space<vmem>>)
    %scan3A = arith.constant 0 : i32
    %scan3A_17 = arith.constant 0 : i32
    %scan3A_18 = arith.constant 64 : i32
    %scan3A_19 = arith.addi %scan3A_17, %scan3A_18 : i32
    %scan3A_20 = arith.constant 1 : i32
    scf.for %scan3A_24 = %scan3A_17 to %scan3A_19 step %scan3A_20  : i32 {
      %get3A = arith.index_cast %scan3A_24 : i32 to index
      %get3A_25 = arith.constant 0 : index
      %get3A_26 = tpu.vector_load %arg8[%get3A, %get3A_25] {strides = array<i32>} : memref<64x128xf32, #tpu.memory_space<vmem>>, vector<1x16xf32>,
      %get3A_27 = vector.shape_cast %get3A_26 : vector<1x16xf32> to vector<16xf32>
      %get3A_28 = arith.index_cast %scan3A_24 : i32 to index
      %get3A_29 = arith.constant 0 : index
      %get3A_30 = tpu.vector_load %arg9[%get3A_28, %get3A_29] {strides = array<i32>} : memref<64x128xf32, #tpu.memory_space<vmem>>, vector<1x16xf32>,
      %get3A_31 = vector.shape_cast %get3A_30 : vector<1x16xf32> to vector<16xf32>
      %add3A_32 = arith.addf %get3A_27, %get3A_31 : vector<16xf32>
      %get3A_33 = arith.index_cast %scan3A_24 : i32 to index
      %get3A_34 = arith.constant 0 : index
      %get3A_35 = tpu.vector_load %arg10[%get3A_33, %get3A_34] {strides = array<i32>} : memref<64x128xf32, #tpu.memory_space<vmem>>, vector<1x16xf32>,
      %get3A_36 = vector.shape_cast %get3A_35 : vector<1x16xf32> to vector<16xf32>
      %add3A_37 = arith.addf %add3A_32, %get3A_36 : vector<16xf32>
      %swap3A = arith.index_cast %scan3A_24 : i32 to index
      %swap3A_38 = arith.constant 0 : index
      %swap3A_39 = tpu.vector_load %arg8[%swap3A, %swap3A_38] {strides = array<i32>} : memref<64x128xf32, #tpu.memory_space<vmem>>, vector<1x16xf32>,
      %swap3A_40 = vector.shape_cast %swap3A_39 : vector<1x16xf32> to vector<16xf32>
      %swap3A_41 = vector.shape_cast %add3A_37 : vector<16xf32> to vector<1x16xf32>
      tpu.vector_store %arg8[%swap3A, %swap3A_38], %swap3A_41 {strides = array<i32>} : memref<64x128xf32, #tpu.memory_space<vmem>>, vector<1x16xf32>,
      %get3A_42 = arith.index_cast %scan3A_24 : i32 to index
      %get3A_43 = arith.constant 16 : index
      %get3A_44 = tpu.vector_load %arg8[%get3A_42, %get3A_43] {strides = array<i32>} : memref<64x128xf32, #tpu.memory_space<vmem>>, vector<1x16xf32>,
      %get3A_45 = vector.shape_cast %get3A_44 : vector<1x16xf32> to vector<16xf32>
      %get3A_46 = arith.index_cast %scan3A_24 : i32 to index
      %get3A_47 = arith.constant 16 : index
      %get3A_48 = tpu.vector_load %arg9[%get3A_46, %get3A_47] {strides = array<i32>} : memref<64x128xf32, #tpu.memory_space<vmem>>, vector<1x16xf32>,
      %get3A_49 = vector.shape_cast %get3A_48 : vector<1x16xf32> to vector<16xf32>
      %add3A_50 = arith.addf %get3A_45, %get3A_49 : vector<16xf32>
      %get3A_51 = arith.index_cast %scan3A_24 : i32 to index
      %get3A_52 = arith.constant 16 : index
      %get3A_53 = tpu.vector_load %arg10[%get3A_51, %get3A_52] {strides = array<i32>} : memref<64x128xf32, #tpu.memory_space<vmem>>, vector<1x16xf32>,
      %get3A_54 = vector.shape_cast %get3A_53 : vector<1x16xf32> to vector<16xf32>
      %add3A_55 = arith.addf %add3A_50, %get3A_54 : vector<16xf32>
      %swap3A_56 = arith.index_cast %scan3A_24 : i32 to index
      %swap3A_57 = arith.constant 16 : index
      %swap3A_58 = tpu.vector_load %arg8[%swap3A_56, %swap3A_57] {strides = array<i32>} : memref<64x128xf32, #tpu.memory_space<vmem>>, vector<1x16xf32>,
      %swap3A_59 = vector.shape_cast %swap3A_58 : vector<1x16xf32> to vector<16xf32>
      %swap3A_60 = vector.shape_cast %add3A_55 : vector<16xf32> to vector<1x16xf32>
      tpu.vector_store %arg8[%swap3A_56, %swap3A_57], %swap3A_60 {strides = array<i32>} : memref<64x128xf32, #tpu.memory_space<vmem>>, vector<1x16xf32>,
      %get3A_61 = arith.index_cast %scan3A_24 : i32 to index
      %get3A_62 = arith.constant 32 : index
      %get3A_63 = tpu.vector_load %arg8[%get3A_61, %get3A_62] {strides = array<i32>} : memref<64x128xf32, #tpu.memory_space<vmem>>, vector<1x16xf32>,
      %get3A_64 = vector.shape_cast %get3A_63 : vector<1x16xf32> to vector<16xf32>
      %get3A_65 = arith.index_cast %scan3A_24 : i32 to index
      %get3A_66 = arith.constant 32 : index
      %get3A_67 = tpu.vector_load %arg9[%get3A_65, %get3A_66] {strides = array<i32>} : memref<64x128xf32, #tpu.memory_space<vmem>>, vector<1x16xf32>,
      %get3A_68 = vector.shape_cast %get3A_67 : vector<1x16xf32> to vector<16xf32>
      %add3A_69 = arith.addf %get3A_64, %get3A_68 : vector<16xf32>
      %get3A_70 = arith.index_cast %scan3A_24 : i32 to index
      %get3A_71 = arith.constant 32 : index
      %get3A_72 = tpu.vector_load %arg10[%get3A_70, %get3A_71] {strides = array<i32>} : memref<64x128xf32, #tpu.memory_space<vmem>>, vector<1x16xf32>,
      %get3A_73 = vector.shape_cast %get3A_72 : vector<1x16xf32> to vector<16xf32>
      %add3A_74 = arith.addf %add3A_69, %get3A_73 : vector<16xf32>
      %swap3A_75 = arith.index_cast %scan3A_24 : i32 to index
      %swap3A_76 = arith.constant 32 : index
      %swap3A_77 = tpu.vector_load %arg8[%swap3A_75, %swap3A_76] {strides = array<i32>} : memref<64x128xf32, #tpu.memory_space<vmem>>, vector<1x16xf32>,
      %swap3A_78 = vector.shape_cast %swap3A_77 : vector<1x16xf32> to vector<16xf32>
      %swap3A_79 = vector.shape_cast %add3A_74 : vector<16xf32> to vector<1x16xf32>
      tpu.vector_store %arg8[%swap3A_75, %swap3A_76], %swap3A_79 {strides = array<i32>} : memref<64x128xf32, #tpu.memory_space<vmem>>, vector<1x16xf32>,
      %get3A_80 = arith.index_cast %scan3A_24 : i32 to index
      %get3A_81 = arith.constant 48 : index
      %get3A_82 = tpu.vector_load %arg8[%get3A_80, %get3A_81] {strides = array<i32>} : memref<64x128xf32, #tpu.memory_space<vmem>>, vector<1x16xf32>,
      %get3A_83 = vector.shape_cast %get3A_82 : vector<1x16xf32> to vector<16xf32>
      %get3A_84 = arith.index_cast %scan3A_24 : i32 to index
      %get3A_85 = arith.constant 48 : index
      %get3A_86 = tpu.vector_load %arg9[%get3A_84, %get3A_85] {strides = array<i32>} : memref<64x128xf32, #tpu.memory_space<vmem>>, vector<1x16xf32>,
      %get3A_87 = vector.shape_cast %get3A_86 : vector<1x16xf32> to vector<16xf32>
      %add3A_88 = arith.addf %get3A_83, %get3A_87 : vector<16xf32>
      %get3A_89 = arith.index_cast %scan3A_24 : i32 to index
      %get3A_90 = arith.constant 48 : index
      %get3A_91 = tpu.vector_load %arg10[%get3A_89, %get3A_90] {strides = array<i32>} : memref<64x128xf32, #tpu.memory_space<vmem>>, vector<1x16xf32>,
      %get3A_92 = vector.shape_cast %get3A_91 : vector<1x16xf32> to vector<16xf32>
      %add3A_93 = arith.addf %add3A_88, %get3A_92 : vector<16xf32>
      %swap3A_94 = arith.index_cast %scan3A_24 : i32 to index
      %swap3A_95 = arith.constant 48 : index
      %swap3A_96 = tpu.vector_load %arg8[%swap3A_94, %swap3A_95] {strides = array<i32>} : memref<64x128xf32, #tpu.memory_space<vmem>>, vector<1x16xf32>,
      %swap3A_97 = vector.shape_cast %swap3A_96 : vector<1x16xf32> to vector<16xf32>
      %swap3A_98 = vector.shape_cast %add3A_93 : vector<16xf32> to vector<1x16xf32>
      tpu.vector_store %arg8[%swap3A_94, %swap3A_95], %swap3A_98 {strides = array<i32>} : memref<64x128xf32, #tpu.memory_space<vmem>>, vector<1x16xf32>,
      %get3A_99 = arith.index_cast %scan3A_24 : i32 to index
      %get3A_100 = arith.constant 64 : index
      %get3A_101 = tpu.vector_load %arg8[%get3A_99, %get3A_100] {strides = array<i32>} : memref<64x128xf32, #tpu.memory_space<vmem>>, vector<1x16xf32>,
      %get3A_102 = vector.shape_cast %get3A_101 : vector<1x16xf32> to vector<16xf32>
      %get3A_103 = arith.index_cast %scan3A_24 : i32 to index
      %get3A_104 = arith.constant 64 : index
      %get3A_105 = tpu.vector_load %arg9[%get3A_103, %get3A_104] {strides = array<i32>} : memref<64x128xf32, #tpu.memory_space<vmem>>, vector<1x16xf32>,
      %get3A_106 = vector.shape_cast %get3A_105 : vector<1x16xf32> to vector<16xf32>
      %add3A_107 = arith.addf %get3A_102, %get3A_106 : vector<16xf32>
      %get3A_108 = arith.index_cast %scan3A_24 : i32 to index
      %get3A_109 = arith.constant 64 : index
      %get3A_110 = tpu.vector_load %arg10[%get3A_108, %get3A_109] {strides = array<i32>} : memref<64x128xf32, #tpu.memory_space<vmem>>, vector<1x16xf32>,
      %get3A_111 = vector.shape_cast %get3A_110 : vector<1x16xf32> to vector<16xf32>
      %add3A_112 = arith.addf %add3A_107, %get3A_111 : vector<16xf32>
      %swap3A_113 = arith.index_cast %scan3A_24 : i32 to index
      %swap3A_114 = arith.constant 64 : index
      %swap3A_115 = tpu.vector_load %arg8[%swap3A_113, %swap3A_114] {strides = array<i32>} : memref<64x128xf32, #tpu.memory_space<vmem>>, vector<1x16xf32>,
      %swap3A_116 = vector.shape_cast %swap3A_115 : vector<1x16xf32> to vector<16xf32>
      %swap3A_117 = vector.shape_cast %add3A_112 : vector<16xf32> to vector<1x16xf32>
      tpu.vector_store %arg8[%swap3A_113, %swap3A_114], %swap3A_117 {strides = array<i32>} : memref<64x128xf32, #tpu.memory_space<vmem>>, vector<1x16xf32>,
      %get3A_118 = arith.index_cast %scan3A_24 : i32 to index
      %get3A_119 = arith.constant 80 : index
      %get3A_120 = tpu.vector_load %arg8[%get3A_118, %get3A_119] {strides = array<i32>} : memref<64x128xf32, #tpu.memory_space<vmem>>, vector<1x16xf32>,
      %get3A_121 = vector.shape_cast %get3A_120 : vector<1x16xf32> to vector<16xf32>
      %get3A_122 = arith.index_cast %scan3A_24 : i32 to index
      %get3A_123 = arith.constant 80 : index
      %get3A_124 = tpu.vector_load %arg9[%get3A_122, %get3A_123] {strides = array<i32>} : memref<64x128xf32, #tpu.memory_space<vmem>>, vector<1x16xf32>,
      %get3A_125 = vector.shape_cast %get3A_124 : vector<1x16xf32> to vector<16xf32>
      %add3A_126 = arith.addf %get3A_121, %get3A_125 : vector<16xf32>
      %get3A_127 = arith.index_cast %scan3A_24 : i32 to index
      %get3A_128 = arith.constant 80 : index
      %get3A_129 = tpu.vector_load %arg10[%get3A_127, %get3A_128] {strides = array<i32>} : memref<64x128xf32, #tpu.memory_space<vmem>>, vector<1x16xf32>,
      %get3A_130 = vector.shape_cast %get3A_129 : vector<1x16xf32> to vector<16xf32>
      %add3A_131 = arith.addf %add3A_126, %get3A_130 : vector<16xf32>
      %swap3A_132 = arith.index_cast %scan3A_24 : i32 to index
      %swap3A_133 = arith.constant 80 : index
      %swap3A_134 = tpu.vector_load %arg8[%swap3A_132, %swap3A_133] {strides = array<i32>} : memref<64x128xf32, #tpu.memory_space<vmem>>, vector<1x16xf32>,
      %swap3A_135 = vector.shape_cast %swap3A_134 : vector<1x16xf32> to vector<16xf32>
      %swap3A_136 = vector.shape_cast %add3A_131 : vector<16xf32> to vector<1x16xf32>
      tpu.vector_store %arg8[%swap3A_132, %swap3A_133], %swap3A_136 {strides = array<i32>} : memref<64x128xf32, #tpu.memory_space<vmem>>, vector<1x16xf32>,
      %get3A_137 = arith.index_cast %scan3A_24 : i32 to index
      %get3A_138 = arith.constant 96 : index
      %get3A_139 = tpu.vector_load %arg8[%get3A_137, %get3A_138] {strides = array<i32>} : memref<64x128xf32, #tpu.memory_space<vmem>>, vector<1x16xf32>,
      %get3A_140 = vector.shape_cast %get3A_139 : vector<1x16xf32> to vector<16xf32>
      %get3A_141 = arith.index_cast %scan3A_24 : i32 to index
      %get3A_142 = arith.constant 96 : index
      %get3A_143 = tpu.vector_load %arg9[%get3A_141, %get3A_142] {strides = array<i32>} : memref<64x128xf32, #tpu.memory_space<vmem>>, vector<1x16xf32>,
      %get3A_144 = vector.shape_cast %get3A_143 : vector<1x16xf32> to vector<16xf32>
      %add3A_145 = arith.addf %get3A_140, %get3A_144 : vector<16xf32>
      %get3A_146 = arith.index_cast %scan3A_24 : i32 to index
      %get3A_147 = arith.constant 96 : index
      %get3A_148 = tpu.vector_load %arg10[%get3A_146, %get3A_147] {strides = array<i32>} : memref<64x128xf32, #tpu.memory_space<vmem>>, vector<1x16xf32>,
      %get3A_149 = vector.shape_cast %get3A_148 : vector<1x16xf32> to vector<16xf32>
      %add3A_150 = arith.addf %add3A_145, %get3A_149 : vector<16xf32>
      %swap3A_151 = arith.index_cast %scan3A_24 : i32 to index
      %swap3A_152 = arith.constant 96 : index
      %swap3A_153 = tpu.vector_load %arg8[%swap3A_151, %swap3A_152] {strides = array<i32>} : memref<64x128xf32, #tpu.memory_space<vmem>>, vector<1x16xf32>,
      %swap3A_154 = vector.shape_cast %swap3A_153 : vector<1x16xf32> to vector<16xf32>
      %swap3A_155 = vector.shape_cast %add3A_150 : vector<16xf32> to vector<1x16xf32>
      tpu.vector_store %arg8[%swap3A_151, %swap3A_152], %swap3A_155 {strides = array<i32>} : memref<64x128xf32, #tpu.memory_space<vmem>>, vector<1x16xf32>,
      %get3A_156 = arith.index_cast %scan3A_24 : i32 to index
      %get3A_157 = arith.constant 112 : index
      %get3A_158 = tpu.vector_load %arg8[%get3A_156, %get3A_157] {strides = array<i32>} : memref<64x128xf32, #tpu.memory_space<vmem>>, vector<1x16xf32>,
      %get3A_159 = vector.shape_cast %get3A_158 : vector<1x16xf32> to vector<16xf32>
      %get3A_160 = arith.index_cast %scan3A_24 : i32 to index
      %get3A_161 = arith.constant 112 : index
      %get3A_162 = tpu.vector_load %arg9[%get3A_160, %get3A_161] {strides = array<i32>} : memref<64x128xf32, #tpu.memory_space<vmem>>, vector<1x16xf32>,
      %get3A_163 = vector.shape_cast %get3A_162 : vector<1x16xf32> to vector<16xf32>
      %add3A_164 = arith.addf %get3A_159, %get3A_163 : vector<16xf32>
      %get3A_165 = arith.index_cast %scan3A_24 : i32 to index
      %get3A_166 = arith.constant 112 : index
      %get3A_167 = tpu.vector_load %arg10[%get3A_165, %get3A_166] {strides = array<i32>} : memref<64x128xf32, #tpu.memory_space<vmem>>, vector<1x16xf32>,
      %get3A_168 = vector.shape_cast %get3A_167 : vector<1x16xf32> to vector<16xf32>
      %add3A_169 = arith.addf %add3A_164, %get3A_168 : vector<16xf32>
      %swap3A_170 = arith.index_cast %scan3A_24 : i32 to index
      %swap3A_171 = arith.constant 112 : index
      %swap3A_172 = tpu.vector_load %arg8[%swap3A_170, %swap3A_171] {strides = array<i32>} : memref<64x128xf32, #tpu.memory_space<vmem>>, vector<1x16xf32>,
      %swap3A_173 = vector.shape_cast %swap3A_172 : vector<1x16xf32> to vector<16xf32>
      %swap3A_174 = vector.shape_cast %add3A_169 : vector<16xf32> to vector<1x16xf32>
      tpu.vector_store %arg8[%swap3A_170, %swap3A_171], %swap3A_174 {strides = array<i32>} : memref<64x128xf32, #tpu.memory_space<vmem>>, vector<1x16xf32>,
    }
    %scan3A_21 = arith.constant 64 : i32
    %mul3A_22 = arith.constant 64 : i32
    %mul3A_23 = arith.muli %add3A, %mul3A_22 : i32
    "tpu.region"() ({
      %run_scoped3A = tpu.sem_alloc : memref<!tpu.dma_semaphore, #tpu.memory_space<semaphore_mem>>
      %dma_start3A_24 = arith.constant 0 : i32
      %dma_start3A_25 = tpu.memref_slice %arg6[%mul3A_23, %dma_start3A_24] : memref<2048x128xf32, #tpu.memory_space<hbm>> -> memref<64x128xf32, #tpu.memory_space<hbm>>
      %dma_start3A_26 = arith.constant 0 : i32
      %dma_start3A_27 = tpu.memref_slice %arg6[%mul3A_23, %dma_start3A_26] : memref<2048x128xf32, #tpu.memory_space<hbm>> -> memref<64x128xf32, #tpu.memory_space<hbm>>
      tpu.enqueue_dma source(%arg8 : memref<64x128xf32, #tpu.memory_space<vmem>>) target(%dma_start3A_27 : memref<64x128xf32, #tpu.memory_space<hbm>>) target_semaphore(%run_scoped3A : memref<!tpu.dma_semaphore, #tpu.memory_space<semaphore_mem>>)
      %dma_wait3A_28 = arith.constant 0 : i32
      %dma_wait3A_29 = tpu.memref_slice %arg6[%mul3A_23, %dma_wait3A_28] : memref<2048x128xf32, #tpu.memory_space<hbm>> -> memref<64x128xf32, #tpu.memory_space<hbm>>
      %dma_wait3A_30 = arith.constant 0 : i32
      %dma_wait3A_31 = tpu.memref_slice %arg6[%mul3A_23, %dma_wait3A_30] : memref<2048x128xf32, #tpu.memory_space<hbm>> -> memref<64x128xf32, #tpu.memory_space<hbm>>
      tpu.wait_dma2 semaphore(%run_scoped3A : memref<!tpu.dma_semaphore, #tpu.memory_space<semaphore_mem>>) src(%arg8 : memref<64x128xf32, #tpu.memory_space<vmem>>) dst(%dma_wait3A_31 : memref<64x128xf32, #tpu.memory_space<hbm>>)
      tpu.yield
    }) : () -> ()
    return
  }
}

module attributes {stable_mosaic.version = 14 : i64} {
  func.func @_main_mlp_body(%arg0: i32, %arg1: memref<2000x128xf32, #tpu.memory_space<vmem>>, %arg2: memref<2000x128xf32, #tpu.memory_space<vmem>>, %arg3: memref<2000x128xf32, #tpu.memory_space<vmem>>, %arg4: memref<128x128xf32, #tpu.memory_space<vmem>>, %arg5: memref<1x128xf32, #tpu.memory_space<vmem>>, %arg6: memref<128x128xf32, #tpu.memory_space<vmem>>, %arg7: memref<1x128xf32, #tpu.memory_space<vmem>>, %arg8: memref<2000x128xf32, #tpu.memory_space<vmem>>) attributes {dimension_semantics = [#tpu.dimension_semantics<arbitrary>], iteration_bounds = array<i64: 5>, scalar_prefetch = 0 : i64, scratch_operands = 0 : i64, tpu.core_type = #tpu.core_type<tc>, window_params = [{transform_indices = @transform_0, window_bounds = array<i64: 2000, 128>}, {transform_indices = @transform_1, window_bounds = array<i64: 2000, 128>}, {transform_indices = @transform_2, window_bounds = array<i64: 2000, 128>}, {pipeline_mode = #tpu.pipeline_mode<synchronous>, transform_indices = @transform_3, window_bounds = array<i64: 128, 128>}, {pipeline_mode = #tpu.pipeline_mode<synchronous>, transform_indices = @transform_4, window_bounds = array<i64: 1, 128>}, {pipeline_mode = #tpu.pipeline_mode<synchronous>, transform_indices = @transform_5, window_bounds = array<i64: 128, 128>}, {pipeline_mode = #tpu.pipeline_mode<synchronous>, transform_indices = @transform_6, window_bounds = array<i64: 1, 128>}, {transform_indices = @transform_7, window_bounds = array<i64: 2000, 128>}]} {
    %get3A = arith.constant 0 : index
    %get3A_0 = arith.constant 0 : index
    %get3A_1 = vector.load %arg1[%get3A, %get3A_0] : memref<2000x128xf32, #tpu.memory_space<vmem>>, vector<2000x128xf32>
    %get3A_2 = arith.constant 0 : index
    %get3A_3 = arith.constant 0 : index
    %get3A_4 = vector.load %arg2[%get3A_2, %get3A_3] : memref<2000x128xf32, #tpu.memory_space<vmem>>, vector<2000x128xf32>
    %add3A = arith.addf %get3A_1, %get3A_4 : vector<2000x128xf32>
    %get3A_5 = arith.constant 0 : index
    %get3A_6 = arith.constant 0 : index
    %get3A_7 = vector.load %arg3[%get3A_5, %get3A_6] : memref<2000x128xf32, #tpu.memory_space<vmem>>, vector<2000x128xf32>
    %add3A_8 = arith.addf %add3A, %get3A_7 : vector<2000x128xf32>
    %get3A_9 = arith.constant 0 : index
    %get3A_10 = arith.constant 0 : index
    %get3A_11 = vector.load %arg4[%get3A_9, %get3A_10] : memref<128x128xf32, #tpu.memory_space<vmem>>, vector<128x128xf32>
    %dot_general3A = arith.constant dense<0.000000e+00> : vector<2000x128xf32>
    %dot_general3A_12 = tpu.matmul %add3A_8, %get3A_11, %dot_general3A {dimension_numbers = #tpu.dot_dimension_numbers<[1], [0], [0], [1], [0, 0, 1, 1], [], []>, transpose_lhs_hint = false} : vector<2000x128xf32>, vector<128x128xf32>, vector<2000x128xf32> -> vector<2000x128xf32>
    %get3A_13 = arith.constant 0 : index
    %get3A_14 = arith.constant 0 : index
    %get3A_15 = vector.load %arg5[%get3A_13, %get3A_14] : memref<1x128xf32, #tpu.memory_space<vmem>>, vector<1x128xf32>
    %add3A_16 = vector.broadcast %get3A_15 : vector<1x128xf32> to vector<2000x128xf32>
    %add3A_17 = arith.addf %dot_general3A_12, %add3A_16 : vector<2000x128xf32>
    %max3A = arith.constant 0.000000e+00 : f32
    %max3A_18 = vector.broadcast %max3A : f32 to vector<2000x128xf32>
    %max3A_19 = arith.maximumf %add3A_17, %max3A_18 : vector<2000x128xf32>
    %get3A_20 = arith.constant 0 : index
    %get3A_21 = arith.constant 0 : index
    %get3A_22 = vector.load %arg6[%get3A_20, %get3A_21] : memref<128x128xf32, #tpu.memory_space<vmem>>, vector<128x128xf32>
    %dot_general3A_23 = arith.constant dense<0.000000e+00> : vector<2000x128xf32>
    %dot_general3A_24 = tpu.matmul %max3A_19, %get3A_22, %dot_general3A_23 {dimension_numbers = #tpu.dot_dimension_numbers<[1], [0], [0], [1], [0, 0, 1, 1], [], []>, transpose_lhs_hint = false} : vector<2000x128xf32>, vector<128x128xf32>, vector<2000x128xf32> -> vector<2000x128xf32>
    %get3A_25 = arith.constant 0 : index
    %get3A_26 = arith.constant 0 : index
    %get3A_27 = vector.load %arg7[%get3A_25, %get3A_26] : memref<1x128xf32, #tpu.memory_space<vmem>>, vector<1x128xf32>
    %add3A_28 = vector.broadcast %get3A_27 : vector<1x128xf32> to vector<2000x128xf32>
    %add3A_29 = arith.addf %dot_general3A_24, %add3A_28 : vector<2000x128xf32>
    %swap3A = arith.constant 0 : index
    %swap3A_30 = arith.constant 0 : index
    %swap3A_31 = vector.load %arg8[%swap3A, %swap3A_30] : memref<2000x128xf32, #tpu.memory_space<vmem>>, vector<2000x128xf32>
    tpu.vector_store %arg8[%swap3A, %swap3A_30], %add3A_29 {strides = array<i32>} : memref<2000x128xf32, #tpu.memory_space<vmem>>, vector<2000x128xf32>,
    return
  }
  func.func @transform_0(%arg0: i32) -> (i32, i32) {
    %c0_i32 = arith.constant 0 : i32
    %c0_i32_0 = arith.constant 0 : i32
    return %arg0, %c0_i32 : i32, i32
  }
  func.func @transform_1(%arg0: i32) -> (i32, i32) {
    %c0_i32 = arith.constant 0 : i32
    %c0_i32_0 = arith.constant 0 : i32
    return %arg0, %c0_i32 : i32, i32
  }
  func.func @transform_2(%arg0: i32) -> (i32, i32) {
    %c0_i32 = arith.constant 0 : i32
    %c0_i32_0 = arith.constant 0 : i32
    return %arg0, %c0_i32 : i32, i32
  }
  func.func @transform_3(%arg0: i32) -> (i32, i32) {
    %c0_i32 = arith.constant 0 : i32
    %c0_i32_0 = arith.constant 0 : i32
    %c0_i32_1 = arith.constant 0 : i32
    return %c0_i32, %c0_i32_0 : i32, i32
  }
  func.func @transform_4(%arg0: i32) -> (i32, i32) {
    %c0_i32 = arith.constant 0 : i32
    %c0_i32_0 = arith.constant 0 : i32
    %c0_i32_1 = arith.constant 0 : i32
    return %c0_i32, %c0_i32_0 : i32, i32
  }
  func.func @transform_5(%arg0: i32) -> (i32, i32) {
    %c0_i32 = arith.constant 0 : i32
    %c0_i32_0 = arith.constant 0 : i32
    %c0_i32_1 = arith.constant 0 : i32
    return %c0_i32, %c0_i32_0 : i32, i32
  }
  func.func @transform_6(%arg0: i32) -> (i32, i32) {
    %c0_i32 = arith.constant 0 : i32
    %c0_i32_0 = arith.constant 0 : i32
    %c0_i32_1 = arith.constant 0 : i32
    return %c0_i32, %c0_i32_0 : i32, i32
  }
  func.func @transform_7(%arg0: i32) -> (i32, i32) {
    %c0_i32 = arith.constant 0 : i32
    %c0_i32_0 = arith.constant 0 : i32
    return %arg0, %c0_i32 : i32, i32
  }
}

module attributes {stable_mosaic.version = 14 : i64} {
  func.func @_id_mlp_body(%arg0: i32, %arg1: memref<2048x128xf32, #tpu.memory_space<vmem>>, %arg2: memref<128x128xf32, #tpu.memory_space<vmem>>, %arg3: memref<1x128xf32, #tpu.memory_space<vmem>>, %arg4: memref<128x128xf32, #tpu.memory_space<vmem>>, %arg5: memref<1x128xf32, #tpu.memory_space<vmem>>, %arg6: memref<2048x128xf32, #tpu.memory_space<vmem>>) attributes {dimension_semantics = [#tpu.dimension_semantics<arbitrary>], iteration_bounds = array<i64: 1>, scalar_prefetch = 0 : i64, scratch_operands = 0 : i64, tpu.core_type = #tpu.core_type<tc>, window_params = [{transform_indices = @transform_0, window_bounds = array<i64: 2048, 128>}, {pipeline_mode = #tpu.pipeline_mode<synchronous>, transform_indices = @transform_1, window_bounds = array<i64: 128, 128>}, {pipeline_mode = #tpu.pipeline_mode<synchronous>, transform_indices = @transform_2, window_bounds = array<i64: 1, 128>}, {pipeline_mode = #tpu.pipeline_mode<synchronous>, transform_indices = @transform_3, window_bounds = array<i64: 128, 128>}, {pipeline_mode = #tpu.pipeline_mode<synchronous>, transform_indices = @transform_4, window_bounds = array<i64: 1, 128>}, {transform_indices = @transform_5, window_bounds = array<i64: 2048, 128>}]} {
    %get3A = arith.constant 0 : index
    %get3A_0 = arith.constant 0 : index
    %get3A_1 = vector.load %arg1[%get3A, %get3A_0] : memref<2048x128xf32, #tpu.memory_space<vmem>>, vector<2048x128xf32>
    %get3A_2 = arith.constant 0 : index
    %get3A_3 = arith.constant 0 : index
    %get3A_4 = vector.load %arg2[%get3A_2, %get3A_3] : memref<128x128xf32, #tpu.memory_space<vmem>>, vector<128x128xf32>
    %dot_general3A = arith.constant dense<0.000000e+00> : vector<2048x128xf32>
    %dot_general3A_5 = tpu.matmul %get3A_1, %get3A_4, %dot_general3A {dimension_numbers = #tpu.dot_dimension_numbers<[1], [0], [0], [1], [0, 0, 1, 1], [], []>, transpose_lhs_hint = false} : vector<2048x128xf32>, vector<128x128xf32>, vector<2048x128xf32> -> vector<2048x128xf32>
    %get3A_6 = arith.constant 0 : index
    %get3A_7 = arith.constant 0 : index
    %get3A_8 = vector.load %arg3[%get3A_6, %get3A_7] : memref<1x128xf32, #tpu.memory_space<vmem>>, vector<1x128xf32>
    %add3A = vector.broadcast %get3A_8 : vector<1x128xf32> to vector<2048x128xf32>
    %add3A_9 = arith.addf %dot_general3A_5, %add3A : vector<2048x128xf32>
    %max3A = arith.constant 0.000000e+00 : f32
    %max3A_10 = vector.broadcast %max3A : f32 to vector<2048x128xf32>
    %max3A_11 = arith.maximumf %add3A_9, %max3A_10 : vector<2048x128xf32>
    %get3A_12 = arith.constant 0 : index
    %get3A_13 = arith.constant 0 : index
    %get3A_14 = vector.load %arg4[%get3A_12, %get3A_13] : memref<128x128xf32, #tpu.memory_space<vmem>>, vector<128x128xf32>
    %dot_general3A_15 = arith.constant dense<0.000000e+00> : vector<2048x128xf32>
    %dot_general3A_16 = tpu.matmul %max3A_11, %get3A_14, %dot_general3A_15 {dimension_numbers = #tpu.dot_dimension_numbers<[1], [0], [0], [1], [0, 0, 1, 1], [], []>, transpose_lhs_hint = false} : vector<2048x128xf32>, vector<128x128xf32>, vector<2048x128xf32> -> vector<2048x128xf32>
    %get3A_17 = arith.constant 0 : index
    %get3A_18 = arith.constant 0 : index
    %get3A_19 = vector.load %arg5[%get3A_17, %get3A_18] : memref<1x128xf32, #tpu.memory_space<vmem>>, vector<1x128xf32>
    %add3A_20 = vector.broadcast %get3A_19 : vector<1x128xf32> to vector<2048x128xf32>
    %add3A_21 = arith.addf %dot_general3A_16, %add3A_20 : vector<2048x128xf32>
    %swap3A = arith.constant 0 : index
    %swap3A_22 = arith.constant 0 : index
    %swap3A_23 = vector.load %arg6[%swap3A, %swap3A_22] : memref<2048x128xf32, #tpu.memory_space<vmem>>, vector<2048x128xf32>
    tpu.vector_store %arg6[%swap3A, %swap3A_22], %add3A_21 {strides = array<i32>} : memref<2048x128xf32, #tpu.memory_space<vmem>>, vector<2048x128xf32>,
    return
  }
  func.func @transform_0(%arg0: i32) -> (i32, i32) {
    %c0_i32 = arith.constant 0 : i32
    %c0_i32_0 = arith.constant 0 : i32
    return %arg0, %c0_i32 : i32, i32
  }
  func.func @transform_1(%arg0: i32) -> (i32, i32) {
    %c0_i32 = arith.constant 0 : i32
    %c0_i32_0 = arith.constant 0 : i32
    %c0_i32_1 = arith.constant 0 : i32
    return %c0_i32, %c0_i32_0 : i32, i32
  }
  func.func @transform_2(%arg0: i32) -> (i32, i32) {
    %c0_i32 = arith.constant 0 : i32
    %c0_i32_0 = arith.constant 0 : i32
    %c0_i32_1 = arith.constant 0 : i32
    return %c0_i32, %c0_i32_0 : i32, i32
  }
  func.func @transform_3(%arg0: i32) -> (i32, i32) {
    %c0_i32 = arith.constant 0 : i32
    %c0_i32_0 = arith.constant 0 : i32
    %c0_i32_1 = arith.constant 0 : i32
    return %c0_i32, %c0_i32_0 : i32, i32
  }
  func.func @transform_4(%arg0: i32) -> (i32, i32) {
    %c0_i32 = arith.constant 0 : i32
    %c0_i32_0 = arith.constant 0 : i32
    %c0_i32_1 = arith.constant 0 : i32
    return %c0_i32, %c0_i32_0 : i32, i32
  }
  func.func @transform_5(%arg0: i32) -> (i32, i32) {
    %c0_i32 = arith.constant 0 : i32
    %c0_i32_0 = arith.constant 0 : i32
    return %arg0, %c0_i32 : i32, i32
  }
}

</mosaic_0001>

<sc_bundles>
// kernel: kernel.10.cloned.1.call-start
scs
__scs_entry_jumppad:
0x0: {  	(pc) =	sbr.rel $0x88, $3  }
0x1: {  	(tag) =	ssettag $0x0;
	lr =	simm.s32 $0x1  }
0x2: {  	[smem:$0x3F96] =	sst lr;
	_ =	strace $0xD0000000  }
0x3: {  	_ = 	snop  }
0x4: {  	_ = 	snop  }
0x5: {  	_ = 	snop  }
0x6: {  	_ = 	snop  }
0x7: {  	_ = 	snop  }
__scs_overlays_trampoline_lowered:
0x8: {  	[smem:$0x3FA5] =	sst s0  }
0x9: {  	[smem:$0x3FA6] =	sst s1  }
0xa: {  	[smem:$0x3FA7] =	sst s2  }
0xb: {  	[smem:$0x3FA8] =	sst s3  }
0xc: {  	[smem:$0x3FA9] =	sst s4  }
0xd: {  	[smem:$0x3FAA] =	sst s5  }
0xe: {  	[smem:$0x3FAB] =	sst s6  }
0xf: {  	[smem:$0x3FAC] =	sst s7  }
0x10: {  	[smem:$0x3FAD] =	sst s8  }
0x11: {  	[smem:$0x3FAE] =	sst s9;
	s0 =	simm.s32 @!p0 $0x0  }
0x12: {  	s1 =	sld [smem:$0x3F94];
	s0 =	simm.s32 @p0 $0x1  }
0x13: {  	[smem:$0x3FAF] =	sst s0;
	s0 =	simm.s32 @!p1 $0x0  }
0x14: {  	s2 =	sld [smem:$0x3F93];
	s0 =	simm.s32 @p1 $0x1  }
0x15: {  	[smem:$0x3FB0] =	sst s0;
	s0 =	simm.s32 @!p2 $0x0  }
0x16: {  	s3 =	sld [smem:$0x3FDB];
	s0 =	simm.s32 @p2 $0x1  }
0x17: {  	s4 =	simm.s32 $0x1BF5;
	[smem:$0x3FB2] =	sst s0  }
0x18: {  	s0 =	sld [smem:$0x3F95];
	_ =	swait.ge [sflag:s4], $0x0  }
0x19: {  	s7 =	sld [smem:$0x3F96]  }
0x1a: {  	s8 =	sadd.s32 $0xFFFFE003, lr  }
0x1b: {  	s9 =	sadd.s32 $0xFFFFFEF7, lr;
	s5 =	simm.s32 $0xFFFFFFFF;
	p2 =	slt.u32 s8, $0xFFFFF086  }
0x1c: {  	p1 =	slt.u32 s9, $0xF7A;
	s5 =	simm.s32 @!p2 $0x0  }
0x1d: {  	s5 =	simm.s32 @p1 $0x1;
	p0 =	seq.s32 s7, s2  }
0x1e: {  	s7 =	smul.u32 @!p0 $0xF7A, s2;
	p2 =	seq.s32 @!p0 s5, $0x0  }
0x1f: {  	s9 =	smul.u32 $0xF7A, s1;
	s8 =	simm.s32 @!p0 $0x1BF5;
	p2 =	por !p2, p0  }
0x20: {  	[sflag:s8] =	ssyncset.s32 @!p0 $0xFFFFF086;
	s6 =	sadd.s32 @!p0 s3, s7;
	s7 =	simm.s32 @!p0 $0x108  }
0x21: {  	s3 =	sadd.s32 s3, s9;
	s6 =	sadd.s32 @!p0 $0x88, s6;
	s7 =	simm.s32 @p2 $0x1082  }
0x22: {  	[simem:s7], [sflag:s8] =	dma.local @!p0 [hbm:s6], $0xF7A  }
0x23: {  	s9 =	sor.u32 $0xD0000000, s2;
	s6 =	simm.s32 $0x108;
	_ =	swait.ge @!p0 [sflag:s8], $0x0  }
0x24: {  	s3 =	sadd.s32 $0x88, s3;
	s6 =	simm.s32 @!p1 $0x1082;
	[sflag:s4] =	ssyncset.s32 $0xFFFFF086  }
0x25: {  	[simem:s6], [sflag:s4] =	dma.local [hbm:s3], $0xF7A  }
0x26: {  	[smem:$0x3F96] =	sst s1;
	(tag) =	ssettag s2;
	_ =	strace s9  }
0x27: {  	s1 =	sld [smem:$0x3FA6]  }
0x28: {  	s2 =	sld [smem:$0x3FA7]  }
0x29: {  	s4 =	sld [smem:$0x3FA9]  }
0x2a: {  	p0 =	seq.s32 s5, $0x0;
	s5 =	sld [smem:$0x3FAA]  }
0x2b: {  	s6 =	sld [smem:$0x3FAB]  }
0x2c: {  	s7 =	sld [smem:$0x3FAC]  }
0x2d: {  	s3 =	simm.s32 $0x108;
	s8 =	sld [smem:$0x3FAD]  }
0x2e: {  	s3 =	simm.s32 @!p0 $0x1082;
	s9 =	sld [smem:$0x3FAE]  }
0x2f: {  	lr =	sadd.s32 s0, s3;
	s0 =	sld [smem:$0x3FA5]  }
0x30: {  	s3 =	sld [smem:$0x3FA8]  }
0x31: {  	[smem:$0x3FB1] =	sst s10  }
0x32: {  	s10 =	sld [smem:$0x3FAF];
	_ =	sdelay $0x3  }
0x33: {  	p0 =	seq.s32 s10, $0x1;
	s10 =	sld [smem:$0x3FB1];
	_ =	sdelay $0x3  }
0x34: {  	[smem:$0x3FB1] =	sst s10  }
0x35: {  	s10 =	sld [smem:$0x3FB0];
	_ =	sdelay $0x3  }
0x36: {  	p1 =	seq.s32 s10, $0x1;
	s10 =	sld [smem:$0x3FB1];
	_ =	sdelay $0x3  }
0x37: {  	[smem:$0x3FB1] =	sst s10  }
0x38: {  	s10 =	sld [smem:$0x3FB2]  }
0x39: {  	_ = 	snop;
	(pc) =	sbr.ind lr, $3  }
0x3a: {  	_ = 	snop  }
0x3b: {  	_ = 	snop  }
0x3c: {  	p2 =	seq.s32 s10, $0x1;
	s10 =	sld [smem:$0x3FB1]  }
0x3d: {  	_ =	shalt  }
0x3e: {  	_ =	shalt  }
0x3f: {  	_ =	shalt  }
0x40: {  	_ =	shalt  }
0x41: {  	_ =	shalt  }
0x42: {  	_ =	shalt  }
0x43: {  	_ =	shalt  }
0x44: {  	_ =	shalt  }
0x45: {  	_ =	shalt  }
0x46: {  	_ =	shalt  }
0x47: {  	_ =	shalt  }
0x48: {  	_ =	shalt  }
0x49: {  	_ =	shalt  }
0x4a: {  	_ =	shalt  }
0x4b: {  	_ =	shalt  }
0x4c: {  	_ =	shalt  }
0x4d: {  	_ =	shalt  }
0x4e: {  	_ =	shalt  }
0x4f: {  	_ =	shalt  }
0x50: {  	_ =	shalt  }
0x51: {  	_ =	shalt  }
0x52: {  	_ =	shalt  }
0x53: {  	_ =	shalt  }
0x54: {  	_ =	shalt  }
0x55: {  	_ =	shalt  }
0x56: {  	_ =	shalt  }
0x57: {  	_ =	shalt  }
0x58: {  	_ =	shalt  }
0x59: {  	_ =	shalt  }
0x5a: {  	_ =	shalt  }
0x5b: {  	_ =	shalt  }
0x5c: {  	_ =	shalt  }
0x5d: {  	_ =	shalt  }
0x5e: {  	_ =	shalt  }
0x5f: {  	_ =	shalt  }
0x60: {  	_ =	shalt  }
0x61: {  	_ =	shalt  }
0x62: {  	_ =	shalt  }
0x63: {  	_ =	shalt  }
0x64: {  	_ =	shalt  }
0x65: {  	_ =	shalt  }
0x66: {  	_ =	shalt  }
0x67: {  	_ =	shalt  }
0x68: {  	_ =	shalt  }
0x69: {  	_ =	shalt  }
0x6a: {  	_ =	shalt  }
0x6b: {  	_ =	shalt  }
0x6c: {  	_ =	shalt  }
0x6d: {  	_ =	shalt  }
0x6e: {  	_ =	shalt  }
0x6f: {  	_ =	shalt  }
0x70: {  	_ =	shalt  }
0x71: {  	_ =	shalt  }
0x72: {  	_ =	shalt  }
0x73: {  	_ =	shalt  }
0x74: {  	_ =	shalt  }
0x75: {  	_ =	shalt  }
0x76: {  	_ =	shalt  }
0x77: {  	_ =	shalt  }
0x78: {  	_ =	shalt  }
0x79: {  	_ =	shalt  }
0x7a: {  	_ =	shalt  }
0x7b: {  	_ =	shalt  }
0x7c: {  	_ =	shalt  }
0x7d: {  	_ =	shalt  }
0x7e: {  	_ =	shalt  }
0x7f: {  	_ =	shalt  }
0x80: {  	_ =	shalt  }
0x81: {  	_ =	shalt  }
0x82: {  	_ =	shalt  }
0x83: {  	_ =	shalt  }
0x84: {  	_ =	shalt  }
0x85: {  	_ =	shalt  }
0x86: {  	_ =	shalt  }
0x87: {  	_ =	shalt  }
.Lfunc_end0:
.L_simem_size_0:
called_computation.1_lowered:
.L_overlay_start_0:
0x88: {  	s2 =	sld [smem:$0x3FD9]  }
0x89: {  	s3 =	sld [smem:$0x3FFE];
	_ =	sdelay $0x1  }
0x8a: {  	s1 =	srdreg.scid  }
0x8b: {  	s0 =	sand.u32 $0x1, s1  }
0x8c: {  	s17 =	sshll.u32 s0, $0xA;
	s2 =	sadd.s32 s3, s2  }
0x8d: {  	s2 =	sadd.s32 s2, s17  }
0x8e: {  	[smem:$0x3FBD] =	sst s2  }
0x8f: {  	_ = 	snop  }
0x90: {  	s2 =	sld [smem:$0x3FC9]  }
0x91: {  	s18 =	sld [smem:$0x3FD0];
	(tm) =	ssettm $0x1  }
0x92: {  	s4 =	sld [smem:$0x3FFB];
	_ =	sdelay $0x3  }
0x93: {  	_ =	strace s4  }
0x94: {  	s4 =	sld [smem:$0x3FFC];
	_ =	sdelay $0x3  }
0x95: {  	_ =	strace s4  }
0x96: {  	s4 =	sld [smem:$0x3FFD];
	_ =	sdelay $0x3  }
0x97: {  	_ =	strace s4  }
0x98: {  	_ =	strace $0x8FFFFFFF  }
0x99: {  	s19 =	sld [smem:$0x3FDB];
	_ =	sdelay $0x1  }
0x9a: {  	s5 =	simm.s32 $_scs_section_size  }
0x9b: {  	s6 =	simm.s32 $_size__tile_overlayer_lowered;
	s7 =	simm.s32 $_tile_overlayer_lowered  }
0x9c: {  	s22 =	simm.s32 $0x1BFF;
	s21 =	sshll.u32 s7, $0x1;
	s4 =	sadd.s32 s5, s19  }
0x9d: {  	s8 =	simm.s32 $0x0;
	s20 =	sshll.u32 s6, $0x1;
	s6 =	sadd.s32 s21, s4  }
0x9e: {  	[timem:s8], [sflag:s22] =	dma.local [hbm:s6], s20  }
0x9f: {  	_ =	swait.ge [sflag:s22], s20  }
0xa0: {  	s5 =	ssub.s32 $0x0, s20;
	[sflag:s22] =	ssyncset.done $0x0  }
0xa1: {  	[sflag:s22] =	ssyncadd.s32 s5;
	_ =	sdelay $0x1  }
0xa2: {  	s23 =	simm.s32 $0x1B8B  }
0xa3: {  	_ =	swait.ge [sflag:s23], $0x1  }
0xa4: {  	[sflag:s23] =	ssyncset.done $0x0  }
0xa5: {  	s25 =	simm.s32 $0x1B8E;
	s24 =	sld [smem:$0x3FFE];
	[sflag:s23] =	ssyncadd.s32 $0xFFFFFFFF  }
0xa6: {  	s26 =	simm.s32 $execute0_lowered;
	[smem:$0x3FD2] =	sst s25  }
0xa7: {  	s6 =	sshll.u32 s26, $0x1;
	_ =	strace $0x80000049;
	[dreg:$0x1] =	wrdreg $0xFFFFFFFF  }
0xa8: {  	s28 =	simm.s32 $_size_execute0_lowered;
	s4 =	sadd.s32 s4, s6;
	[dreg:$0x0] =	wrdreg $0x0  }
0xa9: {  	s6 =	sshll.u32 s28, $0x1;
	[dreg:$0x2] =	wrdreg s4  }
0xaa: {  	[dreg:$0x3] =	wrdreg s6  }
0xab: {  	[dreg:$0x4] =	wrdreg $0xC0  }
0xac: {  	_ =	task [dreg:s8], $0x5FFFF  }
0xad: {  	[dreg:$0x1] =	wrdreg $0xFFFFFFFF  }
0xae: {  	[dreg:$0x0] =	wrdreg $0x60  }
0xaf: {  	[dreg:$0x2] =	wrdreg s2  }
0xb0: {  	[dreg:$0x3] =	wrdreg s18  }
0xb1: {  	[dreg:$0x4] =	wrdreg s24  }
0xb2: {  	[dreg:$0x5] =	wrdreg $0x9  }
0xb3: {  	_ =	task.clear_ibuf [dreg:s8], $0x6FFFF;
	_ =	strace $0x90000049  }
0xb4: {  	s29 =	simm.s32 $0x9;
	_ =	strace $0x8000004B  }
0xb5: {  	_ =	swait.ge [sflag:s29], $0x1  }
0xb6: {  	[sflag:s29] =	ssyncadd.s32 $0xFFFFFFFF  }
0xb7: {  	_ =	strace $0x9000004B  }
0xb8: {  	_ =	sfence  }
0xb9: {  	s30 =	sld [smem:$0x0];
	_ =	sdelay $0x2  }
0xba: {  	s31 =	sshll.u32 s1, $0xD;
	s1 =	sshrl.u32 s1, $0x2  }
0xbb: {  	s3 =	sand.u32 $0x4000, s31;
	s1 =	sadd.s32 s1, s30  }
0xbc: {  	s0 =	sor.u32 s3, s0;
	s1 =	sshll.u32 s1, $0x11  }
0xbd: {  	s0 =	sor.u32 s1, s0  }
0xbe: {  	s0 =	sadd.s32 $0x8F2B, s0  }
0xbf: {  	[sflag:s0] =	ssyncadd.remote.s32 $0x1  }
0xc0: {  	_ =	sfence.sel $0xFFFF  }
0xc1: {  	[dreg:$0x0] =	wrdreg $0xFFFFFFFF;
	(pc) =	sbr.abs _section_cstart, $3  }
0xc2: {  	[dreg:$0x1] =	wrdreg $0xFFFFFFFF  }
0xc3: {  	_ =	task.clear_ibuf [dreg:s8], $0x2FFFF;
	_ =	strace $0x9FFFFFFF  }
0xc4: {  	(tm) =	ssettm $0x7FFFFFFF  }
0xc5: {  	_ =	shalt  }
tec
execute0_lowered:
.L_overlay_start_1:
0x0: {  	(tag) =	ssettag $0x1  }
0x1: {  	s1 =	rddreg [dreg:$0x0]  }
0x2: {  	s2 =	rddreg [dreg:$0x1]  }
0x3: {  	s6 =	rddreg [dreg:$0x2];
	s3 =	srdreg.scid  }
0x4: {  	s0 =	rddreg [dreg:$0x3];
	s4 =	simm.s32 $0x0;
	s12 =	simm.s32 $0x2080  }
0x5: {  	s13 =	simm.s32 $0x4080;
	s14 =	simm.s32 $0x1;
	s15 =	simm.s32 $0x0  }
0x6: {  	s7 =	sand.u32 $0x1, s3;
	[smem:$0x7FF] =	sst s4;
	s3 =	stileid.u32  }
0x7: {  	s5 =	sshll.u32 s7, $0x4;
	_ =	strace $0x8000004A;
	s8 =	sshll.u32 s3, $0x4  }
0x8: {  	s7 =	ssub.s32 $0x2, s7;
	s9 =	sor.u32 s3, s5;
	s5 =	sadd.s32 $0x19800, s6  }
0x9: {  	s8 =	sand.u32 $0x70, s8;
	s11 =	sshrl.u32 s7, $0x1;
	s10 =	sshll.u32 s9, $0x4  }
0xa: {  	s8 =	sadd.s32 s8, s6;
	s9 =	sshll.u32 s9, $0xA;
	s31 =	ssub.s32 s7, s11  }
0xb: {  	s11 =	simm.s32 $0x80;
	s10 =	sand.u32 $0x180, s10;
	s9 =	sadd.s32 s9, s6  }
0xc: {  	s8 =	sadd.s32 s10, s8;
	s7 =	sadd.s32 $0x3600, s9;
	s9 =	simm.s32 $0x2  }
0xd: {  	s10 =	simm.s32 $0x40;
	s6 =	sadd.s32 $0x40C00, s8;
	s8 =	smax.u32 s31, $0x1  }
.LBB2_1:
0xe: {  	[tilespmem:s4], [sflag:$0x2] =	stream.linear.gather [hbm4b:s6+s4], $0x80, $0x38;
	[tilespmem:$0x6080] =	vst v63  }
0xf: {  	_ =	swait.ge [sflag:s9], $0x80  }
0x10: {  	[sflag:s9] =	ssyncset.done $0x0  }
0x11: {  	[sflag:s9] =	ssyncadd.s32 $0xFFFFFF80  }
0x12: {  	[tilespmem:s11], [sflag:$0x1] =	stream.indirect.gather [hbm4b:s1+s10], $0x80, s4, s10, $0xb8;
	[tilespmem:$0x6080] =	vst v63  }
0x13: {  	_ = 	snop  }
0x14: {  	[tilespmem:s12], [sflag:$0x1] =	stream.indirect.gather [hbm4b:s2+s10], $0x80, s4, s10, $0xb8;
	[tilespmem:$0x6080] =	vst v63  }
0x15: {  	_ = 	snop  }
0x16: {  	[tilespmem:s13], [sflag:$0x1] =	stream.indirect.gather [hbm4b:s5+s10], $0x80, s4, s10, $0xb8;
	[tilespmem:$0x6080] =	vst v63  }
0x17: {  	_ =	swait.ge [sflag:s14], $0x2000  }
0x18: {  	[sflag:s14] =	ssyncset.done $0x0  }
0x19: {  	[sflag:s14] =	ssyncadd.s32 $0xFFFFE000  }
0x1a: {  	_ =	swait.ge [sflag:s14], $0x2000  }
0x1b: {  	[sflag:s14] =	ssyncset.done $0x0  }
0x1c: {  	[sflag:s14] =	ssyncadd.s32 $0xFFFFE000  }
0x1d: {  	_ =	swait.ge [sflag:s14], $0x2000  }
0x1e: {  	[sflag:s14] =	ssyncset.done $0x0  }
0x1f: {  	s16 =	simm.s32 $0x0;
	[sflag:s14] =	ssyncadd.s32 $0xFFFFE000  }
0x20: {  	v5 =	vld [tilespmem:s16+$0x4080]  }
0x21: {  	v4 =	vld [tilespmem:s16+$0x4090]  }
0x22: {  	v3 =	vld [tilespmem:s16+$0x40A0]  }
0x23: {  	v2 =	vld [tilespmem:s16+$0x40B0]  }
0x24: {  	v1 =	vld [tilespmem:s16+$0x40C0]  }
0x25: {  	v0 =	vld [tilespmem:s16+$0x40D0]  }
0x26: {  	v12 =	vld [tilespmem:s16+$0x2080]  }
0x27: {  	v17 =	vld [tilespmem:s16+$0x2090]  }
0x28: {  	v11 =	vld [tilespmem:s16+$0x20A0]  }
0x29: {  	v10 =	vld [tilespmem:s16+$0x20B0]  }
0x2a: {  	v9 =	vld [tilespmem:s16+$0x20C0]  }
0x2b: {  	v8 =	vld [tilespmem:s16+$0x20D0]  }
0x2c: {  	v7 =	vld [tilespmem:s16+$0x20E0]  }
0x2d: {  	v6 =	vld [tilespmem:s16+$0x20F0]  }
0x2e: {  	v18 =	vld [tilespmem:s16+$0x80]  }
0x2f: {  	v19 =	vld [tilespmem:s16+$0x90]  }
0x30: {  	v16 =	vld [tilespmem:s16+$0xA0]  }
0x31: {  	v15 =	vld [tilespmem:s16+$0xB0]  }
0x32: {  	v14 =	vld [tilespmem:s16+$0xC0]  }
0x33: {  	v13 =	vld [tilespmem:s16+$0xD0];
	v18 =	vadd.f32 v12, v18  }
0x34: {  	s17 =	simm.s32 $0x200;
	v17 =	vadd.f32 v17, v19;
	v12 =	vld [tilespmem:s16+$0xE0]  }
.LBB2_2:
0x35: {  	p0 =	sne.s32 s17, $0x7E00;
	v5 =	vadd.f32 v5, v18;
	v11 =	vadd.f32 v11, v16;
	v16 =	vld [tilespmem:s16+$0xF0]  }
0x36: {  	v4 =	vadd.f32 v4, v17;
	v10 =	vadd.f32 v10, v15;
	v15 =	vld [tilespmem:s16+$0x40E0]  }
0x37: {  	s18 =	sshra.s32 s17, $0x2;
	[tilespmem:s16+$0x80] =	vst v5;
	v3 =	vadd.f32 v3, v11;
	v9 =	vadd.f32 v9, v14;
	v11 =	vld [tilespmem:s16+$0x40F0]  }
0x38: {  	v5 =	vld [tilespmem:s18+$0x4080];
	[tilespmem:s16+$0x90] =	vst v4;
	v2 =	vadd.f32 v2, v10;
	v8 =	vadd.f32 v8, v13  }
0x39: {  	v4 =	vld [tilespmem:s18+$0x4090];
	[tilespmem:s16+$0xA0] =	vst v3;
	v1 =	vadd.f32 v1, v9;
	v7 =	vadd.f32 v7, v12  }
0x3a: {  	v3 =	vld [tilespmem:s18+$0x40A0];
	[tilespmem:s16+$0xB0] =	vst v2;
	v0 =	vadd.f32 v0, v8;
	v6 =	vadd.f32 v6, v16  }
0x3b: {  	v2 =	vld [tilespmem:s18+$0x40B0];
	[tilespmem:s16+$0xC0] =	vst v1;
	v7 =	vadd.f32 v15, v7  }
0x3c: {  	v1 =	vld [tilespmem:s18+$0x40C0];
	[tilespmem:s16+$0xD0] =	vst v0;
	v6 =	vadd.f32 v11, v6  }
0x3d: {  	v0 =	vld [tilespmem:s18+$0x40D0];
	[tilespmem:s16+$0xE0] =	vst v7  }
0x3e: {  	v12 =	vld [tilespmem:s18+$0x2080];
	[tilespmem:s16+$0xF0] =	vst v6;
	s16 =	smov.u32 s18  }
0x3f: {  	v17 =	vld [tilespmem:s16+$0x2090]  }
0x40: {  	v11 =	vld [tilespmem:s16+$0x20A0]  }
0x41: {  	v10 =	vld [tilespmem:s16+$0x20B0]  }
0x42: {  	v9 =	vld [tilespmem:s16+$0x20C0]  }
0x43: {  	v8 =	vld [tilespmem:s16+$0x20D0]  }
0x44: {  	v7 =	vld [tilespmem:s16+$0x20E0]  }
0x45: {  	v6 =	vld [tilespmem:s16+$0x20F0]  }
0x46: {  	v13 =	vld [tilespmem:s16+$0x80]  }
0x47: {  	v19 =	vld [tilespmem:s16+$0x90]  }
.Ltmp0:
0x48: {  	v16 =	vld [tilespmem:s16+$0xA0];
	(pc) =	sbr.rel @p0 .LBB2_2-.Ltmp0, $4  }
0x49: {  	v15 =	vld [tilespmem:s16+$0xB0]  }
0x4a: {  	v14 =	vld [tilespmem:s16+$0xC0]  }
0x4b: {  	v18 =	vadd.f32 v12, v13;
	v13 =	vld [tilespmem:s16+$0xD0]  }
0x4c: {  	s17 =	sadd.s32 $0x200, s17;
	v17 =	vadd.f32 v17, v19;
	v12 =	vld [tilespmem:s16+$0xE0]  }
0x4d: {  	v5 =	vadd.f32 v5, v18;
	v55 =	vld [tilespmem:s16+$0xF0];
	v11 =	vadd.f32 v11, v16  }
0x4e: {  	v56 =	vld [tilespmem:s16+$0x40E0];
	v4 =	vadd.f32 v4, v17;
	v10 =	vadd.f32 v10, v15  }
0x4f: {  	v58 =	vld [tilespmem:s16+$0x40F0];
	[tilespmem:s16+$0x80] =	vst v5;
	v3 =	vadd.f32 v3, v11;
	v57 =	vadd.f32 v9, v14  }
0x50: {  	[tilespmem:s16+$0x90] =	vst v4;
	v2 =	vadd.f32 v2, v10;
	v59 =	vadd.f32 v8, v13  }
0x51: {  	[tilespmem:s16+$0xA0] =	vst v3;
	v1 =	vadd.f32 v1, v57;
	v60 =	vadd.f32 v7, v12  }
0x52: {  	[tilespmem:s16+$0xB0] =	vst v2;
	v0 =	vadd.f32 v0, v59;
	v61 =	vadd.f32 v6, v55  }
0x53: {  	[tilespmem:s16+$0xC0] =	vst v1;
	v62 =	vadd.f32 v56, v60  }
0x54: {  	s15 =	sadd.s32 $0x1, s15;
	[tilespmem:s16+$0xD0] =	vst v0;
	v63 =	vadd.f32 v58, v61  }
0x55: {  	p0 =	sne.s32 s15, s8;
	[tilespmem:s16+$0xE0] =	vst v62  }
.Ltmp1:
0x56: {  	[tilespmem:s16+$0xF0] =	vst v63;
	(pc) =	sbr.rel @p0 .LBB2_1-.Ltmp1, $4  }
0x57: {  	[hbm4b:s7+s4] =	stream.linear.scatter [tilespmem:s11], [sflag:$0x2], $0x2000, $0x38;
	[tilespmem:$0x6080] =	vst v63  }
0x58: {  	_ =	swait.ge [sflag:s9], $0x2000  }
0x59: {  	[sflag:s9] =	ssyncset.done $0x0  }
0x5a: {  	[sflag:s9] =	ssyncadd.s32 $0xFFFFE000  }
0x5b: {  	_ =	sfence.sel $0x180000  }
0x5c: {  	[bflag:$0x0] =	sbarrier.arrive $0xFFFF  }
0x5d: {  	p0 =	sne.s32 s3, $0x0;
	_ =	strace $0x9000004A  }
0x5e: {  	s0 =	sadd.s32 @!p0 $0x100000, s0;
	[bflag:$0x2] =	sbarrier.arrive $0xFFFF  }
0x5f: {  	[sflag:s0] =	ssyncadd.tile.s32 @!p0 $0x1;
	_ =	shalt  }
.Lfunc_end2:
_tile_overlayer_lowered:
.L_overlay_start_2:
0x60: {  	(tag) =	ssettag $0x2  }
0x61: {  	s0 =	rddreg [dreg:$0x0];
	s2 =	stileid.u32  }
0x62: {  	s1 =	rddreg [dreg:$0x1];
	p0 =	sne.s32 s2, $0x0  }
0x63: {  	s3 =	rddreg [dreg:$0x2];
	[bflag:$0x3] =	sbarrier.arrive $0xFFFF;
	s2 =	simm.s32 @!p0 $0x1C02  }
0x64: {  	[timem:s3], [sflag:s2] =	dma.local @!p0 [hbm:s0], s1  }
0x65: {  	s0 =	simm.s32 @!p0 $0x2  }
0x66: {  	_ =	swait.ge @!p0 [sflag:s0], s1  }
0x67: {  	s1 =	ssub.s32 @!p0 $0x0, s1;
	[sflag:s0] =	ssyncset.done @!p0 $0x0  }
0x68: {  	[sflag:s0] =	ssyncadd.s32 @!p0 s1  }
0x69: {  	[bflag:$0x3] =	sbarrier.arrive $0xFFFF  }
0x6a: {  	_ =	shalt  }

// kernel: kernel.13.cloned.1.call-start
scs
__scs_entry_jumppad:
0x0: {  	(pc) =	sbr.rel $0x88, $3  }
0x1: {  	(tag) =	ssettag $0x0;
	lr =	simm.s32 $0x1  }
0x2: {  	[smem:$0x3F96] =	sst lr;
	_ =	strace $0xD0000000  }
0x3: {  	_ = 	snop  }
0x4: {  	_ = 	snop  }
0x5: {  	_ = 	snop  }
0x6: {  	_ = 	snop  }
0x7: {  	_ = 	snop  }
__scs_overlays_trampoline_lowered:
0x8: {  	[smem:$0x3FA5] =	sst s0  }
0x9: {  	[smem:$0x3FA6] =	sst s1  }
0xa: {  	[smem:$0x3FA7] =	sst s2  }
0xb: {  	[smem:$0x3FA8] =	sst s3  }
0xc: {  	[smem:$0x3FA9] =	sst s4  }
0xd: {  	[smem:$0x3FAA] =	sst s5  }
0xe: {  	[smem:$0x3FAB] =	sst s6  }
0xf: {  	[smem:$0x3FAC] =	sst s7  }
0x10: {  	[smem:$0x3FAD] =	sst s8  }
0x11: {  	[smem:$0x3FAE] =	sst s9;
	s0 =	simm.s32 @!p0 $0x0  }
0x12: {  	s1 =	sld [smem:$0x3F94];
	s0 =	simm.s32 @p0 $0x1  }
0x13: {  	[smem:$0x3FAF] =	sst s0;
	s0 =	simm.s32 @!p1 $0x0  }
0x14: {  	s2 =	sld [smem:$0x3F93];
	s0 =	simm.s32 @p1 $0x1  }
0x15: {  	[smem:$0x3FB0] =	sst s0;
	s0 =	simm.s32 @!p2 $0x0  }
0x16: {  	s3 =	sld [smem:$0x3FDB];
	s0 =	simm.s32 @p2 $0x1  }
0x17: {  	s4 =	simm.s32 $0x1BF5;
	[smem:$0x3FB2] =	sst s0  }
0x18: {  	s0 =	sld [smem:$0x3F95];
	_ =	swait.ge [sflag:s4], $0x0  }
0x19: {  	s7 =	sld [smem:$0x3F96]  }
0x1a: {  	s8 =	sadd.s32 $0xFFFFE003, lr  }
0x1b: {  	s9 =	sadd.s32 $0xFFFFFEF7, lr;
	s5 =	simm.s32 $0xFFFFFFFF;
	p2 =	slt.u32 s8, $0xFFFFF086  }
0x1c: {  	p1 =	slt.u32 s9, $0xF7A;
	s5 =	simm.s32 @!p2 $0x0  }
0x1d: {  	s5 =	simm.s32 @p1 $0x1;
	p0 =	seq.s32 s7, s2  }
0x1e: {  	s7 =	smul.u32 @!p0 $0xF7A, s2;
	p2 =	seq.s32 @!p0 s5, $0x0  }
0x1f: {  	s9 =	smul.u32 $0xF7A, s1;
	s8 =	simm.s32 @!p0 $0x1BF5;
	p2 =	por !p2, p0  }
0x20: {  	[sflag:s8] =	ssyncset.s32 @!p0 $0xFFFFF086;
	s6 =	sadd.s32 @!p0 s3, s7;
	s7 =	simm.s32 @!p0 $0x108  }
0x21: {  	s3 =	sadd.s32 s3, s9;
	s6 =	sadd.s32 @!p0 $0x88, s6;
	s7 =	simm.s32 @p2 $0x1082  }
0x22: {  	[simem:s7], [sflag:s8] =	dma.local @!p0 [hbm:s6], $0xF7A  }
0x23: {  	s9 =	sor.u32 $0xD0000000, s2;
	s6 =	simm.s32 $0x108;
	_ =	swait.ge @!p0 [sflag:s8], $0x0  }
0x24: {  	s3 =	sadd.s32 $0x88, s3;
	s6 =	simm.s32 @!p1 $0x1082;
	[sflag:s4] =	ssyncset.s32 $0xFFFFF086  }
0x25: {  	[simem:s6], [sflag:s4] =	dma.local [hbm:s3], $0xF7A  }
0x26: {  	[smem:$0x3F96] =	sst s1;
	(tag) =	ssettag s2;
	_ =	strace s9  }
0x27: {  	s1 =	sld [smem:$0x3FA6]  }
0x28: {  	s2 =	sld [smem:$0x3FA7]  }
0x29: {  	s4 =	sld [smem:$0x3FA9]  }
0x2a: {  	p0 =	seq.s32 s5, $0x0;
	s5 =	sld [smem:$0x3FAA]  }
0x2b: {  	s6 =	sld [smem:$0x3FAB]  }
0x2c: {  	s7 =	sld [smem:$0x3FAC]  }
0x2d: {  	s3 =	simm.s32 $0x108;
	s8 =	sld [smem:$0x3FAD]  }
0x2e: {  	s3 =	simm.s32 @!p0 $0x1082;
	s9 =	sld [smem:$0x3FAE]  }
0x2f: {  	lr =	sadd.s32 s0, s3;
	s0 =	sld [smem:$0x3FA5]  }
0x30: {  	s3 =	sld [smem:$0x3FA8]  }
0x31: {  	[smem:$0x3FB1] =	sst s10  }
0x32: {  	s10 =	sld [smem:$0x3FAF];
	_ =	sdelay $0x3  }
0x33: {  	p0 =	seq.s32 s10, $0x1;
	s10 =	sld [smem:$0x3FB1];
	_ =	sdelay $0x3  }
0x34: {  	[smem:$0x3FB1] =	sst s10  }
0x35: {  	s10 =	sld [smem:$0x3FB0];
	_ =	sdelay $0x3  }
0x36: {  	p1 =	seq.s32 s10, $0x1;
	s10 =	sld [smem:$0x3FB1];
	_ =	sdelay $0x3  }
0x37: {  	[smem:$0x3FB1] =	sst s10  }
0x38: {  	s10 =	sld [smem:$0x3FB2]  }
0x39: {  	_ = 	snop;
	(pc) =	sbr.ind lr, $3  }
0x3a: {  	_ = 	snop  }
0x3b: {  	_ = 	snop  }
0x3c: {  	p2 =	seq.s32 s10, $0x1;
	s10 =	sld [smem:$0x3FB1]  }
0x3d: {  	_ =	shalt  }
0x3e: {  	_ =	shalt  }
0x3f: {  	_ =	shalt  }
0x40: {  	_ =	shalt  }
0x41: {  	_ =	shalt  }
0x42: {  	_ =	shalt  }
0x43: {  	_ =	shalt  }
0x44: {  	_ =	shalt  }
0x45: {  	_ =	shalt  }
0x46: {  	_ =	shalt  }
0x47: {  	_ =	shalt  }
0x48: {  	_ =	shalt  }
0x49: {  	_ =	shalt  }
0x4a: {  	_ =	shalt  }
0x4b: {  	_ =	shalt  }
0x4c: {  	_ =	shalt  }
0x4d: {  	_ =	shalt  }
0x4e: {  	_ =	shalt  }
0x4f: {  	_ =	shalt  }
0x50: {  	_ =	shalt  }
0x51: {  	_ =	shalt  }
0x52: {  	_ =	shalt  }
0x53: {  	_ =	shalt  }
0x54: {  	_ =	shalt  }
0x55: {  	_ =	shalt  }
0x56: {  	_ =	shalt  }
0x57: {  	_ =	shalt  }
0x58: {  	_ =	shalt  }
0x59: {  	_ =	shalt  }
0x5a: {  	_ =	shalt  }
0x5b: {  	_ =	shalt  }
0x5c: {  	_ =	shalt  }
0x5d: {  	_ =	shalt  }
0x5e: {  	_ =	shalt  }
0x5f: {  	_ =	shalt  }
0x60: {  	_ =	shalt  }
0x61: {  	_ =	shalt  }
0x62: {  	_ =	shalt  }
0x63: {  	_ =	shalt  }
0x64: {  	_ =	shalt  }
0x65: {  	_ =	shalt  }
0x66: {  	_ =	shalt  }
0x67: {  	_ =	shalt  }
0x68: {  	_ =	shalt  }
0x69: {  	_ =	shalt  }
0x6a: {  	_ =	shalt  }
0x6b: {  	_ =	shalt  }
0x6c: {  	_ =	shalt  }
0x6d: {  	_ =	shalt  }
0x6e: {  	_ =	shalt  }
0x6f: {  	_ =	shalt  }
0x70: {  	_ =	shalt  }
0x71: {  	_ =	shalt  }
0x72: {  	_ =	shalt  }
0x73: {  	_ =	shalt  }
0x74: {  	_ =	shalt  }
0x75: {  	_ =	shalt  }
0x76: {  	_ =	shalt  }
0x77: {  	_ =	shalt  }
0x78: {  	_ =	shalt  }
0x79: {  	_ =	shalt  }
0x7a: {  	_ =	shalt  }
0x7b: {  	_ =	shalt  }
0x7c: {  	_ =	shalt  }
0x7d: {  	_ =	shalt  }
0x7e: {  	_ =	shalt  }
0x7f: {  	_ =	shalt  }
0x80: {  	_ =	shalt  }
0x81: {  	_ =	shalt  }
0x82: {  	_ =	shalt  }
0x83: {  	_ =	shalt  }
0x84: {  	_ =	shalt  }
0x85: {  	_ =	shalt  }
0x86: {  	_ =	shalt  }
0x87: {  	_ =	shalt  }
.Lfunc_end0:
.L_simem_size_0:
called_computation.2_lowered:
.L_overlay_start_0:
0x88: {  	s2 =	sld [smem:$0x3FD9]  }
0x89: {  	s3 =	sld [smem:$0x3FFE];
	_ =	sdelay $0x1  }
0x8a: {  	s1 =	srdreg.scid  }
0x8b: {  	s0 =	sand.u32 $0x1, s1  }
0x8c: {  	s17 =	sshll.u32 s0, $0xA;
	s2 =	sadd.s32 s3, s2  }
0x8d: {  	s2 =	sadd.s32 s2, s17  }
0x8e: {  	[smem:$0x3FBD] =	sst s2  }
0x8f: {  	_ = 	snop  }
0x90: {  	s2 =	sld [smem:$0x3FD0];
	(tm) =	ssettm $0x1  }
0x91: {  	s18 =	sld [smem:$0x3FFB];
	_ =	sdelay $0x3  }
0x92: {  	_ =	strace s18  }
0x93: {  	s3 =	sld [smem:$0x3FFC];
	_ =	sdelay $0x3  }
0x94: {  	_ =	strace s3  }
0x95: {  	s3 =	sld [smem:$0x3FFD];
	_ =	sdelay $0x3  }
0x96: {  	_ =	strace s3  }
0x97: {  	_ =	strace $0x8FFFFFFF  }
0x98: {  	s19 =	sld [smem:$0x3FDB];
	_ =	sdelay $0x1  }
0x99: {  	s4 =	simm.s32 $_scs_section_size  }
0x9a: {  	s5 =	simm.s32 $_size__tile_overlayer_lowered;
	s6 =	simm.s32 $_tile_overlayer_lowered  }
0x9b: {  	s22 =	simm.s32 $0x1BFF;
	s21 =	sshll.u32 s6, $0x1;
	s3 =	sadd.s32 s4, s19  }
0x9c: {  	s7 =	simm.s32 $0x0;
	s20 =	sshll.u32 s5, $0x1;
	s5 =	sadd.s32 s21, s3  }
0x9d: {  	[timem:s7], [sflag:s22] =	dma.local [hbm:s5], s20  }
0x9e: {  	_ =	swait.ge [sflag:s22], s20  }
0x9f: {  	s4 =	ssub.s32 $0x0, s20;
	[sflag:s22] =	ssyncset.done $0x0  }
0xa0: {  	[sflag:s22] =	ssyncadd.s32 s4;
	_ =	sdelay $0x1  }
0xa1: {  	s23 =	simm.s32 $0x1B8B  }
0xa2: {  	_ =	swait.ge [sflag:s23], $0x1  }
0xa3: {  	[sflag:s23] =	ssyncset.done $0x0  }
0xa4: {  	s25 =	simm.s32 $0x1B8E;
	s24 =	sld [smem:$0x3FFE];
	[sflag:s23] =	ssyncadd.s32 $0xFFFFFFFF  }
0xa5: {  	s26 =	simm.s32 $execute0_lowered;
	[smem:$0x3FD2] =	sst s25  }
0xa6: {  	s5 =	sshll.u32 s26, $0x1;
	_ =	strace $0x8000004C;
	[dreg:$0x1] =	wrdreg $0xFFFFFFFF  }
0xa7: {  	s28 =	simm.s32 $_size_execute0_lowered;
	s3 =	sadd.s32 s3, s5;
	[dreg:$0x0] =	wrdreg $0x0  }
0xa8: {  	s5 =	sshll.u32 s28, $0x1;
	[dreg:$0x2] =	wrdreg s3  }
0xa9: {  	[dreg:$0x3] =	wrdreg s5  }
0xaa: {  	[dreg:$0x4] =	wrdreg $0xC0  }
0xab: {  	_ =	task [dreg:s7], $0x5FFFF  }
0xac: {  	[dreg:$0x1] =	wrdreg $0xFFFFFFFF  }
0xad: {  	[dreg:$0x0] =	wrdreg $0x60  }
0xae: {  	[dreg:$0x2] =	wrdreg s24  }
0xaf: {  	[dreg:$0x3] =	wrdreg s2  }
0xb0: {  	[dreg:$0x4] =	wrdreg $0x41000  }
0xb1: {  	[dreg:$0x5] =	wrdreg $0x9  }
0xb2: {  	_ =	task.clear_ibuf [dreg:s7], $0x6FFFF;
	_ =	strace $0x9000004C  }
0xb3: {  	s29 =	simm.s32 $0x9;
	_ =	strace $0x8000004E  }
0xb4: {  	_ =	swait.ge [sflag:s29], $0x1  }
0xb5: {  	[sflag:s29] =	ssyncadd.s32 $0xFFFFFFFF  }
0xb6: {  	_ =	strace $0x9000004E  }
0xb7: {  	_ =	sfence  }
0xb8: {  	s30 =	sld [smem:$0x0];
	_ =	sdelay $0x2  }
0xb9: {  	s31 =	sshll.u32 s1, $0xD;
	s1 =	sshrl.u32 s1, $0x2  }
0xba: {  	s3 =	sand.u32 $0x4000, s31;
	s1 =	sadd.s32 s1, s30  }
0xbb: {  	s0 =	sor.u32 s3, s0;
	s1 =	sshll.u32 s1, $0x11  }
0xbc: {  	s0 =	sor.u32 s1, s0  }
0xbd: {  	s0 =	sadd.s32 $0x8F2B, s0  }
0xbe: {  	[sflag:s0] =	ssyncadd.remote.s32 $0x1  }
0xbf: {  	_ =	sfence.sel $0xFFFF  }
0xc0: {  	[dreg:$0x0] =	wrdreg $0xFFFFFFFF;
	(pc) =	sbr.abs _section_cstart, $3  }
0xc1: {  	[dreg:$0x1] =	wrdreg $0xFFFFFFFF  }
0xc2: {  	_ =	task.clear_ibuf [dreg:s7], $0x2FFFF;
	_ =	strace $0x9FFFFFFF  }
0xc3: {  	(tm) =	ssettm $0x7FFFFFFF  }
tec
execute0_lowered:
.L_overlay_start_1:
0x0: {  	(tag) =	ssettag $0x1  }
0x1: {  	s3 =	rddreg [dreg:$0x0]  }
0x2: {  	s4 =	rddreg [dreg:$0x1]  }
0x3: {  	s2 =	rddreg [dreg:$0x2]  }
0x4: {  	s0 =	rddreg [dreg:$0x3];
	s11 =	simm.s32 $0x0;
	s1 =	srdreg.scid  }
0x5: {  	p1 =	por $0x0, $0x0;
	[smem:$0x7FF] =	sst s11;
	s5 =	sand.u32 $0x1, s1  }
0x6: {  	s1 =	stileid.u32;
	s6 =	sadd.s32 $0x40E00, s3;
	s9 =	smul.u32 $0x1388, s5  }
0x7: {  	s17 =	sadd.s32 $0x96000, s2;
	_ =	strace $0x8000004D;
	s8 =	smul.u32 $0x28000, s1  }
0x8: {  	s7 =	sshll.u32 s1, $0xB;
	s10 =	ssub.s32 $0x2, s5;
	s12 =	smul.u32 $0x140, s1  }
0x9: {  	s13 =	sshll.u32 s1, $0x4;
	s5 =	smul.u32 $0x9C400, s5;
	s14 =	sshrl.u32 s10, $0x1  }
0xa: {  	p0 =	seq.s32 s1, $0xF;
	s7 =	sadd.s32 s7, s3;
	s10 =	ssub.s32 s10, s14  }
0xb: {  	s3 =	sadd.s32 s13, s3;
	s12 =	sadd.s32 s12, s9;
	s31 =	smax.u32 s10, $0x1  }
0xc: {  	s8 =	sshrl.u32 s8, $0x2;
	s5 =	sshrl.u32 s5, $0x3;
	s19 =	sadd.s32 $0xFFFFFFFF, s31  }
0xd: {  	s14 =	sadd.s32 $0x40A00, s3;
	v0 =	vmov s9;
	s9 =	simm.s32 $0x100;
	p2 =	sne.s32 s19, $0x0  }
.Ltmp0:
0xe: {  	s16 =	sshll.u32 s12, $0x4;
	s8 =	sadd.s32 s8, s2;
	(pc) =	sbr.rel @!p2 .LBB2_3-.Ltmp0, $4  }
0xf: {  	s5 =	sadd.s32 $0x12C00, s5;
	s12 =	sadd.s32 $0x3600, s7;
	s7 =	sshrl.u32 @p0 s17, $0x3  }
0x10: {  	s10 =	simm.s32 $0x80;
	s13 =	sadd.s32 s6, s16;
	s15 =	sadd.s32 s6, s5  }
0x11: {  	s3 =	sadd.s32 s4, s16;
	s4 =	sadd.s32 s4, s5;
	s5 =	sshll.u32 @!p0 s1, $0x6  }
0x12: {  	s6 =	sshrl.u32 @!p0 s8, $0x3;
	s8 =	simm.s32 $0x1;
	s5 =	sor.u32 @!p0 $0x1C01, s5  }
0x13: {  	s18 =	simm.s32 @p0 $0x1FC1;
	s17 =	simm.s32 @p0 $0x1  }
0x14: {  	[spmem:s7], [sflag:s18] =	dma.local @p0 [hbm:s15], $0xC80  }
0x15: {  	_ =	swait.ge @p0 [sflag:s17], $0xC80  }
0x16: {  	[sflag:s17] =	ssyncset.done @p0 $0x0  }
0x17: {  	s16 =	simm.s32 @!p0 $0x1;
	[sflag:s17] =	ssyncadd.s32 @p0 $0xFFFFF380  }
0x18: {  	[spmem:s6], [sflag:s5] =	dma.local @!p0 [hbm:s13], $0x1400  }
0x19: {  	_ =	swait.ge @!p0 [sflag:s16], $0x1400  }
0x1a: {  	[sflag:s16] =	ssyncset.done @!p0 $0x0  }
0x1b: {  	[sflag:s16] =	ssyncadd.s32 @!p0 $0xFFFFEC00  }
0x1c: {  	[tilespmem:s11], [sflag:$0x1] =	stream.linear.gather [hbm4b:s14+s11], $0x80, $0x38;
	[tilespmem:$0xE100] =	vst v63  }
0x1d: {  	_ =	swait.ge [sflag:s8], $0x80  }
0x1e: {  	[sflag:s8] =	ssyncset.done $0x0  }
0x1f: {  	[sflag:s8] =	ssyncadd.s32 $0xFFFFFF80  }
0x20: {  	[tilespmem:s9], [sflag:$0x1] =	stream.linear.gather [hbm4b:s12+s11], $0x4000, $0x38;
	[tilespmem:$0xE100] =	vst v63  }
0x21: {  	_ =	swait.ge [sflag:s8], $0x4000  }
0x22: {  	[sflag:s8] =	ssyncset.done $0x0  }
0x23: {  	[sflag:s8] =	ssyncadd.s32 $0xFFFFC000  }
0x24: {  	v1 =	vld [tilespmem:$0x40]  }
0x25: {  	v2 =	vld [tilespmem:$0x20]  }
0x26: {  	v3 =	vld [tilespmem:$0x0]  }
0x27: {  	v4 =	vld [tilespmem:$0x10]  }
0x28: {  	v5 =	vld [tilespmem:$0x70]  }
0x29: {  	v6 =	vld [tilespmem:$0x30];
	v1 =	vsub.s32 v1, v0  }
0x2a: {  	v7 =	vld [tilespmem:$0x50];
	v2 =	vsub.s32 v2, v0;
	vm0 =	vlt.u32 v1, $0x1388  }
0x2b: {  	s19 =	sadd.s32 $0xFFFFFFFF, s19;
	v8 =	vld [tilespmem:$0x60];
	v3 =	vsub.s32 v3, v0;
	vm1 =	vlt.u32 v2, $0x1388;
	v1 =	vnsel vm0, $0x13BA, v1  }
0x2c: {  	p2 =	sne.s32 s19, $0x0;
	v4 =	vsub.s32 v4, v0;
	vm0 =	vlt.u32 v3, $0x1388;
	v2 =	vnsel vm1, $0x13BA, v2;
	[tilespmem:$0xC0] =	vst v1  }
.Ltmp1:
0x2d: {  	v1 =	vnsel vm0, $0x13BA, v3;
	vm0 =	vlt.u32 v4, $0x1388;
	[tilespmem:$0xA0] =	vst v2;
	v2 =	vsub.s32 v5, v0;
	(pc) =	sbr.rel @!p2 .LBB2_3-.Ltmp1, $4  }
0x2e: {  	v3 =	vsub.s32 v6, v0;
	[tilespmem:$0x80] =	vst v1;
	v1 =	vnsel vm0, $0x13BA, v4;
	vm0 =	vlt.u32 v2, $0x1388  }
0x2f: {  	v63 =	vsub.s32 v7, v0;
	vm1 =	vlt.u32 v3, $0x1388;
	[tilespmem:$0x90] =	vst v1;
	v2 =	vnsel vm0, $0x13BA, v2  }
0x30: {  	v3 =	vnsel vm1, $0x13BA, v3;
	vm0 =	vlt.u32 v63, $0x1388;
	v1 =	vsub.s32 v8, v0;
	[tilespmem:$0xF0] =	vst v2  }
0x31: {  	p1 =	por $0x1, $0x1;
	[tilespmem:$0xB0] =	vst v3;
	v2 =	vnsel vm0, $0x13BA, v63;
	vm0 =	vlt.u32 v1, $0x1388  }
.LBB2_2:
0x32: {  	s19 =	sadd.s32 $0xFFFFFFFF, s19;
	[tilespmem:$0xD0] =	vst v2;
	v1 =	vnsel vm0, $0x13BA, v1  }
0x33: {  	p2 =	sne.s32 s19, $0x0;
	[tilespmem:$0xE0] =	vst v1  }
0x34: {  	[bflag:$0x0] =	sbarrier.arrive $0xFFFF  }
0x35: {  	[spmem:s2] =	stream.indirect.scatter.add.f32 [tilespmem:s9], [sflag:$0x1], $0x80, s10, s10, $0xb8;
	[tilespmem:$0xE100] =	vst v63  }
0x36: {  	_ =	swait.ge [sflag:s8], $0x4000  }
0x37: {  	[sflag:s8] =	ssyncset.done $0x0  }
0x38: {  	[sflag:s8] =	ssyncadd.s32 $0xFFFFC000  }
0x39: {  	[bflag:$0x0] =	sbarrier.arrive $0xFFFF  }
0x3a: {  	[hbm:s4], [sflag:s18] =	dma.local @p0 [spmem:s7], $0xC80  }
0x3b: {  	_ =	swait.ge @p0 [sflag:s17], $0xC80  }
0x3c: {  	[sflag:s17] =	ssyncset.done @p0 $0x0  }
0x3d: {  	[sflag:s17] =	ssyncadd.s32 @p0 $0xFFFFF380  }
0x3e: {  	[hbm:s3], [sflag:s5] =	dma.local @!p0 [spmem:s6], $0x1400  }
0x3f: {  	_ =	swait.ge @!p0 [sflag:s16], $0x1400  }
0x40: {  	[sflag:s16] =	ssyncset.done @!p0 $0x0  }
0x41: {  	[sflag:s16] =	ssyncadd.s32 @!p0 $0xFFFFEC00  }
0x42: {  	[spmem:s7], [sflag:s18] =	dma.local @p0 [hbm:s15], $0xC80  }
0x43: {  	_ =	swait.ge @p0 [sflag:s17], $0xC80  }
0x44: {  	[sflag:s17] =	ssyncset.done @p0 $0x0  }
0x45: {  	[sflag:s17] =	ssyncadd.s32 @p0 $0xFFFFF380  }
0x46: {  	[spmem:s6], [sflag:s5] =	dma.local @!p0 [hbm:s13], $0x1400  }
0x47: {  	_ =	swait.ge @!p0 [sflag:s16], $0x1400  }
0x48: {  	[sflag:s16] =	ssyncset.done @!p0 $0x0  }
0x49: {  	[sflag:s16] =	ssyncadd.s32 @!p0 $0xFFFFEC00  }
0x4a: {  	[tilespmem:s11], [sflag:$0x1] =	stream.linear.gather [hbm4b:s14+s11], $0x80, $0x38;
	[tilespmem:$0xE100] =	vst v63  }
0x4b: {  	_ =	swait.ge [sflag:s8], $0x80  }
0x4c: {  	[sflag:s8] =	ssyncset.done $0x0  }
0x4d: {  	[sflag:s8] =	ssyncadd.s32 $0xFFFFFF80  }
0x4e: {  	[tilespmem:s9], [sflag:$0x1] =	stream.linear.gather [hbm4b:s12+s11], $0x4000, $0x38;
	[tilespmem:$0xE100] =	vst v63  }
0x4f: {  	_ =	swait.ge [sflag:s8], $0x4000  }
0x50: {  	[sflag:s8] =	ssyncset.done $0x0  }
0x51: {  	[sflag:s8] =	ssyncadd.s32 $0xFFFFC000  }
0x52: {  	v1 =	vld [tilespmem:$0x40]  }
0x53: {  	v2 =	vld [tilespmem:$0x20]  }
0x54: {  	v3 =	vld [tilespmem:$0x0]  }
0x55: {  	v4 =	vld [tilespmem:$0x10]  }
0x56: {  	v5 =	vld [tilespmem:$0x70]  }
0x57: {  	v6 =	vld [tilespmem:$0x30];
	v1 =	vsub.s32 v1, v0  }
0x58: {  	v2 =	vsub.s32 v2, v0;
	vm0 =	vlt.u32 v1, $0x1388;
	v7 =	vld [tilespmem:$0x50]  }
0x59: {  	v3 =	vsub.s32 v3, v0;
	vm1 =	vlt.u32 v2, $0x1388;
	v1 =	vnsel vm0, $0x13BA, v1;
	v8 =	vld [tilespmem:$0x60]  }
0x5a: {  	vm0 =	vlt.u32 v3, $0x1388;
	v4 =	vsub.s32 v4, v0;
	v2 =	vnsel vm1, $0x13BA, v2;
	[tilespmem:$0xC0] =	vst v1  }
.Ltmp2:
0x5b: {  	v1 =	vnsel vm0, $0x13BA, v3;
	vm0 =	vlt.u32 v4, $0x1388;
	[tilespmem:$0xA0] =	vst v2;
	v2 =	vsub.s32 v5, v0;
	(pc) =	sbr.rel @p2 .LBB2_2-.Ltmp2, $4  }
0x5c: {  	[tilespmem:$0x80] =	vst v1;
	v1 =	vnsel vm0, $0x13BA, v4;
	v3 =	vsub.s32 v6, v0;
	vm0 =	vlt.u32 v2, $0x1388  }
0x5d: {  	[tilespmem:$0x90] =	vst v1;
	vm1 =	vlt.u32 v3, $0x1388;
	v4 =	vsub.s32 v7, v0;
	v2 =	vnsel vm0, $0x13BA, v2  }
0x5e: {  	v3 =	vnsel vm1, $0x13BA, v3;
	vm0 =	vlt.u32 v4, $0x1388;
	v1 =	vsub.s32 v8, v0;
	[tilespmem:$0xF0] =	vst v2  }
0x5f: {  	[tilespmem:$0xB0] =	vst v3;
	v2 =	vnsel vm0, $0x13BA, v4;
	vm0 =	vlt.u32 v1, $0x1388  }
.LBB2_3:
0x60: {  	[tilespmem:$0xD0] =	vst @p1 v2;
	v1 =	vnsel @p1 vm0, $0x13BA, v1  }
0x61: {  	[tilespmem:$0xE0] =	vst @p1 v1  }
0x62: {  	[bflag:$0x0] =	sbarrier.arrive @p1 $0xFFFF  }
0x63: {  	[spmem:s2] =	stream.indirect.scatter.add.f32 @p1 [tilespmem:s9], [sflag:$0x1], $0x80, s10, s10, $0xb8;
	[tilespmem:$0xE100] =	vst v63  }
0x64: {  	_ =	swait.ge @p1 [sflag:s8], $0x4000  }
0x65: {  	[sflag:s8] =	ssyncset.done @p1 $0x0  }
0x66: {  	[sflag:s8] =	ssyncadd.s32 @p1 $0xFFFFC000  }
0x67: {  	p2 =	por !p0, !p1;
	[bflag:$0x0] =	sbarrier.arrive @p1 $0xFFFF  }
0x68: {  	[hbm:s4], [sflag:s18] =	dma.local @!p2 [spmem:s7], $0xC80  }
0x69: {  	_ =	swait.ge @!p2 [sflag:s17], $0xC80  }
0x6a: {  	[sflag:s17] =	ssyncset.done @!p2 $0x0  }
0x6b: {  	p1 =	por p0, !p1;
	[sflag:s17] =	ssyncadd.s32 @!p2 $0xFFFFF380  }
0x6c: {  	[hbm:s3], [sflag:s5] =	dma.local @!p1 [spmem:s6], $0x1400  }
0x6d: {  	_ =	swait.ge @!p1 [sflag:s16], $0x1400  }
0x6e: {  	[sflag:s16] =	ssyncset.done @!p1 $0x0  }
0x6f: {  	s18 =	simm.s32 @p0 $0x1FC1;
	s17 =	simm.s32 @p0 $0x1;
	[sflag:s16] =	ssyncadd.s32 @!p1 $0xFFFFEC00  }
0x70: {  	[spmem:s7], [sflag:s18] =	dma.local @p0 [hbm:s15], $0xC80  }
0x71: {  	_ =	swait.ge @p0 [sflag:s17], $0xC80  }
0x72: {  	[sflag:s17] =	ssyncset.done @p0 $0x0  }
0x73: {  	s15 =	simm.s32 @!p0 $0x1;
	[sflag:s17] =	ssyncadd.s32 @p0 $0xFFFFF380  }
0x74: {  	[spmem:s6], [sflag:s5] =	dma.local @!p0 [hbm:s13], $0x1400  }
0x75: {  	_ =	swait.ge @!p0 [sflag:s15], $0x1400  }
0x76: {  	[sflag:s15] =	ssyncset.done @!p0 $0x0  }
0x77: {  	[sflag:s15] =	ssyncadd.s32 @!p0 $0xFFFFEC00  }
0x78: {  	[tilespmem:s11], [sflag:$0x1] =	stream.linear.gather [hbm4b:s14+s11], $0x80, $0x38;
	[tilespmem:$0xE100] =	vst v63  }
0x79: {  	_ =	swait.ge [sflag:s8], $0x80  }
0x7a: {  	[sflag:s8] =	ssyncset.done $0x0  }
0x7b: {  	[sflag:s8] =	ssyncadd.s32 $0xFFFFFF80  }
0x7c: {  	[tilespmem:s9], [sflag:$0x1] =	stream.linear.gather [hbm4b:s12+s11], $0x4000, $0x38;
	[tilespmem:$0xE100] =	vst v63  }
0x7d: {  	_ =	swait.ge [sflag:s8], $0x4000  }
0x7e: {  	[sflag:s8] =	ssyncset.done $0x0  }
0x7f: {  	[sflag:s8] =	ssyncadd.s32 $0xFFFFC000  }
0x80: {  	v56 =	vld [tilespmem:$0x40]  }
0x81: {  	v57 =	vld [tilespmem:$0x20]  }
0x82: {  	v3 =	vld [tilespmem:$0x0]  }
0x83: {  	v4 =	vld [tilespmem:$0x10]  }
0x84: {  	v6 =	vld [tilespmem:$0x30]  }
0x85: {  	v8 =	vld [tilespmem:$0x60];
	v1 =	vsub.s32 v56, v0  }
0x86: {  	v5 =	vld [tilespmem:$0x70];
	v2 =	vsub.s32 v57, v0;
	vm9 =	vlt.u32 v1, $0x1388  }
0x87: {  	v7 =	vld [tilespmem:$0x50];
	v3 =	vsub.s32 v3, v0;
	vm1 =	vlt.u32 v2, $0x1388;
	v1 =	vnsel vm9, $0x13BA, v1  }
0x88: {  	v4 =	vsub.s32 v4, v0;
	vm10 =	vlt.u32 v3, $0x1388;
	v2 =	vnsel vm1, $0x13BA, v2;
	[tilespmem:$0xC0] =	vst v1  }
0x89: {  	v61 =	vsub.s32 v6, v0;
	vm11 =	vlt.u32 v4, $0x1388;
	v58 =	vnsel vm10, $0x13BA, v3;
	[tilespmem:$0xA0] =	vst v2  }
0x8a: {  	v63 =	vsub.s32 v8, v0;
	vm13 =	vlt.u32 v61, $0x1388;
	v60 =	vnsel vm11, $0x13BA, v4;
	[tilespmem:$0x80] =	vst v58  }
0x8b: {  	v59 =	vsub.s32 v5, v0;
	vm15 =	vlt.u32 v63, $0x1388;
	v3 =	vnsel vm13, $0x13BA, v61;
	[tilespmem:$0x90] =	vst v60  }
0x8c: {  	v62 =	vsub.s32 v7, v0;
	vm12 =	vlt.u32 v59, $0x1388;
	v0 =	vnsel vm15, $0x13BA, v63;
	[tilespmem:$0xB0] =	vst v3  }
0x8d: {  	vm14 =	vlt.u32 v62, $0x1388;
	v2 =	vnsel vm12, $0x13BA, v59;
	[tilespmem:$0xE0] =	vst v0  }
0x8e: {  	v1 =	vnsel vm14, $0x13BA, v62;
	[tilespmem:$0xF0] =	vst v2  }
0x8f: {  	[tilespmem:$0xD0] =	vst v1  }
0x90: {  	[bflag:$0x0] =	sbarrier.arrive $0xFFFF  }
0x91: {  	[spmem:s2] =	stream.indirect.scatter.add.f32 [tilespmem:s9], [sflag:$0x1], $0x80, s10, s10, $0xb8;
	[tilespmem:$0xE100] =	vst v63  }
0x92: {  	_ =	swait.ge [sflag:s8], $0x4000  }
0x93: {  	[sflag:s8] =	ssyncset.done $0x0  }
0x94: {  	[sflag:s8] =	ssyncadd.s32 $0xFFFFC000  }
0x95: {  	[bflag:$0x0] =	sbarrier.arrive $0xFFFF  }
0x96: {  	[hbm:s4], [sflag:s18] =	dma.local @p0 [spmem:s7], $0xC80  }
0x97: {  	_ =	swait.ge @p0 [sflag:s17], $0xC80  }
0x98: {  	[sflag:s17] =	ssyncset.done @p0 $0x0  }
0x99: {  	[sflag:s17] =	ssyncadd.s32 @p0 $0xFFFFF380  }
0x9a: {  	[hbm:s3], [sflag:s5] =	dma.local @!p0 [spmem:s6], $0x1400  }
0x9b: {  	_ =	swait.ge @!p0 [sflag:s15], $0x1400  }
0x9c: {  	[sflag:s15] =	ssyncset.done @!p0 $0x0  }
0x9d: {  	[sflag:s15] =	ssyncadd.s32 @!p0 $0xFFFFEC00  }
0x9e: {  	_ =	sfence.sel $0x180000  }
0x9f: {  	[bflag:$0x0] =	sbarrier.arrive $0xFFFF  }
0xa0: {  	p0 =	sne.s32 s1, $0x0;
	_ =	strace $0x9000004D  }
0xa1: {  	s0 =	sadd.s32 @!p0 $0x100000, s0;
	[bflag:$0x2] =	sbarrier.arrive $0xFFFF  }
0xa2: {  	[sflag:s0] =	ssyncadd.tile.s32 @!p0 $0x1;
	_ =	shalt  }
.Lfunc_end2:
_tile_overlayer_lowered:
.L_overlay_start_2:
0xa3: {  	(tag) =	ssettag $0x2  }
0xa4: {  	s0 =	rddreg [dreg:$0x0];
	s2 =	stileid.u32  }
0xa5: {  	s1 =	rddreg [dreg:$0x1];
	p0 =	sne.s32 s2, $0x0  }
0xa6: {  	s3 =	rddreg [dreg:$0x2];
	[bflag:$0x3] =	sbarrier.arrive $0xFFFF;
	s2 =	simm.s32 @!p0 $0x1C01  }
0xa7: {  	[timem:s3], [sflag:s2] =	dma.local @!p0 [hbm:s0], s1  }
0xa8: {  	s0 =	simm.s32 @!p0 $0x1  }
0xa9: {  	_ =	swait.ge @!p0 [sflag:s0], s1  }
0xaa: {  	s1 =	ssub.s32 @!p0 $0x0, s1;
	[sflag:s0] =	ssyncset.done @!p0 $0x0  }
0xab: {  	[sflag:s0] =	ssyncadd.s32 @!p0 s1  }
0xac: {  	[bflag:$0x3] =	sbarrier.arrive $0xFFFF  }
0xad: {  	_ =	shalt  }

// kernel: kernel.7.cloned.1.call-start
scs
__scs_entry_jumppad:
0x0: {  	(pc) =	sbr.rel $0x88, $3  }
0x1: {  	(tag) =	ssettag $0x0;
	lr =	simm.s32 $0x1  }
0x2: {  	[smem:$0x3F96] =	sst lr;
	_ =	strace $0xD0000000  }
0x3: {  	_ = 	snop  }
0x4: {  	_ = 	snop  }
0x5: {  	_ = 	snop  }
0x6: {  	_ = 	snop  }
0x7: {  	_ = 	snop  }
__scs_overlays_trampoline_lowered:
0x8: {  	[smem:$0x3FA5] =	sst s0  }
0x9: {  	[smem:$0x3FA6] =	sst s1  }
0xa: {  	[smem:$0x3FA7] =	sst s2  }
0xb: {  	[smem:$0x3FA8] =	sst s3  }
0xc: {  	[smem:$0x3FA9] =	sst s4  }
0xd: {  	[smem:$0x3FAA] =	sst s5  }
0xe: {  	[smem:$0x3FAB] =	sst s6  }
0xf: {  	[smem:$0x3FAC] =	sst s7  }
0x10: {  	[smem:$0x3FAD] =	sst s8  }
0x11: {  	[smem:$0x3FAE] =	sst s9;
	s0 =	simm.s32 @!p0 $0x0  }
0x12: {  	s1 =	sld [smem:$0x3F94];
	s0 =	simm.s32 @p0 $0x1  }
0x13: {  	[smem:$0x3FAF] =	sst s0;
	s0 =	simm.s32 @!p1 $0x0  }
0x14: {  	s2 =	sld [smem:$0x3F93];
	s0 =	simm.s32 @p1 $0x1  }
0x15: {  	[smem:$0x3FB0] =	sst s0;
	s0 =	simm.s32 @!p2 $0x0  }
0x16: {  	s3 =	sld [smem:$0x3FDB];
	s0 =	simm.s32 @p2 $0x1  }
0x17: {  	s4 =	simm.s32 $0x1BF5;
	[smem:$0x3FB2] =	sst s0  }
0x18: {  	s0 =	sld [smem:$0x3F95];
	_ =	swait.ge [sflag:s4], $0x0  }
0x19: {  	s7 =	sld [smem:$0x3F96]  }
0x1a: {  	s8 =	sadd.s32 $0xFFFFE003, lr  }
0x1b: {  	s9 =	sadd.s32 $0xFFFFFEF7, lr;
	s5 =	simm.s32 $0xFFFFFFFF;
	p2 =	slt.u32 s8, $0xFFFFF086  }
0x1c: {  	p1 =	slt.u32 s9, $0xF7A;
	s5 =	simm.s32 @!p2 $0x0  }
0x1d: {  	s5 =	simm.s32 @p1 $0x1;
	p0 =	seq.s32 s7, s2  }
0x1e: {  	s7 =	smul.u32 @!p0 $0xF7A, s2;
	p2 =	seq.s32 @!p0 s5, $0x0  }
0x1f: {  	s9 =	smul.u32 $0xF7A, s1;
	s8 =	simm.s32 @!p0 $0x1BF5;
	p2 =	por !p2, p0  }
0x20: {  	[sflag:s8] =	ssyncset.s32 @!p0 $0xFFFFF086;
	s6 =	sadd.s32 @!p0 s3, s7;
	s7 =	simm.s32 @!p0 $0x108  }
0x21: {  	s3 =	sadd.s32 s3, s9;
	s6 =	sadd.s32 @!p0 $0x88, s6;
	s7 =	simm.s32 @p2 $0x1082  }
0x22: {  	[simem:s7], [sflag:s8] =	dma.local @!p0 [hbm:s6], $0xF7A  }
0x23: {  	s9 =	sor.u32 $0xD0000000, s2;
	s6 =	simm.s32 $0x108;
	_ =	swait.ge @!p0 [sflag:s8], $0x0  }
0x24: {  	s3 =	sadd.s32 $0x88, s3;
	s6 =	simm.s32 @!p1 $0x1082;
	[sflag:s4] =	ssyncset.s32 $0xFFFFF086  }
0x25: {  	[simem:s6], [sflag:s4] =	dma.local [hbm:s3], $0xF7A  }
0x26: {  	[smem:$0x3F96] =	sst s1;
	(tag) =	ssettag s2;
	_ =	strace s9  }
0x27: {  	s1 =	sld [smem:$0x3FA6]  }
0x28: {  	s2 =	sld [smem:$0x3FA7]  }
0x29: {  	s4 =	sld [smem:$0x3FA9]  }
0x2a: {  	p0 =	seq.s32 s5, $0x0;
	s5 =	sld [smem:$0x3FAA]  }
0x2b: {  	s6 =	sld [smem:$0x3FAB]  }
0x2c: {  	s7 =	sld [smem:$0x3FAC]  }
0x2d: {  	s3 =	simm.s32 $0x108;
	s8 =	sld [smem:$0x3FAD]  }
0x2e: {  	s3 =	simm.s32 @!p0 $0x1082;
	s9 =	sld [smem:$0x3FAE]  }
0x2f: {  	lr =	sadd.s32 s0, s3;
	s0 =	sld [smem:$0x3FA5]  }
0x30: {  	s3 =	sld [smem:$0x3FA8]  }
0x31: {  	[smem:$0x3FB1] =	sst s10  }
0x32: {  	s10 =	sld [smem:$0x3FAF];
	_ =	sdelay $0x3  }
0x33: {  	p0 =	seq.s32 s10, $0x1;
	s10 =	sld [smem:$0x3FB1];
	_ =	sdelay $0x3  }
0x34: {  	[smem:$0x3FB1] =	sst s10  }
0x35: {  	s10 =	sld [smem:$0x3FB0];
	_ =	sdelay $0x3  }
0x36: {  	p1 =	seq.s32 s10, $0x1;
	s10 =	sld [smem:$0x3FB1];
	_ =	sdelay $0x3  }
0x37: {  	[smem:$0x3FB1] =	sst s10  }
0x38: {  	s10 =	sld [smem:$0x3FB2]  }
0x39: {  	_ = 	snop;
	(pc) =	sbr.ind lr, $3  }
0x3a: {  	_ = 	snop  }
0x3b: {  	_ = 	snop  }
0x3c: {  	p2 =	seq.s32 s10, $0x1;
	s10 =	sld [smem:$0x3FB1]  }
0x3d: {  	_ =	shalt  }
0x3e: {  	_ =	shalt  }
0x3f: {  	_ =	shalt  }
0x40: {  	_ =	shalt  }
0x41: {  	_ =	shalt  }
0x42: {  	_ =	shalt  }
0x43: {  	_ =	shalt  }
0x44: {  	_ =	shalt  }
0x45: {  	_ =	shalt  }
0x46: {  	_ =	shalt  }
0x47: {  	_ =	shalt  }
0x48: {  	_ =	shalt  }
0x49: {  	_ =	shalt  }
0x4a: {  	_ =	shalt  }
0x4b: {  	_ =	shalt  }
0x4c: {  	_ =	shalt  }
0x4d: {  	_ =	shalt  }
0x4e: {  	_ =	shalt  }
0x4f: {  	_ =	shalt  }
0x50: {  	_ =	shalt  }
0x51: {  	_ =	shalt  }
0x52: {  	_ =	shalt  }
0x53: {  	_ =	shalt  }
0x54: {  	_ =	shalt  }
0x55: {  	_ =	shalt  }
0x56: {  	_ =	shalt  }
0x57: {  	_ =	shalt  }
0x58: {  	_ =	shalt  }
0x59: {  	_ =	shalt  }
0x5a: {  	_ =	shalt  }
0x5b: {  	_ =	shalt  }
0x5c: {  	_ =	shalt  }
0x5d: {  	_ =	shalt  }
0x5e: {  	_ =	shalt  }
0x5f: {  	_ =	shalt  }
0x60: {  	_ =	shalt  }
0x61: {  	_ =	shalt  }
0x62: {  	_ =	shalt  }
0x63: {  	_ =	shalt  }
0x64: {  	_ =	shalt  }
0x65: {  	_ =	shalt  }
0x66: {  	_ =	shalt  }
0x67: {  	_ =	shalt  }
0x68: {  	_ =	shalt  }
0x69: {  	_ =	shalt  }
0x6a: {  	_ =	shalt  }
0x6b: {  	_ =	shalt  }
0x6c: {  	_ =	shalt  }
0x6d: {  	_ =	shalt  }
0x6e: {  	_ =	shalt  }
0x6f: {  	_ =	shalt  }
0x70: {  	_ =	shalt  }
0x71: {  	_ =	shalt  }
0x72: {  	_ =	shalt  }
0x73: {  	_ =	shalt  }
0x74: {  	_ =	shalt  }
0x75: {  	_ =	shalt  }
0x76: {  	_ =	shalt  }
0x77: {  	_ =	shalt  }
0x78: {  	_ =	shalt  }
0x79: {  	_ =	shalt  }
0x7a: {  	_ =	shalt  }
0x7b: {  	_ =	shalt  }
0x7c: {  	_ =	shalt  }
0x7d: {  	_ =	shalt  }
0x7e: {  	_ =	shalt  }
0x7f: {  	_ =	shalt  }
0x80: {  	_ =	shalt  }
0x81: {  	_ =	shalt  }
0x82: {  	_ =	shalt  }
0x83: {  	_ =	shalt  }
0x84: {  	_ =	shalt  }
0x85: {  	_ =	shalt  }
0x86: {  	_ =	shalt  }
0x87: {  	_ =	shalt  }
.Lfunc_end0:
.L_simem_size_0:
called_computation_lowered:
.L_overlay_start_0:
0x88: {  	s2 =	sld [smem:$0x3FD9]  }
0x89: {  	s3 =	sld [smem:$0x3FFE];
	_ =	sdelay $0x1  }
0x8a: {  	s1 =	srdreg.scid  }
0x8b: {  	s0 =	sand.u32 $0x1, s1  }
0x8c: {  	s17 =	sshll.u32 s0, $0xA;
	s2 =	sadd.s32 s3, s2  }
0x8d: {  	s2 =	sadd.s32 s2, s17  }
0x8e: {  	[smem:$0x3FBD] =	sst s2  }
0x8f: {  	_ = 	snop  }
0x90: {  	s2 =	sld [smem:$0x3FC9]  }
0x91: {  	s18 =	sld [smem:$0x3FD0];
	(tm) =	ssettm $0x1  }
0x92: {  	s4 =	sld [smem:$0x3FFB];
	_ =	sdelay $0x3  }
0x93: {  	_ =	strace s4  }
0x94: {  	s4 =	sld [smem:$0x3FFC];
	_ =	sdelay $0x3  }
0x95: {  	_ =	strace s4  }
0x96: {  	s4 =	sld [smem:$0x3FFD];
	_ =	sdelay $0x3  }
0x97: {  	_ =	strace s4  }
0x98: {  	_ =	strace $0x8FFFFFFF  }
0x99: {  	s19 =	sld [smem:$0x3FDB];
	_ =	sdelay $0x1  }
0x9a: {  	s5 =	simm.s32 $_scs_section_size  }
0x9b: {  	s6 =	simm.s32 $_size__tile_overlayer_lowered;
	s7 =	simm.s32 $_tile_overlayer_lowered  }
0x9c: {  	s22 =	simm.s32 $0x1BFF;
	s21 =	sshll.u32 s7, $0x1;
	s4 =	sadd.s32 s5, s19  }
0x9d: {  	s8 =	simm.s32 $0x0;
	s20 =	sshll.u32 s6, $0x1;
	s6 =	sadd.s32 s21, s4  }
0x9e: {  	[timem:s8], [sflag:s22] =	dma.local [hbm:s6], s20  }
0x9f: {  	_ =	swait.ge [sflag:s22], s20  }
0xa0: {  	s5 =	ssub.s32 $0x0, s20;
	[sflag:s22] =	ssyncset.done $0x0  }
0xa1: {  	[sflag:s22] =	ssyncadd.s32 s5;
	_ =	sdelay $0x1  }
0xa2: {  	s23 =	simm.s32 $0x1B8B  }
0xa3: {  	_ =	swait.ge [sflag:s23], $0x1  }
0xa4: {  	[sflag:s23] =	ssyncset.done $0x0  }
0xa5: {  	s25 =	simm.s32 $0x1B8E;
	s24 =	sld [smem:$0x3FFE];
	[sflag:s23] =	ssyncadd.s32 $0xFFFFFFFF  }
0xa6: {  	s26 =	simm.s32 $execute0_lowered;
	[smem:$0x3FD2] =	sst s25  }
0xa7: {  	s6 =	sshll.u32 s26, $0x1;
	_ =	strace $0x80000046;
	[dreg:$0x1] =	wrdreg $0xFFFFFFFF  }
0xa8: {  	s28 =	simm.s32 $_size_execute0_lowered;
	s4 =	sadd.s32 s4, s6;
	[dreg:$0x0] =	wrdreg $0x0  }
0xa9: {  	s6 =	sshll.u32 s28, $0x1;
	[dreg:$0x2] =	wrdreg s4  }
0xaa: {  	[dreg:$0x3] =	wrdreg s6  }
0xab: {  	[dreg:$0x4] =	wrdreg $0xC0  }
0xac: {  	_ =	task [dreg:s8], $0x5FFFF  }
0xad: {  	[dreg:$0x1] =	wrdreg $0xFFFFFFFF  }
0xae: {  	[dreg:$0x0] =	wrdreg $0x60  }
0xaf: {  	[dreg:$0x2] =	wrdreg s2  }
0xb0: {  	[dreg:$0x3] =	wrdreg s24  }
0xb1: {  	[dreg:$0x4] =	wrdreg s18  }
0xb2: {  	[dreg:$0x5] =	wrdreg $0x88000  }
0xb3: {  	[dreg:$0x6] =	wrdreg $0x9  }
0xb4: {  	_ =	task.clear_ibuf [dreg:s8], $0x7FFFF;
	_ =	strace $0x90000046  }
0xb5: {  	s29 =	simm.s32 $0x9;
	_ =	strace $0x80000048  }
0xb6: {  	_ =	swait.ge [sflag:s29], $0x1  }
0xb7: {  	[sflag:s29] =	ssyncadd.s32 $0xFFFFFFFF  }
0xb8: {  	_ =	strace $0x90000048  }
0xb9: {  	_ =	sfence  }
0xba: {  	s30 =	sld [smem:$0x0];
	_ =	sdelay $0x2  }
0xbb: {  	s31 =	sshll.u32 s1, $0xD;
	s1 =	sshrl.u32 s1, $0x2  }
0xbc: {  	s3 =	sand.u32 $0x4000, s31;
	s1 =	sadd.s32 s1, s30  }
0xbd: {  	s0 =	sor.u32 s3, s0;
	s1 =	sshll.u32 s1, $0x11  }
0xbe: {  	s0 =	sor.u32 s1, s0  }
0xbf: {  	s0 =	sadd.s32 $0x8F2B, s0  }
0xc0: {  	[sflag:s0] =	ssyncadd.remote.s32 $0x1  }
0xc1: {  	_ =	sfence.sel $0xFFFF  }
0xc2: {  	[dreg:$0x0] =	wrdreg $0xFFFFFFFF;
	(pc) =	sbr.abs _section_cstart, $3  }
0xc3: {  	[dreg:$0x1] =	wrdreg $0xFFFFFFFF  }
0xc4: {  	_ =	task.clear_ibuf [dreg:s8], $0x2FFFF;
	_ =	strace $0x9FFFFFFF  }
0xc5: {  	(tm) =	ssettm $0x7FFFFFFF  }
tec
execute0_lowered:
.L_overlay_start_1:
0x0: {  	(tag) =	ssettag $0x1  }
0x1: {  	s1 =	rddreg [dreg:$0x0]  }
0x2: {  	s0 =	rddreg [dreg:$0x1]  }
0x3: {  	s13 =	stileid.u32;
	s2 =	rddreg [dreg:$0x2]  }
0x4: {  	s3 =	rddreg [dreg:$0x3];
	s6 =	simm.s32 $0x0;
	s18 =	srdreg.scid  }
0x5: {  	s29 =	simm.s32 $0x4800;
	s30 =	simm.s32 $0x3;
	s31 =	simm.s32 $0x600  }
0x6: {  	s16 =	simm.s32 $0x480;
	s14 =	simm.s32 $0x580;
	s17 =	simm.s32 $0x0  }
0x7: {  	s4 =	smin.u32 s13, $0xE;
	s5 =	smax.u32 s13, $0xE;
	[smem:$0x7FF] =	sst s6  }
0x8: {  	s6 =	sand.u32 $0x1, s18;
	s7 =	sadd.s32 $0x17000, s0;
	s11 =	smul.u32 $0x13, s13  }
0x9: {  	p0 =	sgt.u32 s13, $0xD;
	p5 =	slt.u32 s13, $0xE;
	p1 =	seq.s32 s13, $0x0  }
0xa: {  	s22 =	sadd.s32 $0x16E40, s0;
	s25 =	sshll.u32 s13, $0x6;
	s4 =	smul.u32 $0x270, s4  }
0xb: {  	s18 =	simm.s32 $0x100;
	s5 =	smul.u32 $0x278, s5;
	_ =	strace $0x80000047  }
0xc: {  	[dreg:$0x5] =	wrdreg s7;
	s19 =	ssub.s32 $0x2, s6;
	p3 =	seq.s32 s6, $0x0  }
0xd: {  	p4 =	seq.s32 s6, $0x1;
	[dreg:$0x9] =	wrdreg s22;
	s28 =	sor.u32 $0x1C07, s25  }
0xe: {  	s22 =	simm.s32 $0x5;
	s25 =	simm.s32 $0x800;
	s10 =	sshrl.u32 s19, $0x1  }
0xf: {  	s7 =	sadd.s32 $0x140, s11;
	p1 =	por !p1, !p4;
	p2 =	por !p3, !p5  }
0x10: {  	p5 =	por !p5, !p4;
	p4 =	por !p4, !p0;
	s11 =	simm.s32 $0x380  }
0x11: {  	[dreg:$0xe] =	wrdreg s28;
	s4 =	sadd.s32 s4, s5;
	s5 =	sadd.s32 $0x3600, s0  }
0x12: {  	s12 =	ssub.s32 s19, s10;
	s10 =	smul.u32 $0x14, s13;
	p1 =	por !p1, !p1  }
0x13: {  	p2 =	por !p2, !p2;
	p5 =	por !p5, !p5;
	p4 =	por !p4, !p4  }
0x14: {  	s13 =	simm.s32 $0x780;
	s19 =	simm.s32 $0x180;
	s4 =	sadd.s32 $0xFFFFDD70, s4  }
0x15: {  	s26 =	smax.u32 s12, $0x1;
	s12 =	simm.s32 $0x700;
	s8 =	sshll.u32 s4, $0x4  }
0x16: {  	s4 =	sshll.u32 s4, $0x7;
	s7 =	smov.u32 @p3 s10;
	p3 =	por !p3, !p0  }
0x17: {  	[dreg:$0xd] =	wrdreg s26;
	s26 =	simm.s32 $0x6;
	s9 =	sadd.s32 s8, s0  }
0x18: {  	s4 =	sand.u32 $0x3FFFFC00, s4;
	s10 =	sshll.u32 s7, $0x6;
	s0 =	sadd.s32 $0xD200, s0  }
0x19: {  	s23 =	sadd.s32 s2, s8;
	p3 =	por !p3, !p3;
	s2 =	simm.s32 $0x4  }
0x1a: {  	s4 =	sadd.s32 s4, s3;
	s20 =	sadd.s32 s5, s10;
	[dreg:$0xa] =	wrdreg s0  }
0x1b: {  	s10 =	ssub.s32 $0x14, s6;
	[dreg:$0xb] =	wrdreg s23;
	s24 =	sadd.s32 $0x19800, s9  }
0x1c: {  	s23 =	simm.s32 $0x80;
	p5 =	por !p5, p3;
	[dreg:$0x7] =	wrdreg s20  }
.Ltmp0:
0x1d: {  	s9 =	simm.s32 $0x1;
	[dreg:$0xc] =	wrdreg s24;
	(pc) =	sbr.rel .LBB2_1-.Ltmp0, $4  }
0x1e: {  	s6 =	simm.s32 $0x500;
	s21 =	sadd.s32 $0x9C40, s20;
	[dreg:$0x6] =	wrdreg s4  }
0x1f: {  	s0 =	sshrl.u32 @p0 s4, $0x3;
	s20 =	simm.s32 $0x400;
	[dreg:$0x8] =	wrdreg s21  }
0x20: {  	[dreg:$0xf] =	wrdreg s0;
	s0 =	sshrl.u32 @!p0 s4, $0x3;
	s21 =	simm.s32 $0x2  }
0x21: {  	s4 =	simm.s32 $0x300;
	[dreg:$0x10] =	wrdreg s0;
	s0 =	simm.s32 $0x680  }
.LBB2_6:
0x22: {  	_ =	swait.ge [sflag:s22], $0x4000  }
0x23: {  	[sflag:s22] =	ssyncset.done $0x0  }
0x24: {  	[sflag:s22] =	ssyncadd.s32 $0xFFFFC000  }
0x25: {  	_ =	swait.ge [sflag:s26], $0x4000  }
0x26: {  	[sflag:s26] =	ssyncset.done $0x0  }
0x27: {  	s8 =	simm.s32 @p1 $0x0;
	s15 =	rddreg [dreg:$0x9];
	[sflag:s26] =	ssyncadd.s32 $0xFFFFC000  }
0x28: {  	[tilespmem:s8], [sflag:$0x7] =	stream.linear.gather @p1 [hbm4b:s15+s8], $0x200, $0x38;
	[tilespmem:$0x1C080] =	vst v63  }
0x29: {  	s15 =	simm.s32 @p1 $0x7  }
0x2a: {  	_ =	swait.ge @p1 [sflag:s15], $0x200  }
0x2b: {  	[sflag:s15] =	ssyncset.done @p1 $0x0  }
0x2c: {  	s17 =	simm.s32 @p1 $0x400;
	s24 =	rddreg [dreg:$0xa];
	[sflag:s15] =	ssyncadd.s32 @p1 $0xFFFFFE00  }
0x2d: {  	[tilespmem:s17], [sflag:$0x7] =	stream.linear.gather @p1 [hbm4b:s24+s8], $0x200, $0x38;
	[tilespmem:$0x1C080] =	vst v63  }
0x2e: {  	_ =	swait.ge @p1 [sflag:s15], $0x200  }
0x2f: {  	[sflag:s15] =	ssyncset.done @p1 $0x0  }
0x30: {  	s28 =	simm.s32 @p1 $0x800;
	s24 =	simm.s32 @p1 $0x80;
	[sflag:s15] =	ssyncadd.s32 @p1 $0xFFFFFE00  }
0x31: {  	[tilespmem:s28], [sflag:$0x7] =	stream.indirect.gather @p1 [hbm4b:s1+s24], $0x80, s8, s24, $0xb8;
	[tilespmem:$0x1C080] =	vst v63  }
0x32: {  	_ =	swait.ge @p1 [sflag:s15], $0x4000  }
0x33: {  	[sflag:s15] =	ssyncset.done @p1 $0x0  }
0x34: {  	[sflag:s15] =	ssyncadd.s32 @p1 $0xFFFFC000  }
0x35: {  	[spmem:s3] =	stream.indirect.scatter.add.f32 @p1 [tilespmem:s28], [sflag:$0x7], $0x80, s17, s24, $0xb8;
	[tilespmem:$0x1C080] =	vst v63  }
0x36: {  	_ =	swait.ge @p1 [sflag:s15], $0x4000  }
0x37: {  	[sflag:s15] =	ssyncset.done @p1 $0x0  }
0x38: {  	s8 =	simm.s32 @p1 $0x4800;
	[sflag:s15] =	ssyncadd.s32 @p1 $0xFFFFC000  }
0x39: {  	[tilespmem:s8], [sflag:$0x7] =	stream.indirect.gather @p1 [hbm4b:s1+s24], $0x80, s24, s24, $0xb8;
	[tilespmem:$0x1C080] =	vst v63  }
0x3a: {  	_ =	swait.ge @p1 [sflag:s15], $0x4000  }
0x3b: {  	[sflag:s15] =	ssyncset.done @p1 $0x0  }
0x3c: {  	s17 =	simm.s32 @p1 $0x480;
	[sflag:s15] =	ssyncadd.s32 @p1 $0xFFFFC000  }
0x3d: {  	[spmem:s3] =	stream.indirect.scatter.add.f32 @p1 [tilespmem:s8], [sflag:$0x7], $0x80, s17, s24, $0xb8;
	[tilespmem:$0x1C080] =	vst v63  }
0x3e: {  	_ =	swait.ge @p1 [sflag:s15], $0x4000  }
0x3f: {  	[sflag:s15] =	ssyncset.done @p1 $0x0  }
0x40: {  	s17 =	simm.s32 @p1 $0x100;
	[sflag:s15] =	ssyncadd.s32 @p1 $0xFFFFC000  }
0x41: {  	[tilespmem:s28], [sflag:$0x7] =	stream.indirect.gather @p1 [hbm4b:s1+s24], $0x80, s17, s24, $0xb8;
	[tilespmem:$0x1C080] =	vst v63  }
0x42: {  	_ =	swait.ge @p1 [sflag:s15], $0x4000  }
0x43: {  	[sflag:s15] =	ssyncset.done @p1 $0x0  }
0x44: {  	s17 =	simm.s32 @p1 $0x500;
	[sflag:s15] =	ssyncadd.s32 @p1 $0xFFFFC000  }
0x45: {  	[spmem:s3] =	stream.indirect.scatter.add.f32 @p1 [tilespmem:s28], [sflag:$0x7], $0x80, s17, s24, $0xb8;
	[tilespmem:$0x1C080] =	vst v63  }
0x46: {  	_ =	swait.ge @p1 [sflag:s15], $0x4000  }
0x47: {  	[sflag:s15] =	ssyncset.done @p1 $0x0  }
0x48: {  	s17 =	simm.s32 @p1 $0x180;
	[sflag:s15] =	ssyncadd.s32 @p1 $0xFFFFC000  }
0x49: {  	[tilespmem:s8], [sflag:$0x7] =	stream.indirect.gather @p1 [hbm4b:s1+s24], $0x80, s17, s24, $0xb8;
	[tilespmem:$0x1C080] =	vst v63  }
0x4a: {  	_ =	swait.ge @p1 [sflag:s15], $0x4000  }
0x4b: {  	[sflag:s15] =	ssyncset.done @p1 $0x0  }
0x4c: {  	s17 =	simm.s32 @p1 $0x580;
	[sflag:s15] =	ssyncadd.s32 @p1 $0xFFFFC000  }
0x4d: {  	[spmem:s3] =	stream.indirect.scatter.add.f32 @p1 [tilespmem:s8], [sflag:$0x7], $0x80, s17, s24, $0xb8;
	[tilespmem:$0x1C080] =	vst v63  }
0x4e: {  	_ =	swait.ge @p1 [sflag:s15], $0x4000  }
0x4f: {  	[sflag:s15] =	ssyncset.done @p1 $0x0  }
0x50: {  	[sflag:s15] =	ssyncadd.s32 @p1 $0xFFFFC000  }
0x51: {  	[bflag:$0x0] =	sbarrier.arrive $0xFFFF  }
0x52: {  	s15 =	rddreg [dreg:$0x6]  }
0x53: {  	s17 =	rddreg [dreg:$0xb]  }
0x54: {  	s28 =	rddreg [dreg:$0xe];
	s8 =	sshrl.u32 @p2 s15, $0x3  }
0x55: {  	[hbm:s17], [sflag:s28] =	dma.local @p2 [spmem:s8], $0x2700  }
0x56: {  	s8 =	simm.s32 @p2 $0x7  }
0x57: {  	_ =	swait.ge @p2 [sflag:s8], $0x2700  }
0x58: {  	[sflag:s8] =	ssyncset.done @p2 $0x0  }
0x59: {  	s24 =	rddreg [dreg:$0xc];
	[sflag:s8] =	ssyncadd.s32 @p2 $0xFFFFD900;
	s8 =	sshrl.u32 @!p5 s15, $0x3  }
0x5a: {  	[hbm:s24], [sflag:s28] =	dma.local @!p5 [spmem:s8], $0x2700  }
0x5b: {  	s8 =	simm.s32 @!p5 $0x7  }
0x5c: {  	_ =	swait.ge @!p5 [sflag:s8], $0x2700  }
0x5d: {  	[sflag:s8] =	ssyncset.done @!p5 $0x0  }
0x5e: {  	[sflag:s8] =	ssyncadd.s32 @!p5 $0xFFFFD900;
	s8 =	sshrl.u32 @p3 s15, $0x3  }
0x5f: {  	[hbm:s17], [sflag:s28] =	dma.local @p3 [spmem:s8], $0x2780  }
0x60: {  	s8 =	simm.s32 @p3 $0x7  }
0x61: {  	_ =	swait.ge @p3 [sflag:s8], $0x2780  }
0x62: {  	[sflag:s8] =	ssyncset.done @p3 $0x0  }
0x63: {  	[sflag:s8] =	ssyncadd.s32 @p3 $0xFFFFD880;
	s8 =	sshrl.u32 @p4 s15, $0x3  }
0x64: {  	[hbm:s24], [sflag:s28] =	dma.local @p4 [spmem:s8], $0x2780  }
0x65: {  	s8 =	simm.s32 @p4 $0x7  }
0x66: {  	_ =	swait.ge @p4 [sflag:s8], $0x2780  }
0x67: {  	s15 =	rddreg [dreg:$0x11]  }
0x68: {  	s24 =	rddreg [dreg:$0xd];
	s17 =	sadd.s32 $0x1, s15  }
0x69: {  	p6 =	sne.s32 s17, s24  }
.Ltmp1:
0x6a: {  	_ = 	snop;
	(pc) =	sbr.rel @!p6 .LBB2_7-.Ltmp1, $3  }
0x6b: {  	_ =	sdelay $0x1  }
0x6c: {  	[sflag:s8] =	ssyncset.done @p4 $0x0  }
0x6d: {  	[sflag:s8] =	ssyncadd.s32 @p4 $0xFFFFD880  }
.LBB2_1:
0x6e: {  	[dreg:$0x11] =	wrdreg s17  }
0x6f: {  	s15 =	rddreg [dreg:$0x5]  }
0x70: {  	s8 =	rddreg [dreg:$0xf]  }
0x71: {  	[spmem:s8], [sflag:s28] =	dma.local @p0 [hbm:s15], $0x2780  }
0x72: {  	s8 =	simm.s32 @p0 $0x7  }
0x73: {  	_ =	swait.ge @p0 [sflag:s8], $0x2780  }
0x74: {  	[sflag:s8] =	ssyncset.done @p0 $0x0  }
0x75: {  	[sflag:s8] =	ssyncadd.s32 @p0 $0xFFFFD880;
	s8 =	rddreg [dreg:$0x10]  }
0x76: {  	[spmem:s8], [sflag:s28] =	dma.local @!p0 [hbm:s15], $0x2700  }
0x77: {  	s8 =	simm.s32 @!p0 $0x7  }
0x78: {  	_ =	swait.ge @!p0 [sflag:s8], $0x2700  }
0x79: {  	[sflag:s8] =	ssyncset.done @!p0 $0x0  }
0x7a: {  	[sflag:s8] =	ssyncadd.s32 @!p0 $0xFFFFD900  }
.Ltmp2:
0x7b: {  	[bflag:$0x0] =	sbarrier.arrive $0xFFFF;
	(pc) =	sbr.rel .LBB2_2-.Ltmp2, $4  }
0x7c: {  	s17 =	simm.s32 $0x0;
	s24 =	rddreg [dreg:$0x8]  }
0x7d: {  	[tilespmem:s17], [sflag:$0x1] =	stream.linear.gather [hbm4b:s24+s17], $0x200, $0x38;
	[tilespmem:$0x1C080] =	vst v63  }
0x7e: {  	s8 =	simm.s32 $0x0;
	s28 =	rddreg [dreg:$0x7]  }
0x7f: {  	[tilespmem:s20], [sflag:$0x1] =	stream.linear.gather [hbm4b:s28+s17], $0x200, $0x38;
	[tilespmem:$0x1C080] =	vst v63  }
.LBB2_4:
0x80: {  	_ =	swait.ge [sflag:s21], $0x200  }
0x81: {  	[sflag:s21] =	ssyncset.done $0x0  }
0x82: {  	[sflag:s21] =	ssyncadd.s32 $0xFFFFFE00  }
0x83: {  	_ =	swait.ge [sflag:s21], $0x200  }
0x84: {  	[sflag:s21] =	ssyncset.done $0x0  }
0x85: {  	[sflag:s21] =	ssyncadd.s32 $0xFFFFFE00  }
0x86: {  	_ =	swait.ge [sflag:s22], $0x4000  }
0x87: {  	s8 =	sadd.s32 $0x1, s8;
	[sflag:s22] =	ssyncset.done $0x0  }
0x88: {  	s15 =	simm.s32 $0x200;
	p6 =	sge.u32 s8, s10;
	[sflag:s22] =	ssyncadd.s32 $0xFFFFC000  }
0x89: {  	[tilespmem:s25], [sflag:$0x3] =	stream.indirect.gather [hbm4b:s1+s23], $0x80, s15, s23, $0xb8;
	[tilespmem:$0x1C080] =	vst v63  }
0x8a: {  	s15 =	sadd.s32 @!p6 s7, s8  }
0x8b: {  	_ =	swait.ge [sflag:s26], $0x4000;
	s15 =	sshll.u32 @!p6 s15, $0x6  }
0x8c: {  	[sflag:s26] =	ssyncset.done $0x0;
	s17 =	sand.u32 @!p6 $0x1FFFFFC0, s15  }
0x8d: {  	s28 =	simm.s32 $0x280;
	[sflag:s26] =	ssyncadd.s32 $0xFFFFC000;
	s17 =	sadd.s32 @!p6 s5, s17  }
0x8e: {  	[tilespmem:s29], [sflag:$0x4] =	stream.indirect.gather [hbm4b:s1+s23], $0x80, s28, s23, $0xb8;
	[tilespmem:$0x1C080] =	vst v63  }
0x8f: {  	s24 =	simm.s32 @!p6 $0x0;
	s17 =	sadd.s32 @!p6 $0x9C40, s17  }
0x90: {  	[tilespmem:s24], [sflag:$0x1] =	stream.linear.gather @!p6 [hbm4b:s17+s24], $0x200, $0x38;
	[tilespmem:$0x1C080] =	vst v63  }
0x91: {  	s15 =	sadd.s32 @!p6 s5, s15;
	s17 =	simm.s32 @!p6 $0x400  }
0x92: {  	[tilespmem:s17], [sflag:$0x1] =	stream.linear.gather @!p6 [hbm4b:s15+s24], $0x200, $0x38;
	[tilespmem:$0x1C080] =	vst v63  }
0x93: {  	_ =	swait.ge [sflag:s30], $0x4000  }
0x94: {  	[sflag:s30] =	ssyncset.done $0x0  }
0x95: {  	[sflag:s30] =	ssyncadd.s32 $0xFFFFC000  }
0x96: {  	[spmem:s3] =	stream.indirect.scatter.add.f32 [tilespmem:s25], [sflag:$0x5], $0x80, s31, s23, $0xb8;
	[tilespmem:$0x1C080] =	vst v63  }
0x97: {  	_ =	swait.ge [sflag:s2], $0x4000  }
0x98: {  	[sflag:s2] =	ssyncset.done $0x0  }
0x99: {  	[sflag:s2] =	ssyncadd.s32 $0xFFFFC000  }
0x9a: {  	[spmem:s3] =	stream.indirect.scatter.add.f32 [tilespmem:s29], [sflag:$0x6], $0x80, s0, s23, $0xb8;
	[tilespmem:$0x1C080] =	vst v63  }
0x9b: {  	_ =	swait.ge [sflag:s22], $0x4000  }
0x9c: {  	[sflag:s22] =	ssyncset.done $0x0  }
0x9d: {  	[sflag:s22] =	ssyncadd.s32 $0xFFFFC000  }
0x9e: {  	[tilespmem:s25], [sflag:$0x3] =	stream.indirect.gather [hbm4b:s1+s23], $0x80, s4, s23, $0xb8;
	[tilespmem:$0x1C080] =	vst v63  }
0x9f: {  	_ =	swait.ge [sflag:s26], $0x4000  }
0xa0: {  	[sflag:s26] =	ssyncset.done $0x0  }
0xa1: {  	[sflag:s26] =	ssyncadd.s32 $0xFFFFC000  }
0xa2: {  	[tilespmem:s29], [sflag:$0x4] =	stream.indirect.gather [hbm4b:s1+s23], $0x80, s11, s23, $0xb8;
	[tilespmem:$0x1C080] =	vst v63  }
0xa3: {  	_ =	swait.ge [sflag:s30], $0x4000  }
0xa4: {  	[sflag:s30] =	ssyncset.done $0x0  }
0xa5: {  	[sflag:s30] =	ssyncadd.s32 $0xFFFFC000  }
0xa6: {  	[spmem:s3] =	stream.indirect.scatter.add.f32 [tilespmem:s25], [sflag:$0x5], $0x80, s12, s23, $0xb8;
	[tilespmem:$0x1C080] =	vst v63  }
0xa7: {  	_ =	swait.ge [sflag:s2], $0x4000  }
0xa8: {  	[sflag:s2] =	ssyncset.done $0x0  }
0xa9: {  	[sflag:s2] =	ssyncadd.s32 $0xFFFFC000  }
0xaa: {  	[spmem:s3] =	stream.indirect.scatter.add.f32 [tilespmem:s29], [sflag:$0x6], $0x80, s13, s23, $0xb8;
	[tilespmem:$0x1C080] =	vst v63  }
.LBB2_5:
0xab: {  	p6 =	sne.s32 s8, s10  }
.Ltmp3:
0xac: {  	_ = 	snop;
	(pc) =	sbr.rel @!p6 .LBB2_6-.Ltmp3, $1  }
0xad: {  	_ =	sdelay $0x3  }
.LBB2_2:
0xae: {  	s17 =	sand.u32 $0x1, s8  }
0xaf: {  	p6 =	seq.s32 s17, $0x1  }
.Ltmp4:
0xb0: {  	_ = 	snop;
	(pc) =	sbr.rel @p6 .LBB2_4-.Ltmp4, $1  }
0xb1: {  	_ =	sdelay $0x3  }
0xb2: {  	_ =	swait.ge [sflag:s9], $0x200  }
0xb3: {  	[sflag:s9] =	ssyncset.done $0x0  }
0xb4: {  	[sflag:s9] =	ssyncadd.s32 $0xFFFFFE00  }
0xb5: {  	p6 =	seq.s32 s8, $0x0;
	_ =	swait.ge [sflag:s9], $0x200  }
0xb6: {  	s17 =	simm.s32 @p6 $0x80;
	[sflag:s9] =	ssyncset.done $0x0  }
0xb7: {  	s15 =	simm.s32 @p6 $0x0;
	s24 =	simm.s32 @p6 $0x800;
	[sflag:s9] =	ssyncadd.s32 $0xFFFFFE00  }
0xb8: {  	[tilespmem:s24], [sflag:$0x3] =	stream.indirect.gather @p6 [hbm4b:s1+s17], $0x80, s15, s17, $0xb8;
	[tilespmem:$0x1C080] =	vst v63  }
0xb9: {  	s15 =	simm.s32 @!p6 $0x5  }
0xba: {  	_ =	swait.ge @!p6 [sflag:s15], $0x4000  }
0xbb: {  	s17 =	simm.s32 @!p6 $0x0;
	[sflag:s15] =	ssyncset.done @!p6 $0x0  }
0xbc: {  	s24 =	simm.s32 @!p6 $0x800;
	[sflag:s15] =	ssyncadd.s32 @!p6 $0xFFFFC000;
	s15 =	simm.s32 @!p6 $0x80  }
0xbd: {  	[tilespmem:s24], [sflag:$0x3] =	stream.indirect.gather @!p6 [hbm4b:s1+s15], $0x80, s17, s15, $0xb8;
	[tilespmem:$0x1C080] =	vst v63  }
0xbe: {  	s15 =	simm.s32 @!p6 $0x6  }
0xbf: {  	_ =	swait.ge @!p6 [sflag:s15], $0x4000  }
0xc0: {  	s8 =	sor.u32 $0x1, s8;
	[sflag:s15] =	ssyncset.done @!p6 $0x0  }
0xc1: {  	[sflag:s15] =	ssyncadd.s32 @!p6 $0xFFFFC000;
	p6 =	sge.u32 s8, s10  }
0xc2: {  	[tilespmem:s29], [sflag:$0x4] =	stream.indirect.gather [hbm4b:s1+s23], $0x80, s23, s23, $0xb8;
	[tilespmem:$0x1C080] =	vst v63  }
0xc3: {  	s15 =	sadd.s32 @!p6 s7, s8  }
0xc4: {  	s15 =	sshll.u32 @!p6 s15, $0x6  }
0xc5: {  	s17 =	sand.u32 @!p6 $0x1FFFFFC0, s15  }
0xc6: {  	s17 =	sadd.s32 @!p6 s5, s17  }
0xc7: {  	s24 =	simm.s32 @!p6 $0x0;
	s28 =	simm.s32 @!p6 $0x200;
	s17 =	sadd.s32 @!p6 $0x9C40, s17  }
0xc8: {  	[tilespmem:s28], [sflag:$0x2] =	stream.linear.gather @!p6 [hbm4b:s17+s24], $0x200, $0x38;
	[tilespmem:$0x1C080] =	vst v63  }
0xc9: {  	s15 =	sadd.s32 @!p6 s5, s15;
	s17 =	simm.s32 @!p6 $0x600  }
0xca: {  	[tilespmem:s17], [sflag:$0x2] =	stream.linear.gather @!p6 [hbm4b:s15+s24], $0x200, $0x38;
	[tilespmem:$0x1C080] =	vst v63  }
0xcb: {  	_ =	swait.ge [sflag:s30], $0x4000  }
0xcc: {  	[sflag:s30] =	ssyncset.done $0x0  }
0xcd: {  	[sflag:s30] =	ssyncadd.s32 $0xFFFFC000  }
0xce: {  	[spmem:s3] =	stream.indirect.scatter.add.f32 [tilespmem:s25], [sflag:$0x5], $0x80, s20, s23, $0xb8;
	[tilespmem:$0x1C080] =	vst v63  }
0xcf: {  	_ =	swait.ge [sflag:s2], $0x4000  }
0xd0: {  	[sflag:s2] =	ssyncset.done $0x0  }
0xd1: {  	[sflag:s2] =	ssyncadd.s32 $0xFFFFC000  }
0xd2: {  	[spmem:s3] =	stream.indirect.scatter.add.f32 [tilespmem:s29], [sflag:$0x6], $0x80, s16, s23, $0xb8;
	[tilespmem:$0x1C080] =	vst v63  }
0xd3: {  	_ =	swait.ge [sflag:s22], $0x4000  }
0xd4: {  	[sflag:s22] =	ssyncset.done $0x0  }
0xd5: {  	[sflag:s22] =	ssyncadd.s32 $0xFFFFC000  }
0xd6: {  	[tilespmem:s25], [sflag:$0x3] =	stream.indirect.gather [hbm4b:s1+s23], $0x80, s18, s23, $0xb8;
	[tilespmem:$0x1C080] =	vst v63  }
0xd7: {  	_ =	swait.ge [sflag:s26], $0x4000  }
0xd8: {  	[sflag:s26] =	ssyncset.done $0x0  }
0xd9: {  	[sflag:s26] =	ssyncadd.s32 $0xFFFFC000  }
0xda: {  	[tilespmem:s29], [sflag:$0x4] =	stream.indirect.gather [hbm4b:s1+s23], $0x80, s19, s23, $0xb8;
	[tilespmem:$0x1C080] =	vst v63  }
0xdb: {  	_ =	swait.ge [sflag:s30], $0x4000  }
0xdc: {  	[sflag:s30] =	ssyncset.done $0x0  }
0xdd: {  	[sflag:s30] =	ssyncadd.s32 $0xFFFFC000  }
0xde: {  	[spmem:s3] =	stream.indirect.scatter.add.f32 [tilespmem:s25], [sflag:$0x5], $0x80, s6, s23, $0xb8;
	[tilespmem:$0x1C080] =	vst v63  }
.Ltmp5:
0xdf: {  	_ = 	snop;
	(pc) =	sbr.rel .LBB2_5-.Ltmp5, $4  }
0xe0: {  	_ =	swait.ge [sflag:s2], $0x4000  }
0xe1: {  	[sflag:s2] =	ssyncset.done $0x0  }
0xe2: {  	[sflag:s2] =	ssyncadd.s32 $0xFFFFC000  }
0xe3: {  	[spmem:s3] =	stream.indirect.scatter.add.f32 [tilespmem:s29], [sflag:$0x6], $0x80, s14, s23, $0xb8;
	[tilespmem:$0x1C080] =	vst v63  }
.LBB2_7:
0xe4: {  	_ =	sfence.sel $0x180000  }
0xe5: {  	[bflag:$0x0] =	sbarrier.arrive $0xFFFF  }
0xe6: {  	_ =	strace $0x90000047  }
0xe7: {  	s0 =	stileid.u32;
	[bflag:$0x2] =	sbarrier.arrive $0xFFFF  }
0xe8: {  	p0 =	sne.s32 s0, $0x0;
	s0 =	rddreg [dreg:$0x4]  }
0xe9: {  	s0 =	sadd.s32 @!p0 $0x100000, s0  }
0xea: {  	[sflag:s0] =	ssyncadd.tile.s32 @!p0 $0x1;
	_ =	shalt  }
.Lfunc_end2:
_tile_overlayer_lowered:
.L_overlay_start_2:
0xeb: {  	(tag) =	ssettag $0x2  }
0xec: {  	s0 =	rddreg [dreg:$0x0];
	s2 =	stileid.u32  }
0xed: {  	s1 =	rddreg [dreg:$0x1];
	p0 =	sne.s32 s2, $0x0  }
0xee: {  	s3 =	rddreg [dreg:$0x2];
	[bflag:$0x3] =	sbarrier.arrive $0xFFFF;
	s2 =	simm.s32 @!p0 $0x1C07  }
0xef: {  	[timem:s3], [sflag:s2] =	dma.local @!p0 [hbm:s0], s1  }
0xf0: {  	s0 =	simm.s32 @!p0 $0x7  }
0xf1: {  	_ =	swait.ge @!p0 [sflag:s0], s1  }
0xf2: {  	s1 =	ssub.s32 @!p0 $0x0, s1;
	[sflag:s0] =	ssyncset.done @!p0 $0x0  }
0xf3: {  	[sflag:s0] =	ssyncadd.s32 @!p0 s1  }
0xf4: {  	[bflag:$0x3] =	sbarrier.arrive $0xFFFF  }
0xf5: {  	_ =	shalt  }

</sc_bundles>
